<compile_context>
chip_gen: v7x
topology: tpu7x:2x2x1
jax: 0.10.2.dev20260603
libtpu: 0.0.44.dev20260713+nightly
codegen_flags: <defaults>
</compile_context>

<pallas_src>
import functools

import jax
import jax.numpy as jnp
from jax import lax
from jax.experimental import pallas as pl
from jax.experimental.pallas import tpu as pltpu
from jax.experimental.pallas import tpu_sc as plsc

D_MODEL = 1024
MAX_LEN = 2048
BATCH = 4
LANES = 16
N_WORKERS = 32
P_PER_W = MAX_LEN // N_WORKERS
CHUNK = 16
N_QUADS = P_PER_W // CHUNK
N_CHUNKS = N_QUADS * BATCH
N_RB = 4
GROUPS = D_MODEL // LANES
SCALE = 32.0

_mesh = plsc.VectorSubcoreMesh(core_axis_name="c", subcore_axis_name="s")


@functools.partial(
    pl.kernel,
    mesh=_mesh,
    out_type=jax.ShapeDtypeStruct((BATCH, MAX_LEN, D_MODEL), jnp.float32),
    scratch_types=[
        pltpu.VMEM((BATCH, P_PER_W), jnp.int32),
        pltpu.VMEM((N_RB, CHUNK, D_MODEL), jnp.float32),
        pltpu.VMEM((2, CHUNK, D_MODEL), jnp.float32),
        [pltpu.SemaphoreType.DMA] * 2,
        [pltpu.SemaphoreType.DMA] * N_RB,
        [pltpu.SemaphoreType.DMA] * N_RB,
    ],
)
def _emb_pe_kernel(x_hbm, table_hbm, pe_hbm, out_hbm,
                   idx_v, rows_v, pe_v, sem_pe, sem_g, sem_o):
    cid = lax.axis_index("c")
    sid = lax.axis_index("s")
    wid = sid * 2 + cid
    p0 = pl.multiple_of(wid * P_PER_W, P_PER_W)

    for qb in range(BATCH):
        pltpu.sync_copy(x_hbm.at[qb, pl.ds(p0, P_PER_W)], idx_v.at[qb])

    def issue_pe(q, s):
        off = pl.multiple_of(p0 + q * CHUNK, CHUNK)
        pltpu.async_copy(pe_hbm.at[pl.ds(off, CHUNK)], pe_v.at[s], sem_pe[s])

    def wait_pe(s):
        pltpu.make_async_copy(pe_hbm.at[pl.ds(0, CHUNK)], pe_v.at[s],
                              sem_pe[s]).wait()

    def issue_gather(pblk, qb, b):
        off = pl.multiple_of(pblk * CHUNK, CHUNK)
        pltpu.async_copy(table_hbm.at[idx_v.at[qb, pl.ds(off, CHUNK)]],
                         rows_v.at[b], sem_g[b])

    def issue_out(pblk, qb, b):
        off = pl.multiple_of(p0 + pblk * CHUNK, CHUNK)
        pltpu.async_copy(rows_v.at[b], out_hbm.at[qb, pl.ds(off, CHUNK)],
                         sem_o[b])

    def wait_gather(b):
        pltpu.make_async_copy(table_hbm.at[pl.ds(0, CHUNK)],
                              rows_v.at[b], sem_g[b]).wait()

    def wait_out(b):
        pltpu.make_async_copy(rows_v.at[b], out_hbm.at[0, pl.ds(0, CHUNK)],
                              sem_o[b]).wait()

    issue_pe(0, 0)
    issue_gather(0, 0, 0)
    issue_gather(0, 1, 1)

    def pair_body(ip, carry):
        for qq in range(2):
            q = ip * 2 + qq

            @pl.when(q < N_QUADS - 1)
            def _():
                issue_pe(q + 1, 1 - qq)

            wait_pe(qq)

            for b in range(N_RB):
                c = q * N_RB + b
                pblk2 = q + (b + 2) // 4
                qb2 = (b + 2) % 4

                @pl.when((c >= 2) & (c < N_CHUNKS - 2))
                def _():
                    wait_out((b + 2) % N_RB)

                @pl.when(c < N_CHUNKS - 2)
                def _():
                    issue_gather(pblk2, qb2, (b + 2) % N_RB)

                wait_gather(b)

                @plsc.parallel_loop(0, CHUNK * GROUPS, step=1, unroll=4)
                def _(t):
                    j = t // GROUPS
                    l = t - j * GROUPS
                    sl = pl.ds(l * LANES, LANES)
                    rows_v[b, j, sl] = (rows_v[b, j, sl] * SCALE
                                        + pe_v[qq, j, sl])

                issue_out(q, b, b)
        return carry

    lax.fori_loop(0, N_QUADS // 2, pair_body, 0, unroll=False)

    for b in range(N_RB):
        wait_out(b)


def kernel(x, table, pe):
    xf = x.reshape(BATCH, MAX_LEN).astype(jnp.int32)
    pef = pe.reshape(MAX_LEN, D_MODEL)
    return _emb_pe_kernel(xf, table, pef)

# --- scband reference (transcript-rebuilt; emitter-appended) ---
"""Pipeline reference for scband-pre-layer-91199335563700 (READ-ONLY COPY).

The authoritative reference and input builder live on the scoring server;
editing this copy changes nothing except your own understanding.
"""

import jax, jax.numpy as jnp
import numpy as np

D_MODEL = 1024
MAX_LEN = 2048
VOCAB = 100000
BATCH = 4


def _create_positional_encoding(d_model, max_len):
    pe = np.zeros((max_len, d_model), dtype=np.float32)
    position = np.arange(0, max_len, dtype=np.float32)[:, None]
    div_term = np.exp(np.arange(0, d_model, 2, dtype=np.float32) * (-np.log(10000.0) / d_model))
    pe[:, 0::2] = np.sin(position * div_term)
    pe[:, 1::2] = np.cos(position * div_term)
    return jnp.asarray(pe)[None, :, :]  # [1, max_len, d_model]


def setup_inputs(seed: int = 0) -> dict:
    key = jax.random.key(seed)
    k_idx, k_tab = jax.random.split(key)
    x = jax.random.randint(k_idx, (BATCH, MAX_LEN), 0, VOCAB, dtype=jnp.int64 if jax.config.jax_enable_x64 else jnp.int32)
    table = jax.random.normal(k_tab, (VOCAB, D_MODEL), dtype=jnp.float32)
    pe = _create_positional_encoding(D_MODEL, MAX_LEN)
    return {"x": x, "table": table, "pe": pe}


def reference(x, table, pe):
    # embedding lookup (gather) scaled by sqrt(d_model)
    emb = jnp.take(table, x, axis=0) * jnp.sqrt(jnp.float32(D_MODEL))
    out = emb + pe  # broadcast add of positional encoding
    # dropout is identity in inference/reference mode
    return out

if __name__ == "__main__":
    import jax
    _d = setup_inputs()
    print(jax.jit(kernel)(*tuple(_d.values())))

</pallas_src>

<mosaic_0001>
#map = affine_map<(d0, d1) -> (0, 0)>
#map1 = affine_map<(d0, d1) -> (0, 0, 0)>
module attributes {stable_mosaic.version = 14 : i64} {
  func.func @_emb_pe_kernel(%arg0: i32, %arg1: i32, %arg2: memref<4x2048xi32, #tpu.memory_space<hbm>>, %arg3: memref<100000x1024xf32, #tpu.memory_space<hbm>>, %arg4: memref<2048x1024xf32, #tpu.memory_space<hbm>>, %arg5: memref<4x2048x1024xf32, #tpu.memory_space<hbm>>, %arg6: memref<4x64xi32, #tpu.memory_space<vmem>>, %arg7: memref<4x16x1024xf32, #tpu.memory_space<vmem>>, %arg8: memref<2x16x1024xf32, #tpu.memory_space<vmem>>, %arg9: memref<!tpu.dma_semaphore, #tpu.memory_space<semaphore_mem>>, %arg10: memref<!tpu.dma_semaphore, #tpu.memory_space<semaphore_mem>>, %arg11: memref<!tpu.dma_semaphore, #tpu.memory_space<semaphore_mem>>, %arg12: memref<!tpu.dma_semaphore, #tpu.memory_space<semaphore_mem>>, %arg13: memref<!tpu.dma_semaphore, #tpu.memory_space<semaphore_mem>>, %arg14: memref<!tpu.dma_semaphore, #tpu.memory_space<semaphore_mem>>, %arg15: memref<!tpu.dma_semaphore, #tpu.memory_space<semaphore_mem>>, %arg16: memref<!tpu.dma_semaphore, #tpu.memory_space<semaphore_mem>>, %arg17: memref<!tpu.dma_semaphore, #tpu.memory_space<semaphore_mem>>, %arg18: memref<!tpu.dma_semaphore, #tpu.memory_space<semaphore_mem>>) attributes {dimension_semantics = [#tpu.dimension_semantics<core_parallel>, #tpu.dimension_semantics<subcore_parallel>], iteration_bounds = array<i64: 2, 16>, scalar_prefetch = 0 : i64, scratch_operands = 13 : i64, tpu.core_type = #tpu.core_type<sc_vector_subcore>, window_params = [{transform_indices = #map}, {transform_indices = #map}, {transform_indices = #map}, {transform_indices = #map1}]} {
    %mul3A = arith.constant 2 : i32
    %mul3A_0 = arith.muli %arg1, %mul3A : i32
    %add3A = arith.addi %mul3A_0, %arg0 : i32
    %mul3A_1 = arith.constant 64 : i32
    %mul3A_2 = arith.muli %add3A, %mul3A_1 : i32
    %multiple_of3A = tpu.assume_multiple %mul3A_2, 64 : i32
    %run_scoped3A = arith.constant 0 : i32
    %run_scoped3A_3 = arith.constant 0 : i32
    "tpu.region"() ({
      %run_scoped3A_127 = tpu.sem_alloc : memref<!tpu.dma_semaphore, #tpu.memory_space<semaphore_mem>>
      %dma_start3A_128 = arith.constant 0 : i32
      %dma_start3A_129 = tpu.memref_slice %arg6[%run_scoped3A_3, %dma_start3A_128] : memref<4x64xi32, #tpu.memory_space<vmem>> -> memref<1x64xi32, #tpu.memory_space<vmem>>
      %dma_start3A_130 = tpu.memref_squeeze %dma_start3A_129 : memref<1x64xi32, #tpu.memory_space<vmem>> -> memref<64xi32, #tpu.memory_space<vmem>>
      %dma_start3A_131 = tpu.memref_slice %arg2[%run_scoped3A, %multiple_of3A] : memref<4x2048xi32, #tpu.memory_space<hbm>> -> memref<1x64xi32, #tpu.memory_space<hbm>>
      %dma_start3A_132 = tpu.memref_squeeze %dma_start3A_131 : memref<1x64xi32, #tpu.memory_space<hbm>> -> memref<64xi32, #tpu.memory_space<hbm>>
      %dma_start3A_133 = arith.constant 0 : i32
      %dma_start3A_134 = tpu.memref_slice %arg6[%run_scoped3A_3, %dma_start3A_133] : memref<4x64xi32, #tpu.memory_space<vmem>> -> memref<1x64xi32, #tpu.memory_space<vmem>>
      %dma_start3A_135 = tpu.memref_squeeze %dma_start3A_134 : memref<1x64xi32, #tpu.memory_space<vmem>> -> memref<64xi32, #tpu.memory_space<vmem>>
      %dma_start3A_136 = tpu.memref_slice %arg2[%run_scoped3A, %multiple_of3A] : memref<4x2048xi32, #tpu.memory_space<hbm>> -> memref<1x64xi32, #tpu.memory_space<hbm>>
      %dma_start3A_137 = tpu.memref_squeeze %dma_start3A_136 : memref<1x64xi32, #tpu.memory_space<hbm>> -> memref<64xi32, #tpu.memory_space<hbm>>
      tpu.enqueue_dma source(%dma_start3A_137 : memref<64xi32, #tpu.memory_space<hbm>>) target(%dma_start3A_135 : memref<64xi32, #tpu.memory_space<vmem>>) target_semaphore(%run_scoped3A_127 : memref<!tpu.dma_semaphore, #tpu.memory_space<semaphore_mem>>)
      %dma_wait3A_138 = arith.constant 0 : i32
      %dma_wait3A_139 = tpu.memref_slice %arg6[%run_scoped3A_3, %dma_wait3A_138] : memref<4x64xi32, #tpu.memory_space<vmem>> -> memref<1x64xi32, #tpu.memory_space<vmem>>
      %dma_wait3A_140 = tpu.memref_squeeze %dma_wait3A_139 : memref<1x64xi32, #tpu.memory_space<vmem>> -> memref<64xi32, #tpu.memory_space<vmem>>
      %dma_wait3A_141 = tpu.memref_slice %arg2[%run_scoped3A, %multiple_of3A] : memref<4x2048xi32, #tpu.memory_space<hbm>> -> memref<1x64xi32, #tpu.memory_space<hbm>>
      %dma_wait3A_142 = tpu.memref_squeeze %dma_wait3A_141 : memref<1x64xi32, #tpu.memory_space<hbm>> -> memref<64xi32, #tpu.memory_space<hbm>>
      %dma_wait3A_143 = arith.constant 0 : i32
      %dma_wait3A_144 = tpu.memref_slice %arg6[%run_scoped3A_3, %dma_wait3A_143] : memref<4x64xi32, #tpu.memory_space<vmem>> -> memref<1x64xi32, #tpu.memory_space<vmem>>
      %dma_wait3A_145 = tpu.memref_squeeze %dma_wait3A_144 : memref<1x64xi32, #tpu.memory_space<vmem>> -> memref<64xi32, #tpu.memory_space<vmem>>
      %dma_wait3A_146 = tpu.memref_slice %arg2[%run_scoped3A, %multiple_of3A] : memref<4x2048xi32, #tpu.memory_space<hbm>> -> memref<1x64xi32, #tpu.memory_space<hbm>>
      %dma_wait3A_147 = tpu.memref_squeeze %dma_wait3A_146 : memref<1x64xi32, #tpu.memory_space<hbm>> -> memref<64xi32, #tpu.memory_space<hbm>>
      tpu.wait_dma2 semaphore(%run_scoped3A_127 : memref<!tpu.dma_semaphore, #tpu.memory_space<semaphore_mem>>) src(%dma_wait3A_147 : memref<64xi32, #tpu.memory_space<hbm>>) dst(%dma_wait3A_145 : memref<64xi32, #tpu.memory_space<vmem>>)
      tpu.yield
    }) : () -> ()
    %run_scoped3A_4 = arith.constant 1 : i32
    %run_scoped3A_5 = arith.constant 1 : i32
    "tpu.region"() ({
      %run_scoped3A_127 = tpu.sem_alloc : memref<!tpu.dma_semaphore, #tpu.memory_space<semaphore_mem>>
      %dma_start3A_128 = arith.constant 0 : i32
      %dma_start3A_129 = tpu.memref_slice %arg6[%run_scoped3A_5, %dma_start3A_128] : memref<4x64xi32, #tpu.memory_space<vmem>> -> memref<1x64xi32, #tpu.memory_space<vmem>>
      %dma_start3A_130 = tpu.memref_squeeze %dma_start3A_129 : memref<1x64xi32, #tpu.memory_space<vmem>> -> memref<64xi32, #tpu.memory_space<vmem>>
      %dma_start3A_131 = tpu.memref_slice %arg2[%run_scoped3A_4, %multiple_of3A] : memref<4x2048xi32, #tpu.memory_space<hbm>> -> memref<1x64xi32, #tpu.memory_space<hbm>>
      %dma_start3A_132 = tpu.memref_squeeze %dma_start3A_131 : memref<1x64xi32, #tpu.memory_space<hbm>> -> memref<64xi32, #tpu.memory_space<hbm>>
      %dma_start3A_133 = arith.constant 0 : i32
      %dma_start3A_134 = tpu.memref_slice %arg6[%run_scoped3A_5, %dma_start3A_133] : memref<4x64xi32, #tpu.memory_space<vmem>> -> memref<1x64xi32, #tpu.memory_space<vmem>>
      %dma_start3A_135 = tpu.memref_squeeze %dma_start3A_134 : memref<1x64xi32, #tpu.memory_space<vmem>> -> memref<64xi32, #tpu.memory_space<vmem>>
      %dma_start3A_136 = tpu.memref_slice %arg2[%run_scoped3A_4, %multiple_of3A] : memref<4x2048xi32, #tpu.memory_space<hbm>> -> memref<1x64xi32, #tpu.memory_space<hbm>>
      %dma_start3A_137 = tpu.memref_squeeze %dma_start3A_136 : memref<1x64xi32, #tpu.memory_space<hbm>> -> memref<64xi32, #tpu.memory_space<hbm>>
      tpu.enqueue_dma source(%dma_start3A_137 : memref<64xi32, #tpu.memory_space<hbm>>) target(%dma_start3A_135 : memref<64xi32, #tpu.memory_space<vmem>>) target_semaphore(%run_scoped3A_127 : memref<!tpu.dma_semaphore, #tpu.memory_space<semaphore_mem>>)
      %dma_wait3A_138 = arith.constant 0 : i32
      %dma_wait3A_139 = tpu.memref_slice %arg6[%run_scoped3A_5, %dma_wait3A_138] : memref<4x64xi32, #tpu.memory_space<vmem>> -> memref<1x64xi32, #tpu.memory_space<vmem>>
      %dma_wait3A_140 = tpu.memref_squeeze %dma_wait3A_139 : memref<1x64xi32, #tpu.memory_space<vmem>> -> memref<64xi32, #tpu.memory_space<vmem>>
      %dma_wait3A_141 = tpu.memref_slice %arg2[%run_scoped3A_4, %multiple_of3A] : memref<4x2048xi32, #tpu.memory_space<hbm>> -> memref<1x64xi32, #tpu.memory_space<hbm>>
      %dma_wait3A_142 = tpu.memref_squeeze %dma_wait3A_141 : memref<1x64xi32, #tpu.memory_space<hbm>> -> memref<64xi32, #tpu.memory_space<hbm>>
      %dma_wait3A_143 = arith.constant 0 : i32
      %dma_wait3A_144 = tpu.memref_slice %arg6[%run_scoped3A_5, %dma_wait3A_143] : memref<4x64xi32, #tpu.memory_space<vmem>> -> memref<1x64xi32, #tpu.memory_space<vmem>>
      %dma_wait3A_145 = tpu.memref_squeeze %dma_wait3A_144 : memref<1x64xi32, #tpu.memory_space<vmem>> -> memref<64xi32, #tpu.memory_space<vmem>>
      %dma_wait3A_146 = tpu.memref_slice %arg2[%run_scoped3A_4, %multiple_of3A] : memref<4x2048xi32, #tpu.memory_space<hbm>> -> memref<1x64xi32, #tpu.memory_space<hbm>>
      %dma_wait3A_147 = tpu.memref_squeeze %dma_wait3A_146 : memref<1x64xi32, #tpu.memory_space<hbm>> -> memref<64xi32, #tpu.memory_space<hbm>>
      tpu.wait_dma2 semaphore(%run_scoped3A_127 : memref<!tpu.dma_semaphore, #tpu.memory_space<semaphore_mem>>) src(%dma_wait3A_147 : memref<64xi32, #tpu.memory_space<hbm>>) dst(%dma_wait3A_145 : memref<64xi32, #tpu.memory_space<vmem>>)
      tpu.yield
    }) : () -> ()
    %run_scoped3A_6 = arith.constant 2 : i32
    %run_scoped3A_7 = arith.constant 2 : i32
    "tpu.region"() ({
      %run_scoped3A_127 = tpu.sem_alloc : memref<!tpu.dma_semaphore, #tpu.memory_space<semaphore_mem>>
      %dma_start3A_128 = arith.constant 0 : i32
      %dma_start3A_129 = tpu.memref_slice %arg6[%run_scoped3A_7, %dma_start3A_128] : memref<4x64xi32, #tpu.memory_space<vmem>> -> memref<1x64xi32, #tpu.memory_space<vmem>>
      %dma_start3A_130 = tpu.memref_squeeze %dma_start3A_129 : memref<1x64xi32, #tpu.memory_space<vmem>> -> memref<64xi32, #tpu.memory_space<vmem>>
      %dma_start3A_131 = tpu.memref_slice %arg2[%run_scoped3A_6, %multiple_of3A] : memref<4x2048xi32, #tpu.memory_space<hbm>> -> memref<1x64xi32, #tpu.memory_space<hbm>>
      %dma_start3A_132 = tpu.memref_squeeze %dma_start3A_131 : memref<1x64xi32, #tpu.memory_space<hbm>> -> memref<64xi32, #tpu.memory_space<hbm>>
      %dma_start3A_133 = arith.constant 0 : i32
      %dma_start3A_134 = tpu.memref_slice %arg6[%run_scoped3A_7, %dma_start3A_133] : memref<4x64xi32, #tpu.memory_space<vmem>> -> memref<1x64xi32, #tpu.memory_space<vmem>>
      %dma_start3A_135 = tpu.memref_squeeze %dma_start3A_134 : memref<1x64xi32, #tpu.memory_space<vmem>> -> memref<64xi32, #tpu.memory_space<vmem>>
      %dma_start3A_136 = tpu.memref_slice %arg2[%run_scoped3A_6, %multiple_of3A] : memref<4x2048xi32, #tpu.memory_space<hbm>> -> memref<1x64xi32, #tpu.memory_space<hbm>>
      %dma_start3A_137 = tpu.memref_squeeze %dma_start3A_136 : memref<1x64xi32, #tpu.memory_space<hbm>> -> memref<64xi32, #tpu.memory_space<hbm>>
      tpu.enqueue_dma source(%dma_start3A_137 : memref<64xi32, #tpu.memory_space<hbm>>) target(%dma_start3A_135 : memref<64xi32, #tpu.memory_space<vmem>>) target_semaphore(%run_scoped3A_127 : memref<!tpu.dma_semaphore, #tpu.memory_space<semaphore_mem>>)
      %dma_wait3A_138 = arith.constant 0 : i32
      %dma_wait3A_139 = tpu.memref_slice %arg6[%run_scoped3A_7, %dma_wait3A_138] : memref<4x64xi32, #tpu.memory_space<vmem>> -> memref<1x64xi32, #tpu.memory_space<vmem>>
      %dma_wait3A_140 = tpu.memref_squeeze %dma_wait3A_139 : memref<1x64xi32, #tpu.memory_space<vmem>> -> memref<64xi32, #tpu.memory_space<vmem>>
      %dma_wait3A_141 = tpu.memref_slice %arg2[%run_scoped3A_6, %multiple_of3A] : memref<4x2048xi32, #tpu.memory_space<hbm>> -> memref<1x64xi32, #tpu.memory_space<hbm>>
      %dma_wait3A_142 = tpu.memref_squeeze %dma_wait3A_141 : memref<1x64xi32, #tpu.memory_space<hbm>> -> memref<64xi32, #tpu.memory_space<hbm>>
      %dma_wait3A_143 = arith.constant 0 : i32
      %dma_wait3A_144 = tpu.memref_slice %arg6[%run_scoped3A_7, %dma_wait3A_143] : memref<4x64xi32, #tpu.memory_space<vmem>> -> memref<1x64xi32, #tpu.memory_space<vmem>>
      %dma_wait3A_145 = tpu.memref_squeeze %dma_wait3A_144 : memref<1x64xi32, #tpu.memory_space<vmem>> -> memref<64xi32, #tpu.memory_space<vmem>>
      %dma_wait3A_146 = tpu.memref_slice %arg2[%run_scoped3A_6, %multiple_of3A] : memref<4x2048xi32, #tpu.memory_space<hbm>> -> memref<1x64xi32, #tpu.memory_space<hbm>>
      %dma_wait3A_147 = tpu.memref_squeeze %dma_wait3A_146 : memref<1x64xi32, #tpu.memory_space<hbm>> -> memref<64xi32, #tpu.memory_space<hbm>>
      tpu.wait_dma2 semaphore(%run_scoped3A_127 : memref<!tpu.dma_semaphore, #tpu.memory_space<semaphore_mem>>) src(%dma_wait3A_147 : memref<64xi32, #tpu.memory_space<hbm>>) dst(%dma_wait3A_145 : memref<64xi32, #tpu.memory_space<vmem>>)
      tpu.yield
    }) : () -> ()
    %run_scoped3A_8 = arith.constant 3 : i32
    %run_scoped3A_9 = arith.constant 3 : i32
    "tpu.region"() ({
      %run_scoped3A_127 = tpu.sem_alloc : memref<!tpu.dma_semaphore, #tpu.memory_space<semaphore_mem>>
      %dma_start3A_128 = arith.constant 0 : i32
      %dma_start3A_129 = tpu.memref_slice %arg6[%run_scoped3A_9, %dma_start3A_128] : memref<4x64xi32, #tpu.memory_space<vmem>> -> memref<1x64xi32, #tpu.memory_space<vmem>>
      %dma_start3A_130 = tpu.memref_squeeze %dma_start3A_129 : memref<1x64xi32, #tpu.memory_space<vmem>> -> memref<64xi32, #tpu.memory_space<vmem>>
      %dma_start3A_131 = tpu.memref_slice %arg2[%run_scoped3A_8, %multiple_of3A] : memref<4x2048xi32, #tpu.memory_space<hbm>> -> memref<1x64xi32, #tpu.memory_space<hbm>>
      %dma_start3A_132 = tpu.memref_squeeze %dma_start3A_131 : memref<1x64xi32, #tpu.memory_space<hbm>> -> memref<64xi32, #tpu.memory_space<hbm>>
      %dma_start3A_133 = arith.constant 0 : i32
      %dma_start3A_134 = tpu.memref_slice %arg6[%run_scoped3A_9, %dma_start3A_133] : memref<4x64xi32, #tpu.memory_space<vmem>> -> memref<1x64xi32, #tpu.memory_space<vmem>>
      %dma_start3A_135 = tpu.memref_squeeze %dma_start3A_134 : memref<1x64xi32, #tpu.memory_space<vmem>> -> memref<64xi32, #tpu.memory_space<vmem>>
      %dma_start3A_136 = tpu.memref_slice %arg2[%run_scoped3A_8, %multiple_of3A] : memref<4x2048xi32, #tpu.memory_space<hbm>> -> memref<1x64xi32, #tpu.memory_space<hbm>>
      %dma_start3A_137 = tpu.memref_squeeze %dma_start3A_136 : memref<1x64xi32, #tpu.memory_space<hbm>> -> memref<64xi32, #tpu.memory_space<hbm>>
      tpu.enqueue_dma source(%dma_start3A_137 : memref<64xi32, #tpu.memory_space<hbm>>) target(%dma_start3A_135 : memref<64xi32, #tpu.memory_space<vmem>>) target_semaphore(%run_scoped3A_127 : memref<!tpu.dma_semaphore, #tpu.memory_space<semaphore_mem>>)
      %dma_wait3A_138 = arith.constant 0 : i32
      %dma_wait3A_139 = tpu.memref_slice %arg6[%run_scoped3A_9, %dma_wait3A_138] : memref<4x64xi32, #tpu.memory_space<vmem>> -> memref<1x64xi32, #tpu.memory_space<vmem>>
      %dma_wait3A_140 = tpu.memref_squeeze %dma_wait3A_139 : memref<1x64xi32, #tpu.memory_space<vmem>> -> memref<64xi32, #tpu.memory_space<vmem>>
      %dma_wait3A_141 = tpu.memref_slice %arg2[%run_scoped3A_8, %multiple_of3A] : memref<4x2048xi32, #tpu.memory_space<hbm>> -> memref<1x64xi32, #tpu.memory_space<hbm>>
      %dma_wait3A_142 = tpu.memref_squeeze %dma_wait3A_141 : memref<1x64xi32, #tpu.memory_space<hbm>> -> memref<64xi32, #tpu.memory_space<hbm>>
      %dma_wait3A_143 = arith.constant 0 : i32
      %dma_wait3A_144 = tpu.memref_slice %arg6[%run_scoped3A_9, %dma_wait3A_143] : memref<4x64xi32, #tpu.memory_space<vmem>> -> memref<1x64xi32, #tpu.memory_space<vmem>>
      %dma_wait3A_145 = tpu.memref_squeeze %dma_wait3A_144 : memref<1x64xi32, #tpu.memory_space<vmem>> -> memref<64xi32, #tpu.memory_space<vmem>>
      %dma_wait3A_146 = tpu.memref_slice %arg2[%run_scoped3A_8, %multiple_of3A] : memref<4x2048xi32, #tpu.memory_space<hbm>> -> memref<1x64xi32, #tpu.memory_space<hbm>>
      %dma_wait3A_147 = tpu.memref_squeeze %dma_wait3A_146 : memref<1x64xi32, #tpu.memory_space<hbm>> -> memref<64xi32, #tpu.memory_space<hbm>>
      tpu.wait_dma2 semaphore(%run_scoped3A_127 : memref<!tpu.dma_semaphore, #tpu.memory_space<semaphore_mem>>) src(%dma_wait3A_147 : memref<64xi32, #tpu.memory_space<hbm>>) dst(%dma_wait3A_145 : memref<64xi32, #tpu.memory_space<vmem>>)
      tpu.yield
    }) : () -> ()
    %add3A_10 = arith.constant 0 : i32
    %add3A_11 = arith.addi %multiple_of3A, %add3A_10 : i32
    %multiple_of3A_12 = tpu.assume_multiple %add3A_11, 16 : i32
    %dma_start3A = arith.constant 0 : i32
    %dma_start3A_13 = arith.constant 0 : i32
    %dma_start3A_14 = arith.constant 0 : i32
    %dma_start3A_15 = tpu.memref_slice %arg8[%dma_start3A, %dma_start3A_13, %dma_start3A_14] : memref<2x16x1024xf32, #tpu.memory_space<vmem>> -> memref<1x16x1024xf32, #tpu.memory_space<vmem>>
    %dma_start3A_16 = tpu.memref_squeeze %dma_start3A_15 : memref<1x16x1024xf32, #tpu.memory_space<vmem>> -> memref<16x1024xf32, #tpu.memory_space<vmem>>
    %dma_start3A_17 = arith.constant 0 : i32
    %dma_start3A_18 = tpu.memref_slice %arg4[%multiple_of3A_12, %dma_start3A_17] : memref<2048x1024xf32, #tpu.memory_space<hbm>> -> memref<16x1024xf32, #tpu.memory_space<hbm>>
    %dma_start3A_19 = arith.constant 0 : i32
    %dma_start3A_20 = arith.constant 0 : i32
    %dma_start3A_21 = tpu.memref_slice %arg8[%dma_start3A, %dma_start3A_19, %dma_start3A_20] : memref<2x16x1024xf32, #tpu.memory_space<vmem>> -> memref<1x16x1024xf32, #tpu.memory_space<vmem>>
    %dma_start3A_22 = tpu.memref_squeeze %dma_start3A_21 : memref<1x16x1024xf32, #tpu.memory_space<vmem>> -> memref<16x1024xf32, #tpu.memory_space<vmem>>
    %dma_start3A_23 = arith.constant 0 : i32
    %dma_start3A_24 = tpu.memref_slice %arg4[%multiple_of3A_12, %dma_start3A_23] : memref<2048x1024xf32, #tpu.memory_space<hbm>> -> memref<16x1024xf32, #tpu.memory_space<hbm>>
    tpu.enqueue_dma source(%dma_start3A_24 : memref<16x1024xf32, #tpu.memory_space<hbm>>) target(%dma_start3A_22 : memref<16x1024xf32, #tpu.memory_space<vmem>>) target_semaphore(%arg9 : memref<!tpu.dma_semaphore, #tpu.memory_space<semaphore_mem>>)
    %multiple_of3A_25 = arith.constant 0 : i32
    %multiple_of3A_26 = tpu.assume_multiple %multiple_of3A_25, 16 : i32
    %dma_start3A_27 = arith.constant 0 : i32
    %dma_start3A_28 = arith.constant 0 : i32
    %dma_start3A_29 = arith.constant 0 : i32
    %dma_start3A_30 = arith.constant 0 : i32
    %dma_start3A_31 = tpu.memref_slice %arg7[%dma_start3A_28, %dma_start3A_29, %dma_start3A_30] : memref<4x16x1024xf32, #tpu.memory_space<vmem>> -> memref<1x16x1024xf32, #tpu.memory_space<vmem>>
    %dma_start3A_32 = tpu.memref_squeeze %dma_start3A_31 : memref<1x16x1024xf32, #tpu.memory_space<vmem>> -> memref<16x1024xf32, #tpu.memory_space<vmem>>
    %dma_start3A_33 = tpu.memref_slice %arg6[%dma_start3A_27, %multiple_of3A_26] : memref<4x64xi32, #tpu.memory_space<vmem>> -> memref<1x16xi32, #tpu.memory_space<vmem>>
    %dma_start3A_34 = tpu.memref_squeeze %dma_start3A_33 : memref<1x16xi32, #tpu.memory_space<vmem>> -> memref<16xi32, #tpu.memory_space<vmem>>
    %dma_start3A_35 = arith.constant 0 : i32
    %dma_start3A_36 = arith.constant 0 : i32
    %dma_start3A_37 = tpu.memref_slice %arg3[%dma_start3A_35, %dma_start3A_36] : memref<100000x1024xf32, #tpu.memory_space<hbm>> -> memref<100000x1024xf32, #tpu.memory_space<hbm>>
    tpu.enqueue_indirect_dma source(%dma_start3A_37 : memref<100000x1024xf32, #tpu.memory_space<hbm>>) target(%dma_start3A_32 : memref<16x1024xf32, #tpu.memory_space<vmem>>) offsets(%dma_start3A_34 : memref<16xi32, #tpu.memory_space<vmem>>) semaphore(%arg11 : memref<!tpu.dma_semaphore, #tpu.memory_space<semaphore_mem>>)
    %multiple_of3A_38 = arith.constant 0 : i32
    %multiple_of3A_39 = tpu.assume_multiple %multiple_of3A_38, 16 : i32
    %dma_start3A_40 = arith.constant 1 : i32
    %dma_start3A_41 = arith.constant 1 : i32
    %dma_start3A_42 = arith.constant 0 : i32
    %dma_start3A_43 = arith.constant 0 : i32
    %dma_start3A_44 = tpu.memref_slice %arg7[%dma_start3A_41, %dma_start3A_42, %dma_start3A_43] : memref<4x16x1024xf32, #tpu.memory_space<vmem>> -> memref<1x16x1024xf32, #tpu.memory_space<vmem>>
    %dma_start3A_45 = tpu.memref_squeeze %dma_start3A_44 : memref<1x16x1024xf32, #tpu.memory_space<vmem>> -> memref<16x1024xf32, #tpu.memory_space<vmem>>
    %dma_start3A_46 = tpu.memref_slice %arg6[%dma_start3A_40, %multiple_of3A_39] : memref<4x64xi32, #tpu.memory_space<vmem>> -> memref<1x16xi32, #tpu.memory_space<vmem>>
    %dma_start3A_47 = tpu.memref_squeeze %dma_start3A_46 : memref<1x16xi32, #tpu.memory_space<vmem>> -> memref<16xi32, #tpu.memory_space<vmem>>
    %dma_start3A_48 = arith.constant 0 : i32
    %dma_start3A_49 = arith.constant 0 : i32
    %dma_start3A_50 = tpu.memref_slice %arg3[%dma_start3A_48, %dma_start3A_49] : memref<100000x1024xf32, #tpu.memory_space<hbm>> -> memref<100000x1024xf32, #tpu.memory_space<hbm>>
    tpu.enqueue_indirect_dma source(%dma_start3A_50 : memref<100000x1024xf32, #tpu.memory_space<hbm>>) target(%dma_start3A_45 : memref<16x1024xf32, #tpu.memory_space<vmem>>) offsets(%dma_start3A_47 : memref<16xi32, #tpu.memory_space<vmem>>) semaphore(%arg12 : memref<!tpu.dma_semaphore, #tpu.memory_space<semaphore_mem>>)
    %scan3A = arith.constant 0 : i32
    %scan3A_51 = arith.constant 0 : i32
    %scan3A_52 = arith.constant 2 : i32
    %scan3A_53 = arith.addi %scan3A_51, %scan3A_52 : i32
    %scan3A_54 = arith.constant 1 : i32
    scf.for %scan3A_127 = %scan3A_51 to %scan3A_53 step %scan3A_54  : i32 {
      %mul3A_128 = arith.constant 2 : i32
      %mul3A_129 = arith.muli %scan3A_127, %mul3A_128 : i32
      %add3A_130 = arith.constant 0 : i32
      %add3A_131 = arith.addi %mul3A_129, %add3A_130 : i32
      %lt3A = arith.constant 3 : i32
      %lt3A_132 = arith.cmpi slt, %add3A_131, %lt3A : i32
      %convert_element_type3A = arith.extui %lt3A_132 : i1 to i32
      %cond3A = arith.constant 0 : i32
      %cond3A_133 = arith.cmpi ne, %convert_element_type3A, %cond3A : i32
      scf.if %cond3A_133 {
        %add3A_626 = arith.constant 1 : i32
        %add3A_627 = arith.addi %add3A_131, %add3A_626 : i32
        %mul3A_628 = arith.constant 16 : i32
        %mul3A_629 = arith.muli %add3A_627, %mul3A_628 : i32
        %add3A_630 = arith.addi %multiple_of3A, %mul3A_629 : i32
        %multiple_of3A_631 = tpu.assume_multiple %add3A_630, 16 : i32
        %dma_start3A_632 = arith.constant 1 : i32
        %dma_start3A_633 = arith.constant 0 : i32
        %dma_start3A_634 = arith.constant 0 : i32
        %dma_start3A_635 = tpu.memref_slice %arg8[%dma_start3A_632, %dma_start3A_633, %dma_start3A_634] : memref<2x16x1024xf32, #tpu.memory_space<vmem>> -> memref<1x16x1024xf32, #tpu.memory_space<vmem>>
        %dma_start3A_636 = tpu.memref_squeeze %dma_start3A_635 : memref<1x16x1024xf32, #tpu.memory_space<vmem>> -> memref<16x1024xf32, #tpu.memory_space<vmem>>
        %dma_start3A_637 = arith.constant 0 : i32
        %dma_start3A_638 = tpu.memref_slice %arg4[%multiple_of3A_631, %dma_start3A_637] : memref<2048x1024xf32, #tpu.memory_space<hbm>> -> memref<16x1024xf32, #tpu.memory_space<hbm>>
        %dma_start3A_639 = arith.constant 0 : i32
        %dma_start3A_640 = arith.constant 0 : i32
        %dma_start3A_641 = tpu.memref_slice %arg8[%dma_start3A_632, %dma_start3A_639, %dma_start3A_640] : memref<2x16x1024xf32, #tpu.memory_space<vmem>> -> memref<1x16x1024xf32, #tpu.memory_space<vmem>>
        %dma_start3A_642 = tpu.memref_squeeze %dma_start3A_641 : memref<1x16x1024xf32, #tpu.memory_space<vmem>> -> memref<16x1024xf32, #tpu.memory_space<vmem>>
        %dma_start3A_643 = arith.constant 0 : i32
        %dma_start3A_644 = tpu.memref_slice %arg4[%multiple_of3A_631, %dma_start3A_643] : memref<2048x1024xf32, #tpu.memory_space<hbm>> -> memref<16x1024xf32, #tpu.memory_space<hbm>>
        tpu.enqueue_dma source(%dma_start3A_644 : memref<16x1024xf32, #tpu.memory_space<hbm>>) target(%dma_start3A_642 : memref<16x1024xf32, #tpu.memory_space<vmem>>) target_semaphore(%arg10 : memref<!tpu.dma_semaphore, #tpu.memory_space<semaphore_mem>>)
      } else {
      }
      %dma_wait3A_134 = arith.constant 0 : i32
      %dma_wait3A_135 = arith.constant 0 : i32
      %dma_wait3A_136 = arith.constant 0 : i32
      %dma_wait3A_137 = tpu.memref_slice %arg8[%dma_wait3A_134, %dma_wait3A_135, %dma_wait3A_136] : memref<2x16x1024xf32, #tpu.memory_space<vmem>> -> memref<1x16x1024xf32, #tpu.memory_space<vmem>>
      %dma_wait3A_138 = tpu.memref_squeeze %dma_wait3A_137 : memref<1x16x1024xf32, #tpu.memory_space<vmem>> -> memref<16x1024xf32, #tpu.memory_space<vmem>>
      %dma_wait3A_139 = arith.constant 0 : i32
      %dma_wait3A_140 = arith.constant 0 : i32
      %dma_wait3A_141 = tpu.memref_slice %arg4[%dma_wait3A_139, %dma_wait3A_140] : memref<2048x1024xf32, #tpu.memory_space<hbm>> -> memref<16x1024xf32, #tpu.memory_space<hbm>>
      %dma_wait3A_142 = arith.constant 0 : i32
      %dma_wait3A_143 = arith.constant 0 : i32
      %dma_wait3A_144 = tpu.memref_slice %arg8[%dma_wait3A_134, %dma_wait3A_142, %dma_wait3A_143] : memref<2x16x1024xf32, #tpu.memory_space<vmem>> -> memref<1x16x1024xf32, #tpu.memory_space<vmem>>
      %dma_wait3A_145 = tpu.memref_squeeze %dma_wait3A_144 : memref<1x16x1024xf32, #tpu.memory_space<vmem>> -> memref<16x1024xf32, #tpu.memory_space<vmem>>
      %dma_wait3A_146 = arith.constant 0 : i32
      %dma_wait3A_147 = arith.constant 0 : i32
      %dma_wait3A_148 = tpu.memref_slice %arg4[%dma_wait3A_146, %dma_wait3A_147] : memref<2048x1024xf32, #tpu.memory_space<hbm>> -> memref<16x1024xf32, #tpu.memory_space<hbm>>
      tpu.wait_dma2 semaphore(%arg9 : memref<!tpu.dma_semaphore, #tpu.memory_space<semaphore_mem>>) src(%dma_wait3A_148 : memref<16x1024xf32, #tpu.memory_space<hbm>>) dst(%dma_wait3A_145 : memref<16x1024xf32, #tpu.memory_space<vmem>>)
      %mul3A_149 = arith.constant 4 : i32
      %mul3A_150 = arith.muli %add3A_131, %mul3A_149 : i32
      %add3A_151 = arith.constant 0 : i32
      %add3A_152 = arith.addi %mul3A_150, %add3A_151 : i32
      %add3A_153 = arith.constant 0 : i32
      %add3A_154 = arith.addi %add3A_131, %add3A_153 : i32
      %ge3A = arith.constant 2 : i32
      %ge3A_155 = arith.cmpi sge, %add3A_152, %ge3A : i32
      %lt3A_156 = arith.constant 14 : i32
      %lt3A_157 = arith.cmpi slt, %add3A_152, %lt3A_156 : i32
      %and3A = arith.andi %ge3A_155, %lt3A_157 : i1
      %convert_element_type3A_158 = arith.extui %and3A : i1 to i32
      %cond3A_159 = arith.constant 0 : i32
      %cond3A_160 = arith.cmpi ne, %convert_element_type3A_158, %cond3A_159 : i32
      scf.if %cond3A_160 {
        %dma_wait3A_626 = arith.constant 2 : i32
        %dma_wait3A_627 = arith.constant 0 : i32
        %dma_wait3A_628 = arith.constant 0 : i32
        %dma_wait3A_629 = arith.constant 0 : i32
        %dma_wait3A_630 = tpu.memref_slice %arg7[%dma_wait3A_626, %dma_wait3A_628, %dma_wait3A_629] : memref<4x16x1024xf32, #tpu.memory_space<vmem>> -> memref<1x16x1024xf32, #tpu.memory_space<vmem>>
        %dma_wait3A_631 = tpu.memref_squeeze %dma_wait3A_630 : memref<1x16x1024xf32, #tpu.memory_space<vmem>> -> memref<16x1024xf32, #tpu.memory_space<vmem>>
        %dma_wait3A_632 = arith.constant 0 : i32
        %dma_wait3A_633 = arith.constant 0 : i32
        %dma_wait3A_634 = tpu.memref_slice %arg5[%dma_wait3A_627, %dma_wait3A_632, %dma_wait3A_633] : memref<4x2048x1024xf32, #tpu.memory_space<hbm>> -> memref<1x16x1024xf32, #tpu.memory_space<hbm>>
        %dma_wait3A_635 = tpu.memref_squeeze %dma_wait3A_634 : memref<1x16x1024xf32, #tpu.memory_space<hbm>> -> memref<16x1024xf32, #tpu.memory_space<hbm>>
        %dma_wait3A_636 = arith.constant 0 : i32
        %dma_wait3A_637 = arith.constant 0 : i32
        %dma_wait3A_638 = tpu.memref_slice %arg5[%dma_wait3A_627, %dma_wait3A_636, %dma_wait3A_637] : memref<4x2048x1024xf32, #tpu.memory_space<hbm>> -> memref<1x16x1024xf32, #tpu.memory_space<hbm>>
        %dma_wait3A_639 = tpu.memref_squeeze %dma_wait3A_638 : memref<1x16x1024xf32, #tpu.memory_space<hbm>> -> memref<16x1024xf32, #tpu.memory_space<hbm>>
        %dma_wait3A_640 = arith.constant 0 : i32
        %dma_wait3A_641 = arith.constant 0 : i32
        %dma_wait3A_642 = tpu.memref_slice %arg7[%dma_wait3A_626, %dma_wait3A_640, %dma_wait3A_641] : memref<4x16x1024xf32, #tpu.memory_space<vmem>> -> memref<1x16x1024xf32, #tpu.memory_space<vmem>>
        %dma_wait3A_643 = tpu.memref_squeeze %dma_wait3A_642 : memref<1x16x1024xf32, #tpu.memory_space<vmem>> -> memref<16x1024xf32, #tpu.memory_space<vmem>>
        tpu.wait_dma2 semaphore(%arg17 : memref<!tpu.dma_semaphore, #tpu.memory_space<semaphore_mem>>) src(%dma_wait3A_643 : memref<16x1024xf32, #tpu.memory_space<vmem>>) dst(%dma_wait3A_639 : memref<16x1024xf32, #tpu.memory_space<hbm>>)
      } else {
      }
      %lt3A_161 = arith.constant 14 : i32
      %lt3A_162 = arith.cmpi slt, %add3A_152, %lt3A_161 : i32
      %convert_element_type3A_163 = arith.extui %lt3A_162 : i1 to i32
      %cond3A_164 = arith.constant 0 : i32
      %cond3A_165 = arith.cmpi ne, %convert_element_type3A_163, %cond3A_164 : i32
      scf.if %cond3A_165 {
        %mul3A_626 = arith.constant 16 : i32
        %mul3A_627 = arith.muli %add3A_154, %mul3A_626 : i32
        %multiple_of3A_628 = tpu.assume_multiple %mul3A_627, 16 : i32
        %dma_start3A_629 = arith.constant 2 : i32
        %dma_start3A_630 = arith.constant 2 : i32
        %dma_start3A_631 = arith.constant 0 : i32
        %dma_start3A_632 = arith.constant 0 : i32
        %dma_start3A_633 = tpu.memref_slice %arg7[%dma_start3A_630, %dma_start3A_631, %dma_start3A_632] : memref<4x16x1024xf32, #tpu.memory_space<vmem>> -> memref<1x16x1024xf32, #tpu.memory_space<vmem>>
        %dma_start3A_634 = tpu.memref_squeeze %dma_start3A_633 : memref<1x16x1024xf32, #tpu.memory_space<vmem>> -> memref<16x1024xf32, #tpu.memory_space<vmem>>
        %dma_start3A_635 = tpu.memref_slice %arg6[%dma_start3A_629, %multiple_of3A_628] : memref<4x64xi32, #tpu.memory_space<vmem>> -> memref<1x16xi32, #tpu.memory_space<vmem>>
        %dma_start3A_636 = tpu.memref_squeeze %dma_start3A_635 : memref<1x16xi32, #tpu.memory_space<vmem>> -> memref<16xi32, #tpu.memory_space<vmem>>
        %dma_start3A_637 = arith.constant 0 : i32
        %dma_start3A_638 = arith.constant 0 : i32
        %dma_start3A_639 = tpu.memref_slice %arg3[%dma_start3A_637, %dma_start3A_638] : memref<100000x1024xf32, #tpu.memory_space<hbm>> -> memref<100000x1024xf32, #tpu.memory_space<hbm>>
        tpu.enqueue_indirect_dma source(%dma_start3A_639 : memref<100000x1024xf32, #tpu.memory_space<hbm>>) target(%dma_start3A_634 : memref<16x1024xf32, #tpu.memory_space<vmem>>) offsets(%dma_start3A_636 : memref<16xi32, #tpu.memory_space<vmem>>) semaphore(%arg13 : memref<!tpu.dma_semaphore, #tpu.memory_space<semaphore_mem>>)
      } else {
      }
      %dma_wait3A_166 = arith.constant 0 : i32
      %dma_wait3A_167 = arith.constant 0 : i32
      %dma_wait3A_168 = arith.constant 0 : i32
      %dma_wait3A_169 = tpu.memref_slice %arg7[%dma_wait3A_166, %dma_wait3A_167, %dma_wait3A_168] : memref<4x16x1024xf32, #tpu.memory_space<vmem>> -> memref<1x16x1024xf32, #tpu.memory_space<vmem>>
      %dma_wait3A_170 = tpu.memref_squeeze %dma_wait3A_169 : memref<1x16x1024xf32, #tpu.memory_space<vmem>> -> memref<16x1024xf32, #tpu.memory_space<vmem>>
      %dma_wait3A_171 = arith.constant 0 : i32
      %dma_wait3A_172 = arith.constant 0 : i32
      %dma_wait3A_173 = tpu.memref_slice %arg3[%dma_wait3A_171, %dma_wait3A_172] : memref<100000x1024xf32, #tpu.memory_space<hbm>> -> memref<16x1024xf32, #tpu.memory_space<hbm>>
      %dma_wait3A_174 = arith.constant 0 : i32
      %dma_wait3A_175 = arith.constant 0 : i32
      %dma_wait3A_176 = tpu.memref_slice %arg7[%dma_wait3A_166, %dma_wait3A_174, %dma_wait3A_175] : memref<4x16x1024xf32, #tpu.memory_space<vmem>> -> memref<1x16x1024xf32, #tpu.memory_space<vmem>>
      %dma_wait3A_177 = tpu.memref_squeeze %dma_wait3A_176 : memref<1x16x1024xf32, #tpu.memory_space<vmem>> -> memref<16x1024xf32, #tpu.memory_space<vmem>>
      %dma_wait3A_178 = arith.constant 0 : i32
      %dma_wait3A_179 = arith.constant 0 : i32
      %dma_wait3A_180 = tpu.memref_slice %arg3[%dma_wait3A_178, %dma_wait3A_179] : memref<100000x1024xf32, #tpu.memory_space<hbm>> -> memref<16x1024xf32, #tpu.memory_space<hbm>>
      tpu.wait_dma2 semaphore(%arg11 : memref<!tpu.dma_semaphore, #tpu.memory_space<semaphore_mem>>) src(%dma_wait3A_180 : memref<16x1024xf32, #tpu.memory_space<hbm>>) dst(%dma_wait3A_177 : memref<16x1024xf32, #tpu.memory_space<vmem>>)
      %parallel_loop3A = arith.constant 0 : i32
      %parallel_loop3A_181 = arith.constant 1024 : i32
      %parallel_loop3A_182 = arith.constant 1 : i32
      scf.for %parallel_loop3A_626 = %parallel_loop3A to %parallel_loop3A_181 step %parallel_loop3A_182  : i32 {
        %parallel_loop3A_627 = arith.constant 64 : i32
        %parallel_loop3A_628 = arith.divsi %parallel_loop3A_626, %parallel_loop3A_627 : i32
        %parallel_loop3A_629 = arith.constant 0 : i32
        %parallel_loop3A_630 = arith.cmpi sgt, %parallel_loop3A_626, %parallel_loop3A_629 : i32
        %parallel_loop3A_631 = arith.extui %parallel_loop3A_630 : i1 to i32
        %parallel_loop3A_632 = arith.constant 0 : i32
        %parallel_loop3A_633 = arith.cmpi slt, %parallel_loop3A_626, %parallel_loop3A_632 : i32
        %parallel_loop3A_634 = arith.extui %parallel_loop3A_633 : i1 to i32
        %parallel_loop3A_635 = arith.subi %parallel_loop3A_631, %parallel_loop3A_634 : i32
        %parallel_loop3A_636 = arith.constant 0 : i32
        %parallel_loop3A_637 = arith.cmpi sgt, %parallel_loop3A_627, %parallel_loop3A_636 : i32
        %parallel_loop3A_638 = arith.extui %parallel_loop3A_637 : i1 to i32
        %parallel_loop3A_639 = arith.constant 0 : i32
        %parallel_loop3A_640 = arith.cmpi slt, %parallel_loop3A_627, %parallel_loop3A_639 : i32
        %parallel_loop3A_641 = arith.extui %parallel_loop3A_640 : i1 to i32
        %parallel_loop3A_642 = arith.subi %parallel_loop3A_638, %parallel_loop3A_641 : i32
        %parallel_loop3A_643 = arith.cmpi ne, %parallel_loop3A_635, %parallel_loop3A_642 : i32
        %parallel_loop3A_644 = arith.remsi %parallel_loop3A_626, %parallel_loop3A_627 : i32
        %parallel_loop3A_645 = arith.constant 0 : i32
        %parallel_loop3A_646 = arith.cmpi ne, %parallel_loop3A_644, %parallel_loop3A_645 : i32
        %parallel_loop3A_647 = arith.andi %parallel_loop3A_643, %parallel_loop3A_646 : i1
        %parallel_loop3A_648 = arith.constant 1 : i32
        %parallel_loop3A_649 = arith.subi %parallel_loop3A_628, %parallel_loop3A_648 : i32
        %parallel_loop3A_650 = arith.select %parallel_loop3A_647, %parallel_loop3A_649, %parallel_loop3A_628 : i32
        %parallel_loop3A_651 = arith.constant 64 : i32
        %parallel_loop3A_652 = arith.muli %parallel_loop3A_650, %parallel_loop3A_651 : i32
        %parallel_loop3A_653 = arith.subi %parallel_loop3A_626, %parallel_loop3A_652 : i32
        %parallel_loop3A_654 = arith.constant 16 : i32
        %parallel_loop3A_655 = arith.muli %parallel_loop3A_653, %parallel_loop3A_654 : i32
        %parallel_loop3A_656 = arith.constant 0 : i32
        %parallel_loop3A_657 = arith.index_cast %parallel_loop3A_656 : i32 to index
        %parallel_loop3A_658 = arith.index_cast %parallel_loop3A_650 : i32 to index
        %parallel_loop3A_659 = arith.index_cast %parallel_loop3A_655 : i32 to index
        %parallel_loop3A_660 = tpu.vector_load %arg7[%parallel_loop3A_657, %parallel_loop3A_658, %parallel_loop3A_659] {strides = array<i32>} : memref<4x16x1024xf32, #tpu.memory_space<vmem>>, vector<1x1x16xf32>,
        %parallel_loop3A_661 = vector.shape_cast %parallel_loop3A_660 : vector<1x1x16xf32> to vector<16xf32>
        %parallel_loop3A_662 = arith.constant 3.200000e+01 : f32
        %parallel_loop3A_663 = vector.broadcast %parallel_loop3A_662 : f32 to vector<16xf32>
        %parallel_loop3A_664 = arith.mulf %parallel_loop3A_661, %parallel_loop3A_663 : vector<16xf32>
        %parallel_loop3A_665 = arith.constant 0 : i32
        %parallel_loop3A_666 = arith.index_cast %parallel_loop3A_665 : i32 to index
        %parallel_loop3A_667 = arith.index_cast %parallel_loop3A_650 : i32 to index
        %parallel_loop3A_668 = arith.index_cast %parallel_loop3A_655 : i32 to index
        %parallel_loop3A_669 = tpu.vector_load %arg8[%parallel_loop3A_666, %parallel_loop3A_667, %parallel_loop3A_668] {strides = array<i32>} : memref<2x16x1024xf32, #tpu.memory_space<vmem>>, vector<1x1x16xf32>,
        %parallel_loop3A_670 = vector.shape_cast %parallel_loop3A_669 : vector<1x1x16xf32> to vector<16xf32>
        %parallel_loop3A_671 = arith.addf %parallel_loop3A_664, %parallel_loop3A_670 : vector<16xf32>
        %parallel_loop3A_672 = arith.constant 0 : i32
        %parallel_loop3A_673 = arith.index_cast %parallel_loop3A_672 : i32 to index
        %parallel_loop3A_674 = arith.index_cast %parallel_loop3A_650 : i32 to index
        %parallel_loop3A_675 = arith.index_cast %parallel_loop3A_655 : i32 to index
        %parallel_loop3A_676 = tpu.vector_load %arg7[%parallel_loop3A_673, %parallel_loop3A_674, %parallel_loop3A_675] {strides = array<i32>} : memref<4x16x1024xf32, #tpu.memory_space<vmem>>, vector<1x1x16xf32>,
        %parallel_loop3A_677 = vector.shape_cast %parallel_loop3A_676 : vector<1x1x16xf32> to vector<16xf32>
        %parallel_loop3A_678 = vector.shape_cast %parallel_loop3A_671 : vector<16xf32> to vector<1x1x16xf32>
        tpu.vector_store %arg7[%parallel_loop3A_673, %parallel_loop3A_674, %parallel_loop3A_675], %parallel_loop3A_678 {strides = array<i32>} : memref<4x16x1024xf32, #tpu.memory_space<vmem>>, vector<1x1x16xf32>,
      } {sc.loop_unroll_factor = 4 : i64, sc.parallel_access}
      %mul3A_183 = arith.constant 16 : i32
      %mul3A_184 = arith.muli %add3A_131, %mul3A_183 : i32
      %add3A_185 = arith.addi %multiple_of3A, %mul3A_184 : i32
      %multiple_of3A_186 = tpu.assume_multiple %add3A_185, 16 : i32
      %dma_start3A_187 = arith.constant 0 : i32
      %dma_start3A_188 = arith.constant 0 : i32
      %dma_start3A_189 = arith.constant 0 : i32
      %dma_start3A_190 = arith.constant 0 : i32
      %dma_start3A_191 = tpu.memref_slice %arg7[%dma_start3A_187, %dma_start3A_189, %dma_start3A_190] : memref<4x16x1024xf32, #tpu.memory_space<vmem>> -> memref<1x16x1024xf32, #tpu.memory_space<vmem>>
      %dma_start3A_192 = tpu.memref_squeeze %dma_start3A_191 : memref<1x16x1024xf32, #tpu.memory_space<vmem>> -> memref<16x1024xf32, #tpu.memory_space<vmem>>
      %dma_start3A_193 = arith.constant 0 : i32
      %dma_start3A_194 = tpu.memref_slice %arg5[%dma_start3A_188, %multiple_of3A_186, %dma_start3A_193] : memref<4x2048x1024xf32, #tpu.memory_space<hbm>> -> memref<1x16x1024xf32, #tpu.memory_space<hbm>>
      %dma_start3A_195 = tpu.memref_squeeze %dma_start3A_194 : memref<1x16x1024xf32, #tpu.memory_space<hbm>> -> memref<16x1024xf32, #tpu.memory_space<hbm>>
      %dma_start3A_196 = arith.constant 0 : i32
      %dma_start3A_197 = tpu.memref_slice %arg5[%dma_start3A_188, %multiple_of3A_186, %dma_start3A_196] : memref<4x2048x1024xf32, #tpu.memory_space<hbm>> -> memref<1x16x1024xf32, #tpu.memory_space<hbm>>
      %dma_start3A_198 = tpu.memref_squeeze %dma_start3A_197 : memref<1x16x1024xf32, #tpu.memory_space<hbm>> -> memref<16x1024xf32, #tpu.memory_space<hbm>>
      %dma_start3A_199 = arith.constant 0 : i32
      %dma_start3A_200 = arith.constant 0 : i32
      %dma_start3A_201 = tpu.memref_slice %arg7[%dma_start3A_187, %dma_start3A_199, %dma_start3A_200] : memref<4x16x1024xf32, #tpu.memory_space<vmem>> -> memref<1x16x1024xf32, #tpu.memory_space<vmem>>
      %dma_start3A_202 = tpu.memref_squeeze %dma_start3A_201 : memref<1x16x1024xf32, #tpu.memory_space<vmem>> -> memref<16x1024xf32, #tpu.memory_space<vmem>>
      tpu.enqueue_dma source(%dma_start3A_202 : memref<16x1024xf32, #tpu.memory_space<vmem>>) target(%dma_start3A_198 : memref<16x1024xf32, #tpu.memory_space<hbm>>) target_semaphore(%arg15 : memref<!tpu.dma_semaphore, #tpu.memory_space<semaphore_mem>>)
      %mul3A_203 = arith.constant 4 : i32
      %mul3A_204 = arith.muli %add3A_131, %mul3A_203 : i32
      %add3A_205 = arith.constant 1 : i32
      %add3A_206 = arith.addi %mul3A_204, %add3A_205 : i32
      %add3A_207 = arith.constant 0 : i32
      %add3A_208 = arith.addi %add3A_131, %add3A_207 : i32
      %ge3A_209 = arith.constant 2 : i32
      %ge3A_210 = arith.cmpi sge, %add3A_206, %ge3A_209 : i32
      %lt3A_211 = arith.constant 14 : i32
      %lt3A_212 = arith.cmpi slt, %add3A_206, %lt3A_211 : i32
      %and3A_213 = arith.andi %ge3A_210, %lt3A_212 : i1
      %convert_element_type3A_214 = arith.extui %and3A_213 : i1 to i32
      %cond3A_215 = arith.constant 0 : i32
      %cond3A_216 = arith.cmpi ne, %convert_element_type3A_214, %cond3A_215 : i32
      scf.if %cond3A_216 {
        %dma_wait3A_626 = arith.constant 3 : i32
        %dma_wait3A_627 = arith.constant 0 : i32
        %dma_wait3A_628 = arith.constant 0 : i32
        %dma_wait3A_629 = arith.constant 0 : i32
        %dma_wait3A_630 = tpu.memref_slice %arg7[%dma_wait3A_626, %dma_wait3A_628, %dma_wait3A_629] : memref<4x16x1024xf32, #tpu.memory_space<vmem>> -> memref<1x16x1024xf32, #tpu.memory_space<vmem>>
        %dma_wait3A_631 = tpu.memref_squeeze %dma_wait3A_630 : memref<1x16x1024xf32, #tpu.memory_space<vmem>> -> memref<16x1024xf32, #tpu.memory_space<vmem>>
        %dma_wait3A_632 = arith.constant 0 : i32
        %dma_wait3A_633 = arith.constant 0 : i32
        %dma_wait3A_634 = tpu.memref_slice %arg5[%dma_wait3A_627, %dma_wait3A_632, %dma_wait3A_633] : memref<4x2048x1024xf32, #tpu.memory_space<hbm>> -> memref<1x16x1024xf32, #tpu.memory_space<hbm>>
        %dma_wait3A_635 = tpu.memref_squeeze %dma_wait3A_634 : memref<1x16x1024xf32, #tpu.memory_space<hbm>> -> memref<16x1024xf32, #tpu.memory_space<hbm>>
        %dma_wait3A_636 = arith.constant 0 : i32
        %dma_wait3A_637 = arith.constant 0 : i32
        %dma_wait3A_638 = tpu.memref_slice %arg5[%dma_wait3A_627, %dma_wait3A_636, %dma_wait3A_637] : memref<4x2048x1024xf32, #tpu.memory_space<hbm>> -> memref<1x16x1024xf32, #tpu.memory_space<hbm>>
        %dma_wait3A_639 = tpu.memref_squeeze %dma_wait3A_638 : memref<1x16x1024xf32, #tpu.memory_space<hbm>> -> memref<16x1024xf32, #tpu.memory_space<hbm>>
        %dma_wait3A_640 = arith.constant 0 : i32
        %dma_wait3A_641 = arith.constant 0 : i32
        %dma_wait3A_642 = tpu.memref_slice %arg7[%dma_wait3A_626, %dma_wait3A_640, %dma_wait3A_641] : memref<4x16x1024xf32, #tpu.memory_space<vmem>> -> memref<1x16x1024xf32, #tpu.memory_space<vmem>>
        %dma_wait3A_643 = tpu.memref_squeeze %dma_wait3A_642 : memref<1x16x1024xf32, #tpu.memory_space<vmem>> -> memref<16x1024xf32, #tpu.memory_space<vmem>>
        tpu.wait_dma2 semaphore(%arg18 : memref<!tpu.dma_semaphore, #tpu.memory_space<semaphore_mem>>) src(%dma_wait3A_643 : memref<16x1024xf32, #tpu.memory_space<vmem>>) dst(%dma_wait3A_639 : memref<16x1024xf32, #tpu.memory_space<hbm>>)
      } else {
      }
      %lt3A_217 = arith.constant 14 : i32
      %lt3A_218 = arith.cmpi slt, %add3A_206, %lt3A_217 : i32
      %convert_element_type3A_219 = arith.extui %lt3A_218 : i1 to i32
      %cond3A_220 = arith.constant 0 : i32
      %cond3A_221 = arith.cmpi ne, %convert_element_type3A_219, %cond3A_220 : i32
      scf.if %cond3A_221 {
        %mul3A_626 = arith.constant 16 : i32
        %mul3A_627 = arith.muli %add3A_208, %mul3A_626 : i32
        %multiple_of3A_628 = tpu.assume_multiple %mul3A_627, 16 : i32
        %dma_start3A_629 = arith.constant 3 : i32
        %dma_start3A_630 = arith.constant 3 : i32
        %dma_start3A_631 = arith.constant 0 : i32
        %dma_start3A_632 = arith.constant 0 : i32
        %dma_start3A_633 = tpu.memref_slice %arg7[%dma_start3A_630, %dma_start3A_631, %dma_start3A_632] : memref<4x16x1024xf32, #tpu.memory_space<vmem>> -> memref<1x16x1024xf32, #tpu.memory_space<vmem>>
        %dma_start3A_634 = tpu.memref_squeeze %dma_start3A_633 : memref<1x16x1024xf32, #tpu.memory_space<vmem>> -> memref<16x1024xf32, #tpu.memory_space<vmem>>
        %dma_start3A_635 = tpu.memref_slice %arg6[%dma_start3A_629, %multiple_of3A_628] : memref<4x64xi32, #tpu.memory_space<vmem>> -> memref<1x16xi32, #tpu.memory_space<vmem>>
        %dma_start3A_636 = tpu.memref_squeeze %dma_start3A_635 : memref<1x16xi32, #tpu.memory_space<vmem>> -> memref<16xi32, #tpu.memory_space<vmem>>
        %dma_start3A_637 = arith.constant 0 : i32
        %dma_start3A_638 = arith.constant 0 : i32
        %dma_start3A_639 = tpu.memref_slice %arg3[%dma_start3A_637, %dma_start3A_638] : memref<100000x1024xf32, #tpu.memory_space<hbm>> -> memref<100000x1024xf32, #tpu.memory_space<hbm>>
        tpu.enqueue_indirect_dma source(%dma_start3A_639 : memref<100000x1024xf32, #tpu.memory_space<hbm>>) target(%dma_start3A_634 : memref<16x1024xf32, #tpu.memory_space<vmem>>) offsets(%dma_start3A_636 : memref<16xi32, #tpu.memory_space<vmem>>) semaphore(%arg14 : memref<!tpu.dma_semaphore, #tpu.memory_space<semaphore_mem>>)
      } else {
      }
      %dma_wait3A_222 = arith.constant 1 : i32
      %dma_wait3A_223 = arith.constant 0 : i32
      %dma_wait3A_224 = arith.constant 0 : i32
      %dma_wait3A_225 = tpu.memref_slice %arg7[%dma_wait3A_222, %dma_wait3A_223, %dma_wait3A_224] : memref<4x16x1024xf32, #tpu.memory_space<vmem>> -> memref<1x16x1024xf32, #tpu.memory_space<vmem>>
      %dma_wait3A_226 = tpu.memref_squeeze %dma_wait3A_225 : memref<1x16x1024xf32, #tpu.memory_space<vmem>> -> memref<16x1024xf32, #tpu.memory_space<vmem>>
      %dma_wait3A_227 = arith.constant 0 : i32
      %dma_wait3A_228 = arith.constant 0 : i32
      %dma_wait3A_229 = tpu.memref_slice %arg3[%dma_wait3A_227, %dma_wait3A_228] : memref<100000x1024xf32, #tpu.memory_space<hbm>> -> memref<16x1024xf32, #tpu.memory_space<hbm>>
      %dma_wait3A_230 = arith.constant 0 : i32
      %dma_wait3A_231 = arith.constant 0 : i32
      %dma_wait3A_232 = tpu.memref_slice %arg7[%dma_wait3A_222, %dma_wait3A_230, %dma_wait3A_231] : memref<4x16x1024xf32, #tpu.memory_space<vmem>> -> memref<1x16x1024xf32, #tpu.memory_space<vmem>>
      %dma_wait3A_233 = tpu.memref_squeeze %dma_wait3A_232 : memref<1x16x1024xf32, #tpu.memory_space<vmem>> -> memref<16x1024xf32, #tpu.memory_space<vmem>>
      %dma_wait3A_234 = arith.constant 0 : i32
      %dma_wait3A_235 = arith.constant 0 : i32
      %dma_wait3A_236 = tpu.memref_slice %arg3[%dma_wait3A_234, %dma_wait3A_235] : memref<100000x1024xf32, #tpu.memory_space<hbm>> -> memref<16x1024xf32, #tpu.memory_space<hbm>>
      tpu.wait_dma2 semaphore(%arg12 : memref<!tpu.dma_semaphore, #tpu.memory_space<semaphore_mem>>) src(%dma_wait3A_236 : memref<16x1024xf32, #tpu.memory_space<hbm>>) dst(%dma_wait3A_233 : memref<16x1024xf32, #tpu.memory_space<vmem>>)
      %parallel_loop3A_237 = arith.constant 0 : i32
      %parallel_loop3A_238 = arith.constant 1024 : i32
      %parallel_loop3A_239 = arith.constant 1 : i32
      scf.for %parallel_loop3A_626 = %parallel_loop3A_237 to %parallel_loop3A_238 step %parallel_loop3A_239  : i32 {
        %parallel_loop3A_627 = arith.constant 64 : i32
        %parallel_loop3A_628 = arith.divsi %parallel_loop3A_626, %parallel_loop3A_627 : i32
        %parallel_loop3A_629 = arith.constant 0 : i32
        %parallel_loop3A_630 = arith.cmpi sgt, %parallel_loop3A_626, %parallel_loop3A_629 : i32
        %parallel_loop3A_631 = arith.extui %parallel_loop3A_630 : i1 to i32
        %parallel_loop3A_632 = arith.constant 0 : i32
        %parallel_loop3A_633 = arith.cmpi slt, %parallel_loop3A_626, %parallel_loop3A_632 : i32
        %parallel_loop3A_634 = arith.extui %parallel_loop3A_633 : i1 to i32
        %parallel_loop3A_635 = arith.subi %parallel_loop3A_631, %parallel_loop3A_634 : i32
        %parallel_loop3A_636 = arith.constant 0 : i32
        %parallel_loop3A_637 = arith.cmpi sgt, %parallel_loop3A_627, %parallel_loop3A_636 : i32
        %parallel_loop3A_638 = arith.extui %parallel_loop3A_637 : i1 to i32
        %parallel_loop3A_639 = arith.constant 0 : i32
        %parallel_loop3A_640 = arith.cmpi slt, %parallel_loop3A_627, %parallel_loop3A_639 : i32
        %parallel_loop3A_641 = arith.extui %parallel_loop3A_640 : i1 to i32
        %parallel_loop3A_642 = arith.subi %parallel_loop3A_638, %parallel_loop3A_641 : i32
        %parallel_loop3A_643 = arith.cmpi ne, %parallel_loop3A_635, %parallel_loop3A_642 : i32
        %parallel_loop3A_644 = arith.remsi %parallel_loop3A_626, %parallel_loop3A_627 : i32
        %parallel_loop3A_645 = arith.constant 0 : i32
        %parallel_loop3A_646 = arith.cmpi ne, %parallel_loop3A_644, %parallel_loop3A_645 : i32
        %parallel_loop3A_647 = arith.andi %parallel_loop3A_643, %parallel_loop3A_646 : i1
        %parallel_loop3A_648 = arith.constant 1 : i32
        %parallel_loop3A_649 = arith.subi %parallel_loop3A_628, %parallel_loop3A_648 : i32
        %parallel_loop3A_650 = arith.select %parallel_loop3A_647, %parallel_loop3A_649, %parallel_loop3A_628 : i32
        %parallel_loop3A_651 = arith.constant 64 : i32
        %parallel_loop3A_652 = arith.muli %parallel_loop3A_650, %parallel_loop3A_651 : i32
        %parallel_loop3A_653 = arith.subi %parallel_loop3A_626, %parallel_loop3A_652 : i32
        %parallel_loop3A_654 = arith.constant 16 : i32
        %parallel_loop3A_655 = arith.muli %parallel_loop3A_653, %parallel_loop3A_654 : i32
        %parallel_loop3A_656 = arith.constant 1 : i32
        %parallel_loop3A_657 = arith.index_cast %parallel_loop3A_656 : i32 to index
        %parallel_loop3A_658 = arith.index_cast %parallel_loop3A_650 : i32 to index
        %parallel_loop3A_659 = arith.index_cast %parallel_loop3A_655 : i32 to index
        %parallel_loop3A_660 = tpu.vector_load %arg7[%parallel_loop3A_657, %parallel_loop3A_658, %parallel_loop3A_659] {strides = array<i32>} : memref<4x16x1024xf32, #tpu.memory_space<vmem>>, vector<1x1x16xf32>,
        %parallel_loop3A_661 = vector.shape_cast %parallel_loop3A_660 : vector<1x1x16xf32> to vector<16xf32>
        %parallel_loop3A_662 = arith.constant 3.200000e+01 : f32
        %parallel_loop3A_663 = vector.broadcast %parallel_loop3A_662 : f32 to vector<16xf32>
        %parallel_loop3A_664 = arith.mulf %parallel_loop3A_661, %parallel_loop3A_663 : vector<16xf32>
        %parallel_loop3A_665 = arith.constant 0 : i32
        %parallel_loop3A_666 = arith.index_cast %parallel_loop3A_665 : i32 to index
        %parallel_loop3A_667 = arith.index_cast %parallel_loop3A_650 : i32 to index
        %parallel_loop3A_668 = arith.index_cast %parallel_loop3A_655 : i32 to index
        %parallel_loop3A_669 = tpu.vector_load %arg8[%parallel_loop3A_666, %parallel_loop3A_667, %parallel_loop3A_668] {strides = array<i32>} : memref<2x16x1024xf32, #tpu.memory_space<vmem>>, vector<1x1x16xf32>,
        %parallel_loop3A_670 = vector.shape_cast %parallel_loop3A_669 : vector<1x1x16xf32> to vector<16xf32>
        %parallel_loop3A_671 = arith.addf %parallel_loop3A_664, %parallel_loop3A_670 : vector<16xf32>
        %parallel_loop3A_672 = arith.constant 1 : i32
        %parallel_loop3A_673 = arith.index_cast %parallel_loop3A_672 : i32 to index
        %parallel_loop3A_674 = arith.index_cast %parallel_loop3A_650 : i32 to index
        %parallel_loop3A_675 = arith.index_cast %parallel_loop3A_655 : i32 to index
        %parallel_loop3A_676 = tpu.vector_load %arg7[%parallel_loop3A_673, %parallel_loop3A_674, %parallel_loop3A_675] {strides = array<i32>} : memref<4x16x1024xf32, #tpu.memory_space<vmem>>, vector<1x1x16xf32>,
        %parallel_loop3A_677 = vector.shape_cast %parallel_loop3A_676 : vector<1x1x16xf32> to vector<16xf32>
        %parallel_loop3A_678 = vector.shape_cast %parallel_loop3A_671 : vector<16xf32> to vector<1x1x16xf32>
        tpu.vector_store %arg7[%parallel_loop3A_673, %parallel_loop3A_674, %parallel_loop3A_675], %parallel_loop3A_678 {strides = array<i32>} : memref<4x16x1024xf32, #tpu.memory_space<vmem>>, vector<1x1x16xf32>,
      } {sc.loop_unroll_factor = 4 : i64, sc.parallel_access}
      %mul3A_240 = arith.constant 16 : i32
      %mul3A_241 = arith.muli %add3A_131, %mul3A_240 : i32
      %add3A_242 = arith.addi %multiple_of3A, %mul3A_241 : i32
      %multiple_of3A_243 = tpu.assume_multiple %add3A_242, 16 : i32
      %dma_start3A_244 = arith.constant 1 : i32
      %dma_start3A_245 = arith.constant 1 : i32
      %dma_start3A_246 = arith.constant 0 : i32
      %dma_start3A_247 = arith.constant 0 : i32
      %dma_start3A_248 = tpu.memref_slice %arg7[%dma_start3A_244, %dma_start3A_246, %dma_start3A_247] : memref<4x16x1024xf32, #tpu.memory_space<vmem>> -> memref<1x16x1024xf32, #tpu.memory_space<vmem>>
      %dma_start3A_249 = tpu.memref_squeeze %dma_start3A_248 : memref<1x16x1024xf32, #tpu.memory_space<vmem>> -> memref<16x1024xf32, #tpu.memory_space<vmem>>
      %dma_start3A_250 = arith.constant 0 : i32
      %dma_start3A_251 = tpu.memref_slice %arg5[%dma_start3A_245, %multiple_of3A_243, %dma_start3A_250] : memref<4x2048x1024xf32, #tpu.memory_space<hbm>> -> memref<1x16x1024xf32, #tpu.memory_space<hbm>>
      %dma_start3A_252 = tpu.memref_squeeze %dma_start3A_251 : memref<1x16x1024xf32, #tpu.memory_space<hbm>> -> memref<16x1024xf32, #tpu.memory_space<hbm>>
      %dma_start3A_253 = arith.constant 0 : i32
      %dma_start3A_254 = tpu.memref_slice %arg5[%dma_start3A_245, %multiple_of3A_243, %dma_start3A_253] : memref<4x2048x1024xf32, #tpu.memory_space<hbm>> -> memref<1x16x1024xf32, #tpu.memory_space<hbm>>
      %dma_start3A_255 = tpu.memref_squeeze %dma_start3A_254 : memref<1x16x1024xf32, #tpu.memory_space<hbm>> -> memref<16x1024xf32, #tpu.memory_space<hbm>>
      %dma_start3A_256 = arith.constant 0 : i32
      %dma_start3A_257 = arith.constant 0 : i32
      %dma_start3A_258 = tpu.memref_slice %arg7[%dma_start3A_244, %dma_start3A_256, %dma_start3A_257] : memref<4x16x1024xf32, #tpu.memory_space<vmem>> -> memref<1x16x1024xf32, #tpu.memory_space<vmem>>
      %dma_start3A_259 = tpu.memref_squeeze %dma_start3A_258 : memref<1x16x1024xf32, #tpu.memory_space<vmem>> -> memref<16x1024xf32, #tpu.memory_space<vmem>>
      tpu.enqueue_dma source(%dma_start3A_259 : memref<16x1024xf32, #tpu.memory_space<vmem>>) target(%dma_start3A_255 : memref<16x1024xf32, #tpu.memory_space<hbm>>) target_semaphore(%arg16 : memref<!tpu.dma_semaphore, #tpu.memory_space<semaphore_mem>>)
      %mul3A_260 = arith.constant 4 : i32
      %mul3A_261 = arith.muli %add3A_131, %mul3A_260 : i32
      %add3A_262 = arith.constant 2 : i32
      %add3A_263 = arith.addi %mul3A_261, %add3A_262 : i32
      %add3A_264 = arith.constant 1 : i32
      %add3A_265 = arith.addi %add3A_131, %add3A_264 : i32
      %ge3A_266 = arith.constant 2 : i32
      %ge3A_267 = arith.cmpi sge, %add3A_263, %ge3A_266 : i32
      %lt3A_268 = arith.constant 14 : i32
      %lt3A_269 = arith.cmpi slt, %add3A_263, %lt3A_268 : i32
      %and3A_270 = arith.andi %ge3A_267, %lt3A_269 : i1
      %convert_element_type3A_271 = arith.extui %and3A_270 : i1 to i32
      %cond3A_272 = arith.constant 0 : i32
      %cond3A_273 = arith.cmpi ne, %convert_element_type3A_271, %cond3A_272 : i32
      scf.if %cond3A_273 {
        %dma_wait3A_626 = arith.constant 0 : i32
        %dma_wait3A_627 = arith.constant 0 : i32
        %dma_wait3A_628 = arith.constant 0 : i32
        %dma_wait3A_629 = arith.constant 0 : i32
        %dma_wait3A_630 = tpu.memref_slice %arg7[%dma_wait3A_626, %dma_wait3A_628, %dma_wait3A_629] : memref<4x16x1024xf32, #tpu.memory_space<vmem>> -> memref<1x16x1024xf32, #tpu.memory_space<vmem>>
        %dma_wait3A_631 = tpu.memref_squeeze %dma_wait3A_630 : memref<1x16x1024xf32, #tpu.memory_space<vmem>> -> memref<16x1024xf32, #tpu.memory_space<vmem>>
        %dma_wait3A_632 = arith.constant 0 : i32
        %dma_wait3A_633 = arith.constant 0 : i32
        %dma_wait3A_634 = tpu.memref_slice %arg5[%dma_wait3A_627, %dma_wait3A_632, %dma_wait3A_633] : memref<4x2048x1024xf32, #tpu.memory_space<hbm>> -> memref<1x16x1024xf32, #tpu.memory_space<hbm>>
        %dma_wait3A_635 = tpu.memref_squeeze %dma_wait3A_634 : memref<1x16x1024xf32, #tpu.memory_space<hbm>> -> memref<16x1024xf32, #tpu.memory_space<hbm>>
        %dma_wait3A_636 = arith.constant 0 : i32
        %dma_wait3A_637 = arith.constant 0 : i32
        %dma_wait3A_638 = tpu.memref_slice %arg5[%dma_wait3A_627, %dma_wait3A_636, %dma_wait3A_637] : memref<4x2048x1024xf32, #tpu.memory_space<hbm>> -> memref<1x16x1024xf32, #tpu.memory_space<hbm>>
        %dma_wait3A_639 = tpu.memref_squeeze %dma_wait3A_638 : memref<1x16x1024xf32, #tpu.memory_space<hbm>> -> memref<16x1024xf32, #tpu.memory_space<hbm>>
        %dma_wait3A_640 = arith.constant 0 : i32
        %dma_wait3A_641 = arith.constant 0 : i32
        %dma_wait3A_642 = tpu.memref_slice %arg7[%dma_wait3A_626, %dma_wait3A_640, %dma_wait3A_641] : memref<4x16x1024xf32, #tpu.memory_space<vmem>> -> memref<1x16x1024xf32, #tpu.memory_space<vmem>>
        %dma_wait3A_643 = tpu.memref_squeeze %dma_wait3A_642 : memref<1x16x1024xf32, #tpu.memory_space<vmem>> -> memref<16x1024xf32, #tpu.memory_space<vmem>>
        tpu.wait_dma2 semaphore(%arg15 : memref<!tpu.dma_semaphore, #tpu.memory_space<semaphore_mem>>) src(%dma_wait3A_643 : memref<16x1024xf32, #tpu.memory_space<vmem>>) dst(%dma_wait3A_639 : memref<16x1024xf32, #tpu.memory_space<hbm>>)
      } else {
      }
      %lt3A_274 = arith.constant 14 : i32
      %lt3A_275 = arith.cmpi slt, %add3A_263, %lt3A_274 : i32
      %convert_element_type3A_276 = arith.extui %lt3A_275 : i1 to i32
      %cond3A_277 = arith.constant 0 : i32
      %cond3A_278 = arith.cmpi ne, %convert_element_type3A_276, %cond3A_277 : i32
      scf.if %cond3A_278 {
        %mul3A_626 = arith.constant 16 : i32
        %mul3A_627 = arith.muli %add3A_265, %mul3A_626 : i32
        %multiple_of3A_628 = tpu.assume_multiple %mul3A_627, 16 : i32
        %dma_start3A_629 = arith.constant 0 : i32
        %dma_start3A_630 = arith.constant 0 : i32
        %dma_start3A_631 = arith.constant 0 : i32
        %dma_start3A_632 = arith.constant 0 : i32
        %dma_start3A_633 = tpu.memref_slice %arg7[%dma_start3A_630, %dma_start3A_631, %dma_start3A_632] : memref<4x16x1024xf32, #tpu.memory_space<vmem>> -> memref<1x16x1024xf32, #tpu.memory_space<vmem>>
        %dma_start3A_634 = tpu.memref_squeeze %dma_start3A_633 : memref<1x16x1024xf32, #tpu.memory_space<vmem>> -> memref<16x1024xf32, #tpu.memory_space<vmem>>
        %dma_start3A_635 = tpu.memref_slice %arg6[%dma_start3A_629, %multiple_of3A_628] : memref<4x64xi32, #tpu.memory_space<vmem>> -> memref<1x16xi32, #tpu.memory_space<vmem>>
        %dma_start3A_636 = tpu.memref_squeeze %dma_start3A_635 : memref<1x16xi32, #tpu.memory_space<vmem>> -> memref<16xi32, #tpu.memory_space<vmem>>
        %dma_start3A_637 = arith.constant 0 : i32
        %dma_start3A_638 = arith.constant 0 : i32
        %dma_start3A_639 = tpu.memref_slice %arg3[%dma_start3A_637, %dma_start3A_638] : memref<100000x1024xf32, #tpu.memory_space<hbm>> -> memref<100000x1024xf32, #tpu.memory_space<hbm>>
        tpu.enqueue_indirect_dma source(%dma_start3A_639 : memref<100000x1024xf32, #tpu.memory_space<hbm>>) target(%dma_start3A_634 : memref<16x1024xf32, #tpu.memory_space<vmem>>) offsets(%dma_start3A_636 : memref<16xi32, #tpu.memory_space<vmem>>) semaphore(%arg11 : memref<!tpu.dma_semaphore, #tpu.memory_space<semaphore_mem>>)
      } else {
      }
      %dma_wait3A_279 = arith.constant 2 : i32
      %dma_wait3A_280 = arith.constant 0 : i32
      %dma_wait3A_281 = arith.constant 0 : i32
      %dma_wait3A_282 = tpu.memref_slice %arg7[%dma_wait3A_279, %dma_wait3A_280, %dma_wait3A_281] : memref<4x16x1024xf32, #tpu.memory_space<vmem>> -> memref<1x16x1024xf32, #tpu.memory_space<vmem>>
      %dma_wait3A_283 = tpu.memref_squeeze %dma_wait3A_282 : memref<1x16x1024xf32, #tpu.memory_space<vmem>> -> memref<16x1024xf32, #tpu.memory_space<vmem>>
      %dma_wait3A_284 = arith.constant 0 : i32
      %dma_wait3A_285 = arith.constant 0 : i32
      %dma_wait3A_286 = tpu.memref_slice %arg3[%dma_wait3A_284, %dma_wait3A_285] : memref<100000x1024xf32, #tpu.memory_space<hbm>> -> memref<16x1024xf32, #tpu.memory_space<hbm>>
      %dma_wait3A_287 = arith.constant 0 : i32
      %dma_wait3A_288 = arith.constant 0 : i32
      %dma_wait3A_289 = tpu.memref_slice %arg7[%dma_wait3A_279, %dma_wait3A_287, %dma_wait3A_288] : memref<4x16x1024xf32, #tpu.memory_space<vmem>> -> memref<1x16x1024xf32, #tpu.memory_space<vmem>>
      %dma_wait3A_290 = tpu.memref_squeeze %dma_wait3A_289 : memref<1x16x1024xf32, #tpu.memory_space<vmem>> -> memref<16x1024xf32, #tpu.memory_space<vmem>>
      %dma_wait3A_291 = arith.constant 0 : i32
      %dma_wait3A_292 = arith.constant 0 : i32
      %dma_wait3A_293 = tpu.memref_slice %arg3[%dma_wait3A_291, %dma_wait3A_292] : memref<100000x1024xf32, #tpu.memory_space<hbm>> -> memref<16x1024xf32, #tpu.memory_space<hbm>>
      tpu.wait_dma2 semaphore(%arg13 : memref<!tpu.dma_semaphore, #tpu.memory_space<semaphore_mem>>) src(%dma_wait3A_293 : memref<16x1024xf32, #tpu.memory_space<hbm>>) dst(%dma_wait3A_290 : memref<16x1024xf32, #tpu.memory_space<vmem>>)
      %parallel_loop3A_294 = arith.constant 0 : i32
      %parallel_loop3A_295 = arith.constant 1024 : i32
      %parallel_loop3A_296 = arith.constant 1 : i32
      scf.for %parallel_loop3A_626 = %parallel_loop3A_294 to %parallel_loop3A_295 step %parallel_loop3A_296  : i32 {
        %parallel_loop3A_627 = arith.constant 64 : i32
        %parallel_loop3A_628 = arith.divsi %parallel_loop3A_626, %parallel_loop3A_627 : i32
        %parallel_loop3A_629 = arith.constant 0 : i32
        %parallel_loop3A_630 = arith.cmpi sgt, %parallel_loop3A_626, %parallel_loop3A_629 : i32
        %parallel_loop3A_631 = arith.extui %parallel_loop3A_630 : i1 to i32
        %parallel_loop3A_632 = arith.constant 0 : i32
        %parallel_loop3A_633 = arith.cmpi slt, %parallel_loop3A_626, %parallel_loop3A_632 : i32
        %parallel_loop3A_634 = arith.extui %parallel_loop3A_633 : i1 to i32
        %parallel_loop3A_635 = arith.subi %parallel_loop3A_631, %parallel_loop3A_634 : i32
        %parallel_loop3A_636 = arith.constant 0 : i32
        %parallel_loop3A_637 = arith.cmpi sgt, %parallel_loop3A_627, %parallel_loop3A_636 : i32
        %parallel_loop3A_638 = arith.extui %parallel_loop3A_637 : i1 to i32
        %parallel_loop3A_639 = arith.constant 0 : i32
        %parallel_loop3A_640 = arith.cmpi slt, %parallel_loop3A_627, %parallel_loop3A_639 : i32
        %parallel_loop3A_641 = arith.extui %parallel_loop3A_640 : i1 to i32
        %parallel_loop3A_642 = arith.subi %parallel_loop3A_638, %parallel_loop3A_641 : i32
        %parallel_loop3A_643 = arith.cmpi ne, %parallel_loop3A_635, %parallel_loop3A_642 : i32
        %parallel_loop3A_644 = arith.remsi %parallel_loop3A_626, %parallel_loop3A_627 : i32
        %parallel_loop3A_645 = arith.constant 0 : i32
        %parallel_loop3A_646 = arith.cmpi ne, %parallel_loop3A_644, %parallel_loop3A_645 : i32
        %parallel_loop3A_647 = arith.andi %parallel_loop3A_643, %parallel_loop3A_646 : i1
        %parallel_loop3A_648 = arith.constant 1 : i32
        %parallel_loop3A_649 = arith.subi %parallel_loop3A_628, %parallel_loop3A_648 : i32
        %parallel_loop3A_650 = arith.select %parallel_loop3A_647, %parallel_loop3A_649, %parallel_loop3A_628 : i32
        %parallel_loop3A_651 = arith.constant 64 : i32
        %parallel_loop3A_652 = arith.muli %parallel_loop3A_650, %parallel_loop3A_651 : i32
        %parallel_loop3A_653 = arith.subi %parallel_loop3A_626, %parallel_loop3A_652 : i32
        %parallel_loop3A_654 = arith.constant 16 : i32
        %parallel_loop3A_655 = arith.muli %parallel_loop3A_653, %parallel_loop3A_654 : i32
        %parallel_loop3A_656 = arith.constant 2 : i32
        %parallel_loop3A_657 = arith.index_cast %parallel_loop3A_656 : i32 to index
        %parallel_loop3A_658 = arith.index_cast %parallel_loop3A_650 : i32 to index
        %parallel_loop3A_659 = arith.index_cast %parallel_loop3A_655 : i32 to index
        %parallel_loop3A_660 = tpu.vector_load %arg7[%parallel_loop3A_657, %parallel_loop3A_658, %parallel_loop3A_659] {strides = array<i32>} : memref<4x16x1024xf32, #tpu.memory_space<vmem>>, vector<1x1x16xf32>,
        %parallel_loop3A_661 = vector.shape_cast %parallel_loop3A_660 : vector<1x1x16xf32> to vector<16xf32>
        %parallel_loop3A_662 = arith.constant 3.200000e+01 : f32
        %parallel_loop3A_663 = vector.broadcast %parallel_loop3A_662 : f32 to vector<16xf32>
        %parallel_loop3A_664 = arith.mulf %parallel_loop3A_661, %parallel_loop3A_663 : vector<16xf32>
        %parallel_loop3A_665 = arith.constant 0 : i32
        %parallel_loop3A_666 = arith.index_cast %parallel_loop3A_665 : i32 to index
        %parallel_loop3A_667 = arith.index_cast %parallel_loop3A_650 : i32 to index
        %parallel_loop3A_668 = arith.index_cast %parallel_loop3A_655 : i32 to index
        %parallel_loop3A_669 = tpu.vector_load %arg8[%parallel_loop3A_666, %parallel_loop3A_667, %parallel_loop3A_668] {strides = array<i32>} : memref<2x16x1024xf32, #tpu.memory_space<vmem>>, vector<1x1x16xf32>,
        %parallel_loop3A_670 = vector.shape_cast %parallel_loop3A_669 : vector<1x1x16xf32> to vector<16xf32>
        %parallel_loop3A_671 = arith.addf %parallel_loop3A_664, %parallel_loop3A_670 : vector<16xf32>
        %parallel_loop3A_672 = arith.constant 2 : i32
        %parallel_loop3A_673 = arith.index_cast %parallel_loop3A_672 : i32 to index
        %parallel_loop3A_674 = arith.index_cast %parallel_loop3A_650 : i32 to index
        %parallel_loop3A_675 = arith.index_cast %parallel_loop3A_655 : i32 to index
        %parallel_loop3A_676 = tpu.vector_load %arg7[%parallel_loop3A_673, %parallel_loop3A_674, %parallel_loop3A_675] {strides = array<i32>} : memref<4x16x1024xf32, #tpu.memory_space<vmem>>, vector<1x1x16xf32>,
        %parallel_loop3A_677 = vector.shape_cast %parallel_loop3A_676 : vector<1x1x16xf32> to vector<16xf32>
        %parallel_loop3A_678 = vector.shape_cast %parallel_loop3A_671 : vector<16xf32> to vector<1x1x16xf32>
        tpu.vector_store %arg7[%parallel_loop3A_673, %parallel_loop3A_674, %parallel_loop3A_675], %parallel_loop3A_678 {strides = array<i32>} : memref<4x16x1024xf32, #tpu.memory_space<vmem>>, vector<1x1x16xf32>,
      } {sc.loop_unroll_factor = 4 : i64, sc.parallel_access}
      %mul3A_297 = arith.constant 16 : i32
      %mul3A_298 = arith.muli %add3A_131, %mul3A_297 : i32
      %add3A_299 = arith.addi %multiple_of3A, %mul3A_298 : i32
      %multiple_of3A_300 = tpu.assume_multiple %add3A_299, 16 : i32
      %dma_start3A_301 = arith.constant 2 : i32
      %dma_start3A_302 = arith.constant 2 : i32
      %dma_start3A_303 = arith.constant 0 : i32
      %dma_start3A_304 = arith.constant 0 : i32
      %dma_start3A_305 = tpu.memref_slice %arg7[%dma_start3A_301, %dma_start3A_303, %dma_start3A_304] : memref<4x16x1024xf32, #tpu.memory_space<vmem>> -> memref<1x16x1024xf32, #tpu.memory_space<vmem>>
      %dma_start3A_306 = tpu.memref_squeeze %dma_start3A_305 : memref<1x16x1024xf32, #tpu.memory_space<vmem>> -> memref<16x1024xf32, #tpu.memory_space<vmem>>
      %dma_start3A_307 = arith.constant 0 : i32
      %dma_start3A_308 = tpu.memref_slice %arg5[%dma_start3A_302, %multiple_of3A_300, %dma_start3A_307] : memref<4x2048x1024xf32, #tpu.memory_space<hbm>> -> memref<1x16x1024xf32, #tpu.memory_space<hbm>>
      %dma_start3A_309 = tpu.memref_squeeze %dma_start3A_308 : memref<1x16x1024xf32, #tpu.memory_space<hbm>> -> memref<16x1024xf32, #tpu.memory_space<hbm>>
      %dma_start3A_310 = arith.constant 0 : i32
      %dma_start3A_311 = tpu.memref_slice %arg5[%dma_start3A_302, %multiple_of3A_300, %dma_start3A_310] : memref<4x2048x1024xf32, #tpu.memory_space<hbm>> -> memref<1x16x1024xf32, #tpu.memory_space<hbm>>
      %dma_start3A_312 = tpu.memref_squeeze %dma_start3A_311 : memref<1x16x1024xf32, #tpu.memory_space<hbm>> -> memref<16x1024xf32, #tpu.memory_space<hbm>>
      %dma_start3A_313 = arith.constant 0 : i32
      %dma_start3A_314 = arith.constant 0 : i32
      %dma_start3A_315 = tpu.memref_slice %arg7[%dma_start3A_301, %dma_start3A_313, %dma_start3A_314] : memref<4x16x1024xf32, #tpu.memory_space<vmem>> -> memref<1x16x1024xf32, #tpu.memory_space<vmem>>
      %dma_start3A_316 = tpu.memref_squeeze %dma_start3A_315 : memref<1x16x1024xf32, #tpu.memory_space<vmem>> -> memref<16x1024xf32, #tpu.memory_space<vmem>>
      tpu.enqueue_dma source(%dma_start3A_316 : memref<16x1024xf32, #tpu.memory_space<vmem>>) target(%dma_start3A_312 : memref<16x1024xf32, #tpu.memory_space<hbm>>) target_semaphore(%arg17 : memref<!tpu.dma_semaphore, #tpu.memory_space<semaphore_mem>>)
      %mul3A_317 = arith.constant 4 : i32
      %mul3A_318 = arith.muli %add3A_131, %mul3A_317 : i32
      %add3A_319 = arith.constant 3 : i32
      %add3A_320 = arith.addi %mul3A_318, %add3A_319 : i32
      %add3A_321 = arith.constant 1 : i32
      %add3A_322 = arith.addi %add3A_131, %add3A_321 : i32
      %ge3A_323 = arith.constant 2 : i32
      %ge3A_324 = arith.cmpi sge, %add3A_320, %ge3A_323 : i32
      %lt3A_325 = arith.constant 14 : i32
      %lt3A_326 = arith.cmpi slt, %add3A_320, %lt3A_325 : i32
      %and3A_327 = arith.andi %ge3A_324, %lt3A_326 : i1
      %convert_element_type3A_328 = arith.extui %and3A_327 : i1 to i32
      %cond3A_329 = arith.constant 0 : i32
      %cond3A_330 = arith.cmpi ne, %convert_element_type3A_328, %cond3A_329 : i32
      scf.if %cond3A_330 {
        %dma_wait3A_626 = arith.constant 1 : i32
        %dma_wait3A_627 = arith.constant 0 : i32
        %dma_wait3A_628 = arith.constant 0 : i32
        %dma_wait3A_629 = arith.constant 0 : i32
        %dma_wait3A_630 = tpu.memref_slice %arg7[%dma_wait3A_626, %dma_wait3A_628, %dma_wait3A_629] : memref<4x16x1024xf32, #tpu.memory_space<vmem>> -> memref<1x16x1024xf32, #tpu.memory_space<vmem>>
        %dma_wait3A_631 = tpu.memref_squeeze %dma_wait3A_630 : memref<1x16x1024xf32, #tpu.memory_space<vmem>> -> memref<16x1024xf32, #tpu.memory_space<vmem>>
        %dma_wait3A_632 = arith.constant 0 : i32
        %dma_wait3A_633 = arith.constant 0 : i32
        %dma_wait3A_634 = tpu.memref_slice %arg5[%dma_wait3A_627, %dma_wait3A_632, %dma_wait3A_633] : memref<4x2048x1024xf32, #tpu.memory_space<hbm>> -> memref<1x16x1024xf32, #tpu.memory_space<hbm>>
        %dma_wait3A_635 = tpu.memref_squeeze %dma_wait3A_634 : memref<1x16x1024xf32, #tpu.memory_space<hbm>> -> memref<16x1024xf32, #tpu.memory_space<hbm>>
        %dma_wait3A_636 = arith.constant 0 : i32
        %dma_wait3A_637 = arith.constant 0 : i32
        %dma_wait3A_638 = tpu.memref_slice %arg5[%dma_wait3A_627, %dma_wait3A_636, %dma_wait3A_637] : memref<4x2048x1024xf32, #tpu.memory_space<hbm>> -> memref<1x16x1024xf32, #tpu.memory_space<hbm>>
        %dma_wait3A_639 = tpu.memref_squeeze %dma_wait3A_638 : memref<1x16x1024xf32, #tpu.memory_space<hbm>> -> memref<16x1024xf32, #tpu.memory_space<hbm>>
        %dma_wait3A_640 = arith.constant 0 : i32
        %dma_wait3A_641 = arith.constant 0 : i32
        %dma_wait3A_642 = tpu.memref_slice %arg7[%dma_wait3A_626, %dma_wait3A_640, %dma_wait3A_641] : memref<4x16x1024xf32, #tpu.memory_space<vmem>> -> memref<1x16x1024xf32, #tpu.memory_space<vmem>>
        %dma_wait3A_643 = tpu.memref_squeeze %dma_wait3A_642 : memref<1x16x1024xf32, #tpu.memory_space<vmem>> -> memref<16x1024xf32, #tpu.memory_space<vmem>>
        tpu.wait_dma2 semaphore(%arg16 : memref<!tpu.dma_semaphore, #tpu.memory_space<semaphore_mem>>) src(%dma_wait3A_643 : memref<16x1024xf32, #tpu.memory_space<vmem>>) dst(%dma_wait3A_639 : memref<16x1024xf32, #tpu.memory_space<hbm>>)
      } else {
      }
      %lt3A_331 = arith.constant 14 : i32
      %lt3A_332 = arith.cmpi slt, %add3A_320, %lt3A_331 : i32
      %convert_element_type3A_333 = arith.extui %lt3A_332 : i1 to i32
      %cond3A_334 = arith.constant 0 : i32
      %cond3A_335 = arith.cmpi ne, %convert_element_type3A_333, %cond3A_334 : i32
      scf.if %cond3A_335 {
        %mul3A_626 = arith.constant 16 : i32
        %mul3A_627 = arith.muli %add3A_322, %mul3A_626 : i32
        %multiple_of3A_628 = tpu.assume_multiple %mul3A_627, 16 : i32
        %dma_start3A_629 = arith.constant 1 : i32
        %dma_start3A_630 = arith.constant 1 : i32
        %dma_start3A_631 = arith.constant 0 : i32
        %dma_start3A_632 = arith.constant 0 : i32
        %dma_start3A_633 = tpu.memref_slice %arg7[%dma_start3A_630, %dma_start3A_631, %dma_start3A_632] : memref<4x16x1024xf32, #tpu.memory_space<vmem>> -> memref<1x16x1024xf32, #tpu.memory_space<vmem>>
        %dma_start3A_634 = tpu.memref_squeeze %dma_start3A_633 : memref<1x16x1024xf32, #tpu.memory_space<vmem>> -> memref<16x1024xf32, #tpu.memory_space<vmem>>
        %dma_start3A_635 = tpu.memref_slice %arg6[%dma_start3A_629, %multiple_of3A_628] : memref<4x64xi32, #tpu.memory_space<vmem>> -> memref<1x16xi32, #tpu.memory_space<vmem>>
        %dma_start3A_636 = tpu.memref_squeeze %dma_start3A_635 : memref<1x16xi32, #tpu.memory_space<vmem>> -> memref<16xi32, #tpu.memory_space<vmem>>
        %dma_start3A_637 = arith.constant 0 : i32
        %dma_start3A_638 = arith.constant 0 : i32
        %dma_start3A_639 = tpu.memref_slice %arg3[%dma_start3A_637, %dma_start3A_638] : memref<100000x1024xf32, #tpu.memory_space<hbm>> -> memref<100000x1024xf32, #tpu.memory_space<hbm>>
        tpu.enqueue_indirect_dma source(%dma_start3A_639 : memref<100000x1024xf32, #tpu.memory_space<hbm>>) target(%dma_start3A_634 : memref<16x1024xf32, #tpu.memory_space<vmem>>) offsets(%dma_start3A_636 : memref<16xi32, #tpu.memory_space<vmem>>) semaphore(%arg12 : memref<!tpu.dma_semaphore, #tpu.memory_space<semaphore_mem>>)
      } else {
      }
      %dma_wait3A_336 = arith.constant 3 : i32
      %dma_wait3A_337 = arith.constant 0 : i32
      %dma_wait3A_338 = arith.constant 0 : i32
      %dma_wait3A_339 = tpu.memref_slice %arg7[%dma_wait3A_336, %dma_wait3A_337, %dma_wait3A_338] : memref<4x16x1024xf32, #tpu.memory_space<vmem>> -> memref<1x16x1024xf32, #tpu.memory_space<vmem>>
      %dma_wait3A_340 = tpu.memref_squeeze %dma_wait3A_339 : memref<1x16x1024xf32, #tpu.memory_space<vmem>> -> memref<16x1024xf32, #tpu.memory_space<vmem>>
      %dma_wait3A_341 = arith.constant 0 : i32
      %dma_wait3A_342 = arith.constant 0 : i32
      %dma_wait3A_343 = tpu.memref_slice %arg3[%dma_wait3A_341, %dma_wait3A_342] : memref<100000x1024xf32, #tpu.memory_space<hbm>> -> memref<16x1024xf32, #tpu.memory_space<hbm>>
      %dma_wait3A_344 = arith.constant 0 : i32
      %dma_wait3A_345 = arith.constant 0 : i32
      %dma_wait3A_346 = tpu.memref_slice %arg7[%dma_wait3A_336, %dma_wait3A_344, %dma_wait3A_345] : memref<4x16x1024xf32, #tpu.memory_space<vmem>> -> memref<1x16x1024xf32, #tpu.memory_space<vmem>>
      %dma_wait3A_347 = tpu.memref_squeeze %dma_wait3A_346 : memref<1x16x1024xf32, #tpu.memory_space<vmem>> -> memref<16x1024xf32, #tpu.memory_space<vmem>>
      %dma_wait3A_348 = arith.constant 0 : i32
      %dma_wait3A_349 = arith.constant 0 : i32
      %dma_wait3A_350 = tpu.memref_slice %arg3[%dma_wait3A_348, %dma_wait3A_349] : memref<100000x1024xf32, #tpu.memory_space<hbm>> -> memref<16x1024xf32, #tpu.memory_space<hbm>>
      tpu.wait_dma2 semaphore(%arg14 : memref<!tpu.dma_semaphore, #tpu.memory_space<semaphore_mem>>) src(%dma_wait3A_350 : memref<16x1024xf32, #tpu.memory_space<hbm>>) dst(%dma_wait3A_347 : memref<16x1024xf32, #tpu.memory_space<vmem>>)
      %parallel_loop3A_351 = arith.constant 0 : i32
      %parallel_loop3A_352 = arith.constant 1024 : i32
      %parallel_loop3A_353 = arith.constant 1 : i32
      scf.for %parallel_loop3A_626 = %parallel_loop3A_351 to %parallel_loop3A_352 step %parallel_loop3A_353  : i32 {
        %parallel_loop3A_627 = arith.constant 64 : i32
        %parallel_loop3A_628 = arith.divsi %parallel_loop3A_626, %parallel_loop3A_627 : i32
        %parallel_loop3A_629 = arith.constant 0 : i32
        %parallel_loop3A_630 = arith.cmpi sgt, %parallel_loop3A_626, %parallel_loop3A_629 : i32
        %parallel_loop3A_631 = arith.extui %parallel_loop3A_630 : i1 to i32
        %parallel_loop3A_632 = arith.constant 0 : i32
        %parallel_loop3A_633 = arith.cmpi slt, %parallel_loop3A_626, %parallel_loop3A_632 : i32
        %parallel_loop3A_634 = arith.extui %parallel_loop3A_633 : i1 to i32
        %parallel_loop3A_635 = arith.subi %parallel_loop3A_631, %parallel_loop3A_634 : i32
        %parallel_loop3A_636 = arith.constant 0 : i32
        %parallel_loop3A_637 = arith.cmpi sgt, %parallel_loop3A_627, %parallel_loop3A_636 : i32
        %parallel_loop3A_638 = arith.extui %parallel_loop3A_637 : i1 to i32
        %parallel_loop3A_639 = arith.constant 0 : i32
        %parallel_loop3A_640 = arith.cmpi slt, %parallel_loop3A_627, %parallel_loop3A_639 : i32
        %parallel_loop3A_641 = arith.extui %parallel_loop3A_640 : i1 to i32
        %parallel_loop3A_642 = arith.subi %parallel_loop3A_638, %parallel_loop3A_641 : i32
        %parallel_loop3A_643 = arith.cmpi ne, %parallel_loop3A_635, %parallel_loop3A_642 : i32
        %parallel_loop3A_644 = arith.remsi %parallel_loop3A_626, %parallel_loop3A_627 : i32
        %parallel_loop3A_645 = arith.constant 0 : i32
        %parallel_loop3A_646 = arith.cmpi ne, %parallel_loop3A_644, %parallel_loop3A_645 : i32
        %parallel_loop3A_647 = arith.andi %parallel_loop3A_643, %parallel_loop3A_646 : i1
        %parallel_loop3A_648 = arith.constant 1 : i32
        %parallel_loop3A_649 = arith.subi %parallel_loop3A_628, %parallel_loop3A_648 : i32
        %parallel_loop3A_650 = arith.select %parallel_loop3A_647, %parallel_loop3A_649, %parallel_loop3A_628 : i32
        %parallel_loop3A_651 = arith.constant 64 : i32
        %parallel_loop3A_652 = arith.muli %parallel_loop3A_650, %parallel_loop3A_651 : i32
        %parallel_loop3A_653 = arith.subi %parallel_loop3A_626, %parallel_loop3A_652 : i32
        %parallel_loop3A_654 = arith.constant 16 : i32
        %parallel_loop3A_655 = arith.muli %parallel_loop3A_653, %parallel_loop3A_654 : i32
        %parallel_loop3A_656 = arith.constant 3 : i32
        %parallel_loop3A_657 = arith.index_cast %parallel_loop3A_656 : i32 to index
        %parallel_loop3A_658 = arith.index_cast %parallel_loop3A_650 : i32 to index
        %parallel_loop3A_659 = arith.index_cast %parallel_loop3A_655 : i32 to index
        %parallel_loop3A_660 = tpu.vector_load %arg7[%parallel_loop3A_657, %parallel_loop3A_658, %parallel_loop3A_659] {strides = array<i32>} : memref<4x16x1024xf32, #tpu.memory_space<vmem>>, vector<1x1x16xf32>,
        %parallel_loop3A_661 = vector.shape_cast %parallel_loop3A_660 : vector<1x1x16xf32> to vector<16xf32>
        %parallel_loop3A_662 = arith.constant 3.200000e+01 : f32
        %parallel_loop3A_663 = vector.broadcast %parallel_loop3A_662 : f32 to vector<16xf32>
        %parallel_loop3A_664 = arith.mulf %parallel_loop3A_661, %parallel_loop3A_663 : vector<16xf32>
        %parallel_loop3A_665 = arith.constant 0 : i32
        %parallel_loop3A_666 = arith.index_cast %parallel_loop3A_665 : i32 to index
        %parallel_loop3A_667 = arith.index_cast %parallel_loop3A_650 : i32 to index
        %parallel_loop3A_668 = arith.index_cast %parallel_loop3A_655 : i32 to index
        %parallel_loop3A_669 = tpu.vector_load %arg8[%parallel_loop3A_666, %parallel_loop3A_667, %parallel_loop3A_668] {strides = array<i32>} : memref<2x16x1024xf32, #tpu.memory_space<vmem>>, vector<1x1x16xf32>,
        %parallel_loop3A_670 = vector.shape_cast %parallel_loop3A_669 : vector<1x1x16xf32> to vector<16xf32>
        %parallel_loop3A_671 = arith.addf %parallel_loop3A_664, %parallel_loop3A_670 : vector<16xf32>
        %parallel_loop3A_672 = arith.constant 3 : i32
        %parallel_loop3A_673 = arith.index_cast %parallel_loop3A_672 : i32 to index
        %parallel_loop3A_674 = arith.index_cast %parallel_loop3A_650 : i32 to index
        %parallel_loop3A_675 = arith.index_cast %parallel_loop3A_655 : i32 to index
        %parallel_loop3A_676 = tpu.vector_load %arg7[%parallel_loop3A_673, %parallel_loop3A_674, %parallel_loop3A_675] {strides = array<i32>} : memref<4x16x1024xf32, #tpu.memory_space<vmem>>, vector<1x1x16xf32>,
        %parallel_loop3A_677 = vector.shape_cast %parallel_loop3A_676 : vector<1x1x16xf32> to vector<16xf32>
        %parallel_loop3A_678 = vector.shape_cast %parallel_loop3A_671 : vector<16xf32> to vector<1x1x16xf32>
        tpu.vector_store %arg7[%parallel_loop3A_673, %parallel_loop3A_674, %parallel_loop3A_675], %parallel_loop3A_678 {strides = array<i32>} : memref<4x16x1024xf32, #tpu.memory_space<vmem>>, vector<1x1x16xf32>,
      } {sc.loop_unroll_factor = 4 : i64, sc.parallel_access}
      %mul3A_354 = arith.constant 16 : i32
      %mul3A_355 = arith.muli %add3A_131, %mul3A_354 : i32
      %add3A_356 = arith.addi %multiple_of3A, %mul3A_355 : i32
      %multiple_of3A_357 = tpu.assume_multiple %add3A_356, 16 : i32
      %dma_start3A_358 = arith.constant 3 : i32
      %dma_start3A_359 = arith.constant 3 : i32
      %dma_start3A_360 = arith.constant 0 : i32
      %dma_start3A_361 = arith.constant 0 : i32
      %dma_start3A_362 = tpu.memref_slice %arg7[%dma_start3A_358, %dma_start3A_360, %dma_start3A_361] : memref<4x16x1024xf32, #tpu.memory_space<vmem>> -> memref<1x16x1024xf32, #tpu.memory_space<vmem>>
      %dma_start3A_363 = tpu.memref_squeeze %dma_start3A_362 : memref<1x16x1024xf32, #tpu.memory_space<vmem>> -> memref<16x1024xf32, #tpu.memory_space<vmem>>
      %dma_start3A_364 = arith.constant 0 : i32
      %dma_start3A_365 = tpu.memref_slice %arg5[%dma_start3A_359, %multiple_of3A_357, %dma_start3A_364] : memref<4x2048x1024xf32, #tpu.memory_space<hbm>> -> memref<1x16x1024xf32, #tpu.memory_space<hbm>>
      %dma_start3A_366 = tpu.memref_squeeze %dma_start3A_365 : memref<1x16x1024xf32, #tpu.memory_space<hbm>> -> memref<16x1024xf32, #tpu.memory_space<hbm>>
      %dma_start3A_367 = arith.constant 0 : i32
      %dma_start3A_368 = tpu.memref_slice %arg5[%dma_start3A_359, %multiple_of3A_357, %dma_start3A_367] : memref<4x2048x1024xf32, #tpu.memory_space<hbm>> -> memref<1x16x1024xf32, #tpu.memory_space<hbm>>
      %dma_start3A_369 = tpu.memref_squeeze %dma_start3A_368 : memref<1x16x1024xf32, #tpu.memory_space<hbm>> -> memref<16x1024xf32, #tpu.memory_space<hbm>>
      %dma_start3A_370 = arith.constant 0 : i32
      %dma_start3A_371 = arith.constant 0 : i32
      %dma_start3A_372 = tpu.memref_slice %arg7[%dma_start3A_358, %dma_start3A_370, %dma_start3A_371] : memref<4x16x1024xf32, #tpu.memory_space<vmem>> -> memref<1x16x1024xf32, #tpu.memory_space<vmem>>
      %dma_start3A_373 = tpu.memref_squeeze %dma_start3A_372 : memref<1x16x1024xf32, #tpu.memory_space<vmem>> -> memref<16x1024xf32, #tpu.memory_space<vmem>>
      tpu.enqueue_dma source(%dma_start3A_373 : memref<16x1024xf32, #tpu.memory_space<vmem>>) target(%dma_start3A_369 : memref<16x1024xf32, #tpu.memory_space<hbm>>) target_semaphore(%arg18 : memref<!tpu.dma_semaphore, #tpu.memory_space<semaphore_mem>>)
      %mul3A_374 = arith.constant 2 : i32
      %mul3A_375 = arith.muli %scan3A_127, %mul3A_374 : i32
      %add3A_376 = arith.constant 1 : i32
      %add3A_377 = arith.addi %mul3A_375, %add3A_376 : i32
      %lt3A_378 = arith.constant 3 : i32
      %lt3A_379 = arith.cmpi slt, %add3A_377, %lt3A_378 : i32
      %convert_element_type3A_380 = arith.extui %lt3A_379 : i1 to i32
      %cond3A_381 = arith.constant 0 : i32
      %cond3A_382 = arith.cmpi ne, %convert_element_type3A_380, %cond3A_381 : i32
      scf.if %cond3A_382 {
        %add3A_626 = arith.constant 1 : i32
        %add3A_627 = arith.addi %add3A_377, %add3A_626 : i32
        %mul3A_628 = arith.constant 16 : i32
        %mul3A_629 = arith.muli %add3A_627, %mul3A_628 : i32
        %add3A_630 = arith.addi %multiple_of3A, %mul3A_629 : i32
        %multiple_of3A_631 = tpu.assume_multiple %add3A_630, 16 : i32
        %dma_start3A_632 = arith.constant 0 : i32
        %dma_start3A_633 = arith.constant 0 : i32
        %dma_start3A_634 = arith.constant 0 : i32
        %dma_start3A_635 = tpu.memref_slice %arg8[%dma_start3A_632, %dma_start3A_633, %dma_start3A_634] : memref<2x16x1024xf32, #tpu.memory_space<vmem>> -> memref<1x16x1024xf32, #tpu.memory_space<vmem>>
        %dma_start3A_636 = tpu.memref_squeeze %dma_start3A_635 : memref<1x16x1024xf32, #tpu.memory_space<vmem>> -> memref<16x1024xf32, #tpu.memory_space<vmem>>
        %dma_start3A_637 = arith.constant 0 : i32
        %dma_start3A_638 = tpu.memref_slice %arg4[%multiple_of3A_631, %dma_start3A_637] : memref<2048x1024xf32, #tpu.memory_space<hbm>> -> memref<16x1024xf32, #tpu.memory_space<hbm>>
        %dma_start3A_639 = arith.constant 0 : i32
        %dma_start3A_640 = arith.constant 0 : i32
        %dma_start3A_641 = tpu.memref_slice %arg8[%dma_start3A_632, %dma_start3A_639, %dma_start3A_640] : memref<2x16x1024xf32, #tpu.memory_space<vmem>> -> memref<1x16x1024xf32, #tpu.memory_space<vmem>>
        %dma_start3A_642 = tpu.memref_squeeze %dma_start3A_641 : memref<1x16x1024xf32, #tpu.memory_space<vmem>> -> memref<16x1024xf32, #tpu.memory_space<vmem>>
        %dma_start3A_643 = arith.constant 0 : i32
        %dma_start3A_644 = tpu.memref_slice %arg4[%multiple_of3A_631, %dma_start3A_643] : memref<2048x1024xf32, #tpu.memory_space<hbm>> -> memref<16x1024xf32, #tpu.memory_space<hbm>>
        tpu.enqueue_dma source(%dma_start3A_644 : memref<16x1024xf32, #tpu.memory_space<hbm>>) target(%dma_start3A_642 : memref<16x1024xf32, #tpu.memory_space<vmem>>) target_semaphore(%arg9 : memref<!tpu.dma_semaphore, #tpu.memory_space<semaphore_mem>>)
      } else {
      }
      %dma_wait3A_383 = arith.constant 1 : i32
      %dma_wait3A_384 = arith.constant 0 : i32
      %dma_wait3A_385 = arith.constant 0 : i32
      %dma_wait3A_386 = tpu.memref_slice %arg8[%dma_wait3A_383, %dma_wait3A_384, %dma_wait3A_385] : memref<2x16x1024xf32, #tpu.memory_space<vmem>> -> memref<1x16x1024xf32, #tpu.memory_space<vmem>>
      %dma_wait3A_387 = tpu.memref_squeeze %dma_wait3A_386 : memref<1x16x1024xf32, #tpu.memory_space<vmem>> -> memref<16x1024xf32, #tpu.memory_space<vmem>>
      %dma_wait3A_388 = arith.constant 0 : i32
      %dma_wait3A_389 = arith.constant 0 : i32
      %dma_wait3A_390 = tpu.memref_slice %arg4[%dma_wait3A_388, %dma_wait3A_389] : memref<2048x1024xf32, #tpu.memory_space<hbm>> -> memref<16x1024xf32, #tpu.memory_space<hbm>>
      %dma_wait3A_391 = arith.constant 0 : i32
      %dma_wait3A_392 = arith.constant 0 : i32
      %dma_wait3A_393 = tpu.memref_slice %arg8[%dma_wait3A_383, %dma_wait3A_391, %dma_wait3A_392] : memref<2x16x1024xf32, #tpu.memory_space<vmem>> -> memref<1x16x1024xf32, #tpu.memory_space<vmem>>
      %dma_wait3A_394 = tpu.memref_squeeze %dma_wait3A_393 : memref<1x16x1024xf32, #tpu.memory_space<vmem>> -> memref<16x1024xf32, #tpu.memory_space<vmem>>
      %dma_wait3A_395 = arith.constant 0 : i32
      %dma_wait3A_396 = arith.constant 0 : i32
      %dma_wait3A_397 = tpu.memref_slice %arg4[%dma_wait3A_395, %dma_wait3A_396] : memref<2048x1024xf32, #tpu.memory_space<hbm>> -> memref<16x1024xf32, #tpu.memory_space<hbm>>
      tpu.wait_dma2 semaphore(%arg10 : memref<!tpu.dma_semaphore, #tpu.memory_space<semaphore_mem>>) src(%dma_wait3A_397 : memref<16x1024xf32, #tpu.memory_space<hbm>>) dst(%dma_wait3A_394 : memref<16x1024xf32, #tpu.memory_space<vmem>>)
      %mul3A_398 = arith.constant 4 : i32
      %mul3A_399 = arith.muli %add3A_377, %mul3A_398 : i32
      %add3A_400 = arith.constant 0 : i32
      %add3A_401 = arith.addi %mul3A_399, %add3A_400 : i32
      %add3A_402 = arith.constant 0 : i32
      %add3A_403 = arith.addi %add3A_377, %add3A_402 : i32
      %ge3A_404 = arith.constant 2 : i32
      %ge3A_405 = arith.cmpi sge, %add3A_401, %ge3A_404 : i32
      %lt3A_406 = arith.constant 14 : i32
      %lt3A_407 = arith.cmpi slt, %add3A_401, %lt3A_406 : i32
      %and3A_408 = arith.andi %ge3A_405, %lt3A_407 : i1
      %convert_element_type3A_409 = arith.extui %and3A_408 : i1 to i32
      %cond3A_410 = arith.constant 0 : i32
      %cond3A_411 = arith.cmpi ne, %convert_element_type3A_409, %cond3A_410 : i32
      scf.if %cond3A_411 {
        %dma_wait3A_626 = arith.constant 2 : i32
        %dma_wait3A_627 = arith.constant 0 : i32
        %dma_wait3A_628 = arith.constant 0 : i32
        %dma_wait3A_629 = arith.constant 0 : i32
        %dma_wait3A_630 = tpu.memref_slice %arg7[%dma_wait3A_626, %dma_wait3A_628, %dma_wait3A_629] : memref<4x16x1024xf32, #tpu.memory_space<vmem>> -> memref<1x16x1024xf32, #tpu.memory_space<vmem>>
        %dma_wait3A_631 = tpu.memref_squeeze %dma_wait3A_630 : memref<1x16x1024xf32, #tpu.memory_space<vmem>> -> memref<16x1024xf32, #tpu.memory_space<vmem>>
        %dma_wait3A_632 = arith.constant 0 : i32
        %dma_wait3A_633 = arith.constant 0 : i32
        %dma_wait3A_634 = tpu.memref_slice %arg5[%dma_wait3A_627, %dma_wait3A_632, %dma_wait3A_633] : memref<4x2048x1024xf32, #tpu.memory_space<hbm>> -> memref<1x16x1024xf32, #tpu.memory_space<hbm>>
        %dma_wait3A_635 = tpu.memref_squeeze %dma_wait3A_634 : memref<1x16x1024xf32, #tpu.memory_space<hbm>> -> memref<16x1024xf32, #tpu.memory_space<hbm>>
        %dma_wait3A_636 = arith.constant 0 : i32
        %dma_wait3A_637 = arith.constant 0 : i32
        %dma_wait3A_638 = tpu.memref_slice %arg5[%dma_wait3A_627, %dma_wait3A_636, %dma_wait3A_637] : memref<4x2048x1024xf32, #tpu.memory_space<hbm>> -> memref<1x16x1024xf32, #tpu.memory_space<hbm>>
        %dma_wait3A_639 = tpu.memref_squeeze %dma_wait3A_638 : memref<1x16x1024xf32, #tpu.memory_space<hbm>> -> memref<16x1024xf32, #tpu.memory_space<hbm>>
        %dma_wait3A_640 = arith.constant 0 : i32
        %dma_wait3A_641 = arith.constant 0 : i32
        %dma_wait3A_642 = tpu.memref_slice %arg7[%dma_wait3A_626, %dma_wait3A_640, %dma_wait3A_641] : memref<4x16x1024xf32, #tpu.memory_space<vmem>> -> memref<1x16x1024xf32, #tpu.memory_space<vmem>>
        %dma_wait3A_643 = tpu.memref_squeeze %dma_wait3A_642 : memref<1x16x1024xf32, #tpu.memory_space<vmem>> -> memref<16x1024xf32, #tpu.memory_space<vmem>>
        tpu.wait_dma2 semaphore(%arg17 : memref<!tpu.dma_semaphore, #tpu.memory_space<semaphore_mem>>) src(%dma_wait3A_643 : memref<16x1024xf32, #tpu.memory_space<vmem>>) dst(%dma_wait3A_639 : memref<16x1024xf32, #tpu.memory_space<hbm>>)
      } else {
      }
      %lt3A_412 = arith.constant 14 : i32
      %lt3A_413 = arith.cmpi slt, %add3A_401, %lt3A_412 : i32
      %convert_element_type3A_414 = arith.extui %lt3A_413 : i1 to i32
      %cond3A_415 = arith.constant 0 : i32
      %cond3A_416 = arith.cmpi ne, %convert_element_type3A_414, %cond3A_415 : i32
      scf.if %cond3A_416 {
        %mul3A_626 = arith.constant 16 : i32
        %mul3A_627 = arith.muli %add3A_403, %mul3A_626 : i32
        %multiple_of3A_628 = tpu.assume_multiple %mul3A_627, 16 : i32
        %dma_start3A_629 = arith.constant 2 : i32
        %dma_start3A_630 = arith.constant 2 : i32
        %dma_start3A_631 = arith.constant 0 : i32
        %dma_start3A_632 = arith.constant 0 : i32
        %dma_start3A_633 = tpu.memref_slice %arg7[%dma_start3A_630, %dma_start3A_631, %dma_start3A_632] : memref<4x16x1024xf32, #tpu.memory_space<vmem>> -> memref<1x16x1024xf32, #tpu.memory_space<vmem>>
        %dma_start3A_634 = tpu.memref_squeeze %dma_start3A_633 : memref<1x16x1024xf32, #tpu.memory_space<vmem>> -> memref<16x1024xf32, #tpu.memory_space<vmem>>
        %dma_start3A_635 = tpu.memref_slice %arg6[%dma_start3A_629, %multiple_of3A_628] : memref<4x64xi32, #tpu.memory_space<vmem>> -> memref<1x16xi32, #tpu.memory_space<vmem>>
        %dma_start3A_636 = tpu.memref_squeeze %dma_start3A_635 : memref<1x16xi32, #tpu.memory_space<vmem>> -> memref<16xi32, #tpu.memory_space<vmem>>
        %dma_start3A_637 = arith.constant 0 : i32
        %dma_start3A_638 = arith.constant 0 : i32
        %dma_start3A_639 = tpu.memref_slice %arg3[%dma_start3A_637, %dma_start3A_638] : memref<100000x1024xf32, #tpu.memory_space<hbm>> -> memref<100000x1024xf32, #tpu.memory_space<hbm>>
        tpu.enqueue_indirect_dma source(%dma_start3A_639 : memref<100000x1024xf32, #tpu.memory_space<hbm>>) target(%dma_start3A_634 : memref<16x1024xf32, #tpu.memory_space<vmem>>) offsets(%dma_start3A_636 : memref<16xi32, #tpu.memory_space<vmem>>) semaphore(%arg13 : memref<!tpu.dma_semaphore, #tpu.memory_space<semaphore_mem>>)
      } else {
      }
      %dma_wait3A_417 = arith.constant 0 : i32
      %dma_wait3A_418 = arith.constant 0 : i32
      %dma_wait3A_419 = arith.constant 0 : i32
      %dma_wait3A_420 = tpu.memref_slice %arg7[%dma_wait3A_417, %dma_wait3A_418, %dma_wait3A_419] : memref<4x16x1024xf32, #tpu.memory_space<vmem>> -> memref<1x16x1024xf32, #tpu.memory_space<vmem>>
      %dma_wait3A_421 = tpu.memref_squeeze %dma_wait3A_420 : memref<1x16x1024xf32, #tpu.memory_space<vmem>> -> memref<16x1024xf32, #tpu.memory_space<vmem>>
      %dma_wait3A_422 = arith.constant 0 : i32
      %dma_wait3A_423 = arith.constant 0 : i32
      %dma_wait3A_424 = tpu.memref_slice %arg3[%dma_wait3A_422, %dma_wait3A_423] : memref<100000x1024xf32, #tpu.memory_space<hbm>> -> memref<16x1024xf32, #tpu.memory_space<hbm>>
      %dma_wait3A_425 = arith.constant 0 : i32
      %dma_wait3A_426 = arith.constant 0 : i32
      %dma_wait3A_427 = tpu.memref_slice %arg7[%dma_wait3A_417, %dma_wait3A_425, %dma_wait3A_426] : memref<4x16x1024xf32, #tpu.memory_space<vmem>> -> memref<1x16x1024xf32, #tpu.memory_space<vmem>>
      %dma_wait3A_428 = tpu.memref_squeeze %dma_wait3A_427 : memref<1x16x1024xf32, #tpu.memory_space<vmem>> -> memref<16x1024xf32, #tpu.memory_space<vmem>>
      %dma_wait3A_429 = arith.constant 0 : i32
      %dma_wait3A_430 = arith.constant 0 : i32
      %dma_wait3A_431 = tpu.memref_slice %arg3[%dma_wait3A_429, %dma_wait3A_430] : memref<100000x1024xf32, #tpu.memory_space<hbm>> -> memref<16x1024xf32, #tpu.memory_space<hbm>>
      tpu.wait_dma2 semaphore(%arg11 : memref<!tpu.dma_semaphore, #tpu.memory_space<semaphore_mem>>) src(%dma_wait3A_431 : memref<16x1024xf32, #tpu.memory_space<hbm>>) dst(%dma_wait3A_428 : memref<16x1024xf32, #tpu.memory_space<vmem>>)
      %parallel_loop3A_432 = arith.constant 0 : i32
      %parallel_loop3A_433 = arith.constant 1024 : i32
      %parallel_loop3A_434 = arith.constant 1 : i32
      scf.for %parallel_loop3A_626 = %parallel_loop3A_432 to %parallel_loop3A_433 step %parallel_loop3A_434  : i32 {
        %parallel_loop3A_627 = arith.constant 64 : i32
        %parallel_loop3A_628 = arith.divsi %parallel_loop3A_626, %parallel_loop3A_627 : i32
        %parallel_loop3A_629 = arith.constant 0 : i32
        %parallel_loop3A_630 = arith.cmpi sgt, %parallel_loop3A_626, %parallel_loop3A_629 : i32
        %parallel_loop3A_631 = arith.extui %parallel_loop3A_630 : i1 to i32
        %parallel_loop3A_632 = arith.constant 0 : i32
        %parallel_loop3A_633 = arith.cmpi slt, %parallel_loop3A_626, %parallel_loop3A_632 : i32
        %parallel_loop3A_634 = arith.extui %parallel_loop3A_633 : i1 to i32
        %parallel_loop3A_635 = arith.subi %parallel_loop3A_631, %parallel_loop3A_634 : i32
        %parallel_loop3A_636 = arith.constant 0 : i32
        %parallel_loop3A_637 = arith.cmpi sgt, %parallel_loop3A_627, %parallel_loop3A_636 : i32
        %parallel_loop3A_638 = arith.extui %parallel_loop3A_637 : i1 to i32
        %parallel_loop3A_639 = arith.constant 0 : i32
        %parallel_loop3A_640 = arith.cmpi slt, %parallel_loop3A_627, %parallel_loop3A_639 : i32
        %parallel_loop3A_641 = arith.extui %parallel_loop3A_640 : i1 to i32
        %parallel_loop3A_642 = arith.subi %parallel_loop3A_638, %parallel_loop3A_641 : i32
        %parallel_loop3A_643 = arith.cmpi ne, %parallel_loop3A_635, %parallel_loop3A_642 : i32
        %parallel_loop3A_644 = arith.remsi %parallel_loop3A_626, %parallel_loop3A_627 : i32
        %parallel_loop3A_645 = arith.constant 0 : i32
        %parallel_loop3A_646 = arith.cmpi ne, %parallel_loop3A_644, %parallel_loop3A_645 : i32
        %parallel_loop3A_647 = arith.andi %parallel_loop3A_643, %parallel_loop3A_646 : i1
        %parallel_loop3A_648 = arith.constant 1 : i32
        %parallel_loop3A_649 = arith.subi %parallel_loop3A_628, %parallel_loop3A_648 : i32
        %parallel_loop3A_650 = arith.select %parallel_loop3A_647, %parallel_loop3A_649, %parallel_loop3A_628 : i32
        %parallel_loop3A_651 = arith.constant 64 : i32
        %parallel_loop3A_652 = arith.muli %parallel_loop3A_650, %parallel_loop3A_651 : i32
        %parallel_loop3A_653 = arith.subi %parallel_loop3A_626, %parallel_loop3A_652 : i32
        %parallel_loop3A_654 = arith.constant 16 : i32
        %parallel_loop3A_655 = arith.muli %parallel_loop3A_653, %parallel_loop3A_654 : i32
        %parallel_loop3A_656 = arith.constant 0 : i32
        %parallel_loop3A_657 = arith.index_cast %parallel_loop3A_656 : i32 to index
        %parallel_loop3A_658 = arith.index_cast %parallel_loop3A_650 : i32 to index
        %parallel_loop3A_659 = arith.index_cast %parallel_loop3A_655 : i32 to index
        %parallel_loop3A_660 = tpu.vector_load %arg7[%parallel_loop3A_657, %parallel_loop3A_658, %parallel_loop3A_659] {strides = array<i32>} : memref<4x16x1024xf32, #tpu.memory_space<vmem>>, vector<1x1x16xf32>,
        %parallel_loop3A_661 = vector.shape_cast %parallel_loop3A_660 : vector<1x1x16xf32> to vector<16xf32>
        %parallel_loop3A_662 = arith.constant 3.200000e+01 : f32
        %parallel_loop3A_663 = vector.broadcast %parallel_loop3A_662 : f32 to vector<16xf32>
        %parallel_loop3A_664 = arith.mulf %parallel_loop3A_661, %parallel_loop3A_663 : vector<16xf32>
        %parallel_loop3A_665 = arith.constant 1 : i32
        %parallel_loop3A_666 = arith.index_cast %parallel_loop3A_665 : i32 to index
        %parallel_loop3A_667 = arith.index_cast %parallel_loop3A_650 : i32 to index
        %parallel_loop3A_668 = arith.index_cast %parallel_loop3A_655 : i32 to index
        %parallel_loop3A_669 = tpu.vector_load %arg8[%parallel_loop3A_666, %parallel_loop3A_667, %parallel_loop3A_668] {strides = array<i32>} : memref<2x16x1024xf32, #tpu.memory_space<vmem>>, vector<1x1x16xf32>,
        %parallel_loop3A_670 = vector.shape_cast %parallel_loop3A_669 : vector<1x1x16xf32> to vector<16xf32>
        %parallel_loop3A_671 = arith.addf %parallel_loop3A_664, %parallel_loop3A_670 : vector<16xf32>
        %parallel_loop3A_672 = arith.constant 0 : i32
        %parallel_loop3A_673 = arith.index_cast %parallel_loop3A_672 : i32 to index
        %parallel_loop3A_674 = arith.index_cast %parallel_loop3A_650 : i32 to index
        %parallel_loop3A_675 = arith.index_cast %parallel_loop3A_655 : i32 to index
        %parallel_loop3A_676 = tpu.vector_load %arg7[%parallel_loop3A_673, %parallel_loop3A_674, %parallel_loop3A_675] {strides = array<i32>} : memref<4x16x1024xf32, #tpu.memory_space<vmem>>, vector<1x1x16xf32>,
        %parallel_loop3A_677 = vector.shape_cast %parallel_loop3A_676 : vector<1x1x16xf32> to vector<16xf32>
        %parallel_loop3A_678 = vector.shape_cast %parallel_loop3A_671 : vector<16xf32> to vector<1x1x16xf32>
        tpu.vector_store %arg7[%parallel_loop3A_673, %parallel_loop3A_674, %parallel_loop3A_675], %parallel_loop3A_678 {strides = array<i32>} : memref<4x16x1024xf32, #tpu.memory_space<vmem>>, vector<1x1x16xf32>,
      } {sc.loop_unroll_factor = 4 : i64, sc.parallel_access}
      %mul3A_435 = arith.constant 16 : i32
      %mul3A_436 = arith.muli %add3A_377, %mul3A_435 : i32
      %add3A_437 = arith.addi %multiple_of3A, %mul3A_436 : i32
      %multiple_of3A_438 = tpu.assume_multiple %add3A_437, 16 : i32
      %dma_start3A_439 = arith.constant 0 : i32
      %dma_start3A_440 = arith.constant 0 : i32
      %dma_start3A_441 = arith.constant 0 : i32
      %dma_start3A_442 = arith.constant 0 : i32
      %dma_start3A_443 = tpu.memref_slice %arg7[%dma_start3A_439, %dma_start3A_441, %dma_start3A_442] : memref<4x16x1024xf32, #tpu.memory_space<vmem>> -> memref<1x16x1024xf32, #tpu.memory_space<vmem>>
      %dma_start3A_444 = tpu.memref_squeeze %dma_start3A_443 : memref<1x16x1024xf32, #tpu.memory_space<vmem>> -> memref<16x1024xf32, #tpu.memory_space<vmem>>
      %dma_start3A_445 = arith.constant 0 : i32
      %dma_start3A_446 = tpu.memref_slice %arg5[%dma_start3A_440, %multiple_of3A_438, %dma_start3A_445] : memref<4x2048x1024xf32, #tpu.memory_space<hbm>> -> memref<1x16x1024xf32, #tpu.memory_space<hbm>>
      %dma_start3A_447 = tpu.memref_squeeze %dma_start3A_446 : memref<1x16x1024xf32, #tpu.memory_space<hbm>> -> memref<16x1024xf32, #tpu.memory_space<hbm>>
      %dma_start3A_448 = arith.constant 0 : i32
      %dma_start3A_449 = tpu.memref_slice %arg5[%dma_start3A_440, %multiple_of3A_438, %dma_start3A_448] : memref<4x2048x1024xf32, #tpu.memory_space<hbm>> -> memref<1x16x1024xf32, #tpu.memory_space<hbm>>
      %dma_start3A_450 = tpu.memref_squeeze %dma_start3A_449 : memref<1x16x1024xf32, #tpu.memory_space<hbm>> -> memref<16x1024xf32, #tpu.memory_space<hbm>>
      %dma_start3A_451 = arith.constant 0 : i32
      %dma_start3A_452 = arith.constant 0 : i32
      %dma_start3A_453 = tpu.memref_slice %arg7[%dma_start3A_439, %dma_start3A_451, %dma_start3A_452] : memref<4x16x1024xf32, #tpu.memory_space<vmem>> -> memref<1x16x1024xf32, #tpu.memory_space<vmem>>
      %dma_start3A_454 = tpu.memref_squeeze %dma_start3A_453 : memref<1x16x1024xf32, #tpu.memory_space<vmem>> -> memref<16x1024xf32, #tpu.memory_space<vmem>>
      tpu.enqueue_dma source(%dma_start3A_454 : memref<16x1024xf32, #tpu.memory_space<vmem>>) target(%dma_start3A_450 : memref<16x1024xf32, #tpu.memory_space<hbm>>) target_semaphore(%arg15 : memref<!tpu.dma_semaphore, #tpu.memory_space<semaphore_mem>>)
      %mul3A_455 = arith.constant 4 : i32
      %mul3A_456 = arith.muli %add3A_377, %mul3A_455 : i32
      %add3A_457 = arith.constant 1 : i32
      %add3A_458 = arith.addi %mul3A_456, %add3A_457 : i32
      %add3A_459 = arith.constant 0 : i32
      %add3A_460 = arith.addi %add3A_377, %add3A_459 : i32
      %ge3A_461 = arith.constant 2 : i32
      %ge3A_462 = arith.cmpi sge, %add3A_458, %ge3A_461 : i32
      %lt3A_463 = arith.constant 14 : i32
      %lt3A_464 = arith.cmpi slt, %add3A_458, %lt3A_463 : i32
      %and3A_465 = arith.andi %ge3A_462, %lt3A_464 : i1
      %convert_element_type3A_466 = arith.extui %and3A_465 : i1 to i32
      %cond3A_467 = arith.constant 0 : i32
      %cond3A_468 = arith.cmpi ne, %convert_element_type3A_466, %cond3A_467 : i32
      scf.if %cond3A_468 {
        %dma_wait3A_626 = arith.constant 3 : i32
        %dma_wait3A_627 = arith.constant 0 : i32
        %dma_wait3A_628 = arith.constant 0 : i32
        %dma_wait3A_629 = arith.constant 0 : i32
        %dma_wait3A_630 = tpu.memref_slice %arg7[%dma_wait3A_626, %dma_wait3A_628, %dma_wait3A_629] : memref<4x16x1024xf32, #tpu.memory_space<vmem>> -> memref<1x16x1024xf32, #tpu.memory_space<vmem>>
        %dma_wait3A_631 = tpu.memref_squeeze %dma_wait3A_630 : memref<1x16x1024xf32, #tpu.memory_space<vmem>> -> memref<16x1024xf32, #tpu.memory_space<vmem>>
        %dma_wait3A_632 = arith.constant 0 : i32
        %dma_wait3A_633 = arith.constant 0 : i32
        %dma_wait3A_634 = tpu.memref_slice %arg5[%dma_wait3A_627, %dma_wait3A_632, %dma_wait3A_633] : memref<4x2048x1024xf32, #tpu.memory_space<hbm>> -> memref<1x16x1024xf32, #tpu.memory_space<hbm>>
        %dma_wait3A_635 = tpu.memref_squeeze %dma_wait3A_634 : memref<1x16x1024xf32, #tpu.memory_space<hbm>> -> memref<16x1024xf32, #tpu.memory_space<hbm>>
        %dma_wait3A_636 = arith.constant 0 : i32
        %dma_wait3A_637 = arith.constant 0 : i32
        %dma_wait3A_638 = tpu.memref_slice %arg5[%dma_wait3A_627, %dma_wait3A_636, %dma_wait3A_637] : memref<4x2048x1024xf32, #tpu.memory_space<hbm>> -> memref<1x16x1024xf32, #tpu.memory_space<hbm>>
        %dma_wait3A_639 = tpu.memref_squeeze %dma_wait3A_638 : memref<1x16x1024xf32, #tpu.memory_space<hbm>> -> memref<16x1024xf32, #tpu.memory_space<hbm>>
        %dma_wait3A_640 = arith.constant 0 : i32
        %dma_wait3A_641 = arith.constant 0 : i32
        %dma_wait3A_642 = tpu.memref_slice %arg7[%dma_wait3A_626, %dma_wait3A_640, %dma_wait3A_641] : memref<4x16x1024xf32, #tpu.memory_space<vmem>> -> memref<1x16x1024xf32, #tpu.memory_space<vmem>>
        %dma_wait3A_643 = tpu.memref_squeeze %dma_wait3A_642 : memref<1x16x1024xf32, #tpu.memory_space<vmem>> -> memref<16x1024xf32, #tpu.memory_space<vmem>>
        tpu.wait_dma2 semaphore(%arg18 : memref<!tpu.dma_semaphore, #tpu.memory_space<semaphore_mem>>) src(%dma_wait3A_643 : memref<16x1024xf32, #tpu.memory_space<vmem>>) dst(%dma_wait3A_639 : memref<16x1024xf32, #tpu.memory_space<hbm>>)
      } else {
      }
      %lt3A_469 = arith.constant 14 : i32
      %lt3A_470 = arith.cmpi slt, %add3A_458, %lt3A_469 : i32
      %convert_element_type3A_471 = arith.extui %lt3A_470 : i1 to i32
      %cond3A_472 = arith.constant 0 : i32
      %cond3A_473 = arith.cmpi ne, %convert_element_type3A_471, %cond3A_472 : i32
      scf.if %cond3A_473 {
        %mul3A_626 = arith.constant 16 : i32
        %mul3A_627 = arith.muli %add3A_460, %mul3A_626 : i32
        %multiple_of3A_628 = tpu.assume_multiple %mul3A_627, 16 : i32
        %dma_start3A_629 = arith.constant 3 : i32
        %dma_start3A_630 = arith.constant 3 : i32
        %dma_start3A_631 = arith.constant 0 : i32
        %dma_start3A_632 = arith.constant 0 : i32
        %dma_start3A_633 = tpu.memref_slice %arg7[%dma_start3A_630, %dma_start3A_631, %dma_start3A_632] : memref<4x16x1024xf32, #tpu.memory_space<vmem>> -> memref<1x16x1024xf32, #tpu.memory_space<vmem>>
        %dma_start3A_634 = tpu.memref_squeeze %dma_start3A_633 : memref<1x16x1024xf32, #tpu.memory_space<vmem>> -> memref<16x1024xf32, #tpu.memory_space<vmem>>
        %dma_start3A_635 = tpu.memref_slice %arg6[%dma_start3A_629, %multiple_of3A_628] : memref<4x64xi32, #tpu.memory_space<vmem>> -> memref<1x16xi32, #tpu.memory_space<vmem>>
        %dma_start3A_636 = tpu.memref_squeeze %dma_start3A_635 : memref<1x16xi32, #tpu.memory_space<vmem>> -> memref<16xi32, #tpu.memory_space<vmem>>
        %dma_start3A_637 = arith.constant 0 : i32
        %dma_start3A_638 = arith.constant 0 : i32
        %dma_start3A_639 = tpu.memref_slice %arg3[%dma_start3A_637, %dma_start3A_638] : memref<100000x1024xf32, #tpu.memory_space<hbm>> -> memref<100000x1024xf32, #tpu.memory_space<hbm>>
        tpu.enqueue_indirect_dma source(%dma_start3A_639 : memref<100000x1024xf32, #tpu.memory_space<hbm>>) target(%dma_start3A_634 : memref<16x1024xf32, #tpu.memory_space<vmem>>) offsets(%dma_start3A_636 : memref<16xi32, #tpu.memory_space<vmem>>) semaphore(%arg14 : memref<!tpu.dma_semaphore, #tpu.memory_space<semaphore_mem>>)
      } else {
      }
      %dma_wait3A_474 = arith.constant 1 : i32
      %dma_wait3A_475 = arith.constant 0 : i32
      %dma_wait3A_476 = arith.constant 0 : i32
      %dma_wait3A_477 = tpu.memref_slice %arg7[%dma_wait3A_474, %dma_wait3A_475, %dma_wait3A_476] : memref<4x16x1024xf32, #tpu.memory_space<vmem>> -> memref<1x16x1024xf32, #tpu.memory_space<vmem>>
      %dma_wait3A_478 = tpu.memref_squeeze %dma_wait3A_477 : memref<1x16x1024xf32, #tpu.memory_space<vmem>> -> memref<16x1024xf32, #tpu.memory_space<vmem>>
      %dma_wait3A_479 = arith.constant 0 : i32
      %dma_wait3A_480 = arith.constant 0 : i32
      %dma_wait3A_481 = tpu.memref_slice %arg3[%dma_wait3A_479, %dma_wait3A_480] : memref<100000x1024xf32, #tpu.memory_space<hbm>> -> memref<16x1024xf32, #tpu.memory_space<hbm>>
      %dma_wait3A_482 = arith.constant 0 : i32
      %dma_wait3A_483 = arith.constant 0 : i32
      %dma_wait3A_484 = tpu.memref_slice %arg7[%dma_wait3A_474, %dma_wait3A_482, %dma_wait3A_483] : memref<4x16x1024xf32, #tpu.memory_space<vmem>> -> memref<1x16x1024xf32, #tpu.memory_space<vmem>>
      %dma_wait3A_485 = tpu.memref_squeeze %dma_wait3A_484 : memref<1x16x1024xf32, #tpu.memory_space<vmem>> -> memref<16x1024xf32, #tpu.memory_space<vmem>>
      %dma_wait3A_486 = arith.constant 0 : i32
      %dma_wait3A_487 = arith.constant 0 : i32
      %dma_wait3A_488 = tpu.memref_slice %arg3[%dma_wait3A_486, %dma_wait3A_487] : memref<100000x1024xf32, #tpu.memory_space<hbm>> -> memref<16x1024xf32, #tpu.memory_space<hbm>>
      tpu.wait_dma2 semaphore(%arg12 : memref<!tpu.dma_semaphore, #tpu.memory_space<semaphore_mem>>) src(%dma_wait3A_488 : memref<16x1024xf32, #tpu.memory_space<hbm>>) dst(%dma_wait3A_485 : memref<16x1024xf32, #tpu.memory_space<vmem>>)
      %parallel_loop3A_489 = arith.constant 0 : i32
      %parallel_loop3A_490 = arith.constant 1024 : i32
      %parallel_loop3A_491 = arith.constant 1 : i32
      scf.for %parallel_loop3A_626 = %parallel_loop3A_489 to %parallel_loop3A_490 step %parallel_loop3A_491  : i32 {
        %parallel_loop3A_627 = arith.constant 64 : i32
        %parallel_loop3A_628 = arith.divsi %parallel_loop3A_626, %parallel_loop3A_627 : i32
        %parallel_loop3A_629 = arith.constant 0 : i32
        %parallel_loop3A_630 = arith.cmpi sgt, %parallel_loop3A_626, %parallel_loop3A_629 : i32
        %parallel_loop3A_631 = arith.extui %parallel_loop3A_630 : i1 to i32
        %parallel_loop3A_632 = arith.constant 0 : i32
        %parallel_loop3A_633 = arith.cmpi slt, %parallel_loop3A_626, %parallel_loop3A_632 : i32
        %parallel_loop3A_634 = arith.extui %parallel_loop3A_633 : i1 to i32
        %parallel_loop3A_635 = arith.subi %parallel_loop3A_631, %parallel_loop3A_634 : i32
        %parallel_loop3A_636 = arith.constant 0 : i32
        %parallel_loop3A_637 = arith.cmpi sgt, %parallel_loop3A_627, %parallel_loop3A_636 : i32
        %parallel_loop3A_638 = arith.extui %parallel_loop3A_637 : i1 to i32
        %parallel_loop3A_639 = arith.constant 0 : i32
        %parallel_loop3A_640 = arith.cmpi slt, %parallel_loop3A_627, %parallel_loop3A_639 : i32
        %parallel_loop3A_641 = arith.extui %parallel_loop3A_640 : i1 to i32
        %parallel_loop3A_642 = arith.subi %parallel_loop3A_638, %parallel_loop3A_641 : i32
        %parallel_loop3A_643 = arith.cmpi ne, %parallel_loop3A_635, %parallel_loop3A_642 : i32
        %parallel_loop3A_644 = arith.remsi %parallel_loop3A_626, %parallel_loop3A_627 : i32
        %parallel_loop3A_645 = arith.constant 0 : i32
        %parallel_loop3A_646 = arith.cmpi ne, %parallel_loop3A_644, %parallel_loop3A_645 : i32
        %parallel_loop3A_647 = arith.andi %parallel_loop3A_643, %parallel_loop3A_646 : i1
        %parallel_loop3A_648 = arith.constant 1 : i32
        %parallel_loop3A_649 = arith.subi %parallel_loop3A_628, %parallel_loop3A_648 : i32
        %parallel_loop3A_650 = arith.select %parallel_loop3A_647, %parallel_loop3A_649, %parallel_loop3A_628 : i32
        %parallel_loop3A_651 = arith.constant 64 : i32
        %parallel_loop3A_652 = arith.muli %parallel_loop3A_650, %parallel_loop3A_651 : i32
        %parallel_loop3A_653 = arith.subi %parallel_loop3A_626, %parallel_loop3A_652 : i32
        %parallel_loop3A_654 = arith.constant 16 : i32
        %parallel_loop3A_655 = arith.muli %parallel_loop3A_653, %parallel_loop3A_654 : i32
        %parallel_loop3A_656 = arith.constant 1 : i32
        %parallel_loop3A_657 = arith.index_cast %parallel_loop3A_656 : i32 to index
        %parallel_loop3A_658 = arith.index_cast %parallel_loop3A_650 : i32 to index
        %parallel_loop3A_659 = arith.index_cast %parallel_loop3A_655 : i32 to index
        %parallel_loop3A_660 = tpu.vector_load %arg7[%parallel_loop3A_657, %parallel_loop3A_658, %parallel_loop3A_659] {strides = array<i32>} : memref<4x16x1024xf32, #tpu.memory_space<vmem>>, vector<1x1x16xf32>,
        %parallel_loop3A_661 = vector.shape_cast %parallel_loop3A_660 : vector<1x1x16xf32> to vector<16xf32>
        %parallel_loop3A_662 = arith.constant 3.200000e+01 : f32
        %parallel_loop3A_663 = vector.broadcast %parallel_loop3A_662 : f32 to vector<16xf32>
        %parallel_loop3A_664 = arith.mulf %parallel_loop3A_661, %parallel_loop3A_663 : vector<16xf32>
        %parallel_loop3A_665 = arith.constant 1 : i32
        %parallel_loop3A_666 = arith.index_cast %parallel_loop3A_665 : i32 to index
        %parallel_loop3A_667 = arith.index_cast %parallel_loop3A_650 : i32 to index
        %parallel_loop3A_668 = arith.index_cast %parallel_loop3A_655 : i32 to index
        %parallel_loop3A_669 = tpu.vector_load %arg8[%parallel_loop3A_666, %parallel_loop3A_667, %parallel_loop3A_668] {strides = array<i32>} : memref<2x16x1024xf32, #tpu.memory_space<vmem>>, vector<1x1x16xf32>,
        %parallel_loop3A_670 = vector.shape_cast %parallel_loop3A_669 : vector<1x1x16xf32> to vector<16xf32>
        %parallel_loop3A_671 = arith.addf %parallel_loop3A_664, %parallel_loop3A_670 : vector<16xf32>
        %parallel_loop3A_672 = arith.constant 1 : i32
        %parallel_loop3A_673 = arith.index_cast %parallel_loop3A_672 : i32 to index
        %parallel_loop3A_674 = arith.index_cast %parallel_loop3A_650 : i32 to index
        %parallel_loop3A_675 = arith.index_cast %parallel_loop3A_655 : i32 to index
        %parallel_loop3A_676 = tpu.vector_load %arg7[%parallel_loop3A_673, %parallel_loop3A_674, %parallel_loop3A_675] {strides = array<i32>} : memref<4x16x1024xf32, #tpu.memory_space<vmem>>, vector<1x1x16xf32>,
        %parallel_loop3A_677 = vector.shape_cast %parallel_loop3A_676 : vector<1x1x16xf32> to vector<16xf32>
        %parallel_loop3A_678 = vector.shape_cast %parallel_loop3A_671 : vector<16xf32> to vector<1x1x16xf32>
        tpu.vector_store %arg7[%parallel_loop3A_673, %parallel_loop3A_674, %parallel_loop3A_675], %parallel_loop3A_678 {strides = array<i32>} : memref<4x16x1024xf32, #tpu.memory_space<vmem>>, vector<1x1x16xf32>,
      } {sc.loop_unroll_factor = 4 : i64, sc.parallel_access}
      %mul3A_492 = arith.constant 16 : i32
      %mul3A_493 = arith.muli %add3A_377, %mul3A_492 : i32
      %add3A_494 = arith.addi %multiple_of3A, %mul3A_493 : i32
      %multiple_of3A_495 = tpu.assume_multiple %add3A_494, 16 : i32
      %dma_start3A_496 = arith.constant 1 : i32
      %dma_start3A_497 = arith.constant 1 : i32
      %dma_start3A_498 = arith.constant 0 : i32
      %dma_start3A_499 = arith.constant 0 : i32
      %dma_start3A_500 = tpu.memref_slice %arg7[%dma_start3A_496, %dma_start3A_498, %dma_start3A_499] : memref<4x16x1024xf32, #tpu.memory_space<vmem>> -> memref<1x16x1024xf32, #tpu.memory_space<vmem>>
      %dma_start3A_501 = tpu.memref_squeeze %dma_start3A_500 : memref<1x16x1024xf32, #tpu.memory_space<vmem>> -> memref<16x1024xf32, #tpu.memory_space<vmem>>
      %dma_start3A_502 = arith.constant 0 : i32
      %dma_start3A_503 = tpu.memref_slice %arg5[%dma_start3A_497, %multiple_of3A_495, %dma_start3A_502] : memref<4x2048x1024xf32, #tpu.memory_space<hbm>> -> memref<1x16x1024xf32, #tpu.memory_space<hbm>>
      %dma_start3A_504 = tpu.memref_squeeze %dma_start3A_503 : memref<1x16x1024xf32, #tpu.memory_space<hbm>> -> memref<16x1024xf32, #tpu.memory_space<hbm>>
      %dma_start3A_505 = arith.constant 0 : i32
      %dma_start3A_506 = tpu.memref_slice %arg5[%dma_start3A_497, %multiple_of3A_495, %dma_start3A_505] : memref<4x2048x1024xf32, #tpu.memory_space<hbm>> -> memref<1x16x1024xf32, #tpu.memory_space<hbm>>
      %dma_start3A_507 = tpu.memref_squeeze %dma_start3A_506 : memref<1x16x1024xf32, #tpu.memory_space<hbm>> -> memref<16x1024xf32, #tpu.memory_space<hbm>>
      %dma_start3A_508 = arith.constant 0 : i32
      %dma_start3A_509 = arith.constant 0 : i32
      %dma_start3A_510 = tpu.memref_slice %arg7[%dma_start3A_496, %dma_start3A_508, %dma_start3A_509] : memref<4x16x1024xf32, #tpu.memory_space<vmem>> -> memref<1x16x1024xf32, #tpu.memory_space<vmem>>
      %dma_start3A_511 = tpu.memref_squeeze %dma_start3A_510 : memref<1x16x1024xf32, #tpu.memory_space<vmem>> -> memref<16x1024xf32, #tpu.memory_space<vmem>>
      tpu.enqueue_dma source(%dma_start3A_511 : memref<16x1024xf32, #tpu.memory_space<vmem>>) target(%dma_start3A_507 : memref<16x1024xf32, #tpu.memory_space<hbm>>) target_semaphore(%arg16 : memref<!tpu.dma_semaphore, #tpu.memory_space<semaphore_mem>>)
      %mul3A_512 = arith.constant 4 : i32
      %mul3A_513 = arith.muli %add3A_377, %mul3A_512 : i32
      %add3A_514 = arith.constant 2 : i32
      %add3A_515 = arith.addi %mul3A_513, %add3A_514 : i32
      %add3A_516 = arith.constant 1 : i32
      %add3A_517 = arith.addi %add3A_377, %add3A_516 : i32
      %ge3A_518 = arith.constant 2 : i32
      %ge3A_519 = arith.cmpi sge, %add3A_515, %ge3A_518 : i32
      %lt3A_520 = arith.constant 14 : i32
      %lt3A_521 = arith.cmpi slt, %add3A_515, %lt3A_520 : i32
      %and3A_522 = arith.andi %ge3A_519, %lt3A_521 : i1
      %convert_element_type3A_523 = arith.extui %and3A_522 : i1 to i32
      %cond3A_524 = arith.constant 0 : i32
      %cond3A_525 = arith.cmpi ne, %convert_element_type3A_523, %cond3A_524 : i32
      scf.if %cond3A_525 {
        %dma_wait3A_626 = arith.constant 0 : i32
        %dma_wait3A_627 = arith.constant 0 : i32
        %dma_wait3A_628 = arith.constant 0 : i32
        %dma_wait3A_629 = arith.constant 0 : i32
        %dma_wait3A_630 = tpu.memref_slice %arg7[%dma_wait3A_626, %dma_wait3A_628, %dma_wait3A_629] : memref<4x16x1024xf32, #tpu.memory_space<vmem>> -> memref<1x16x1024xf32, #tpu.memory_space<vmem>>
        %dma_wait3A_631 = tpu.memref_squeeze %dma_wait3A_630 : memref<1x16x1024xf32, #tpu.memory_space<vmem>> -> memref<16x1024xf32, #tpu.memory_space<vmem>>
        %dma_wait3A_632 = arith.constant 0 : i32
        %dma_wait3A_633 = arith.constant 0 : i32
        %dma_wait3A_634 = tpu.memref_slice %arg5[%dma_wait3A_627, %dma_wait3A_632, %dma_wait3A_633] : memref<4x2048x1024xf32, #tpu.memory_space<hbm>> -> memref<1x16x1024xf32, #tpu.memory_space<hbm>>
        %dma_wait3A_635 = tpu.memref_squeeze %dma_wait3A_634 : memref<1x16x1024xf32, #tpu.memory_space<hbm>> -> memref<16x1024xf32, #tpu.memory_space<hbm>>
        %dma_wait3A_636 = arith.constant 0 : i32
        %dma_wait3A_637 = arith.constant 0 : i32
        %dma_wait3A_638 = tpu.memref_slice %arg5[%dma_wait3A_627, %dma_wait3A_636, %dma_wait3A_637] : memref<4x2048x1024xf32, #tpu.memory_space<hbm>> -> memref<1x16x1024xf32, #tpu.memory_space<hbm>>
        %dma_wait3A_639 = tpu.memref_squeeze %dma_wait3A_638 : memref<1x16x1024xf32, #tpu.memory_space<hbm>> -> memref<16x1024xf32, #tpu.memory_space<hbm>>
        %dma_wait3A_640 = arith.constant 0 : i32
        %dma_wait3A_641 = arith.constant 0 : i32
        %dma_wait3A_642 = tpu.memref_slice %arg7[%dma_wait3A_626, %dma_wait3A_640, %dma_wait3A_641] : memref<4x16x1024xf32, #tpu.memory_space<vmem>> -> memref<1x16x1024xf32, #tpu.memory_space<vmem>>
        %dma_wait3A_643 = tpu.memref_squeeze %dma_wait3A_642 : memref<1x16x1024xf32, #tpu.memory_space<vmem>> -> memref<16x1024xf32, #tpu.memory_space<vmem>>
        tpu.wait_dma2 semaphore(%arg15 : memref<!tpu.dma_semaphore, #tpu.memory_space<semaphore_mem>>) src(%dma_wait3A_643 : memref<16x1024xf32, #tpu.memory_space<vmem>>) dst(%dma_wait3A_639 : memref<16x1024xf32, #tpu.memory_space<hbm>>)
      } else {
      }
      %lt3A_526 = arith.constant 14 : i32
      %lt3A_527 = arith.cmpi slt, %add3A_515, %lt3A_526 : i32
      %convert_element_type3A_528 = arith.extui %lt3A_527 : i1 to i32
      %cond3A_529 = arith.constant 0 : i32
      %cond3A_530 = arith.cmpi ne, %convert_element_type3A_528, %cond3A_529 : i32
      scf.if %cond3A_530 {
        %mul3A_626 = arith.constant 16 : i32
        %mul3A_627 = arith.muli %add3A_517, %mul3A_626 : i32
        %multiple_of3A_628 = tpu.assume_multiple %mul3A_627, 16 : i32
        %dma_start3A_629 = arith.constant 0 : i32
        %dma_start3A_630 = arith.constant 0 : i32
        %dma_start3A_631 = arith.constant 0 : i32
        %dma_start3A_632 = arith.constant 0 : i32
        %dma_start3A_633 = tpu.memref_slice %arg7[%dma_start3A_630, %dma_start3A_631, %dma_start3A_632] : memref<4x16x1024xf32, #tpu.memory_space<vmem>> -> memref<1x16x1024xf32, #tpu.memory_space<vmem>>
        %dma_start3A_634 = tpu.memref_squeeze %dma_start3A_633 : memref<1x16x1024xf32, #tpu.memory_space<vmem>> -> memref<16x1024xf32, #tpu.memory_space<vmem>>
        %dma_start3A_635 = tpu.memref_slice %arg6[%dma_start3A_629, %multiple_of3A_628] : memref<4x64xi32, #tpu.memory_space<vmem>> -> memref<1x16xi32, #tpu.memory_space<vmem>>
        %dma_start3A_636 = tpu.memref_squeeze %dma_start3A_635 : memref<1x16xi32, #tpu.memory_space<vmem>> -> memref<16xi32, #tpu.memory_space<vmem>>
        %dma_start3A_637 = arith.constant 0 : i32
        %dma_start3A_638 = arith.constant 0 : i32
        %dma_start3A_639 = tpu.memref_slice %arg3[%dma_start3A_637, %dma_start3A_638] : memref<100000x1024xf32, #tpu.memory_space<hbm>> -> memref<100000x1024xf32, #tpu.memory_space<hbm>>
        tpu.enqueue_indirect_dma source(%dma_start3A_639 : memref<100000x1024xf32, #tpu.memory_space<hbm>>) target(%dma_start3A_634 : memref<16x1024xf32, #tpu.memory_space<vmem>>) offsets(%dma_start3A_636 : memref<16xi32, #tpu.memory_space<vmem>>) semaphore(%arg11 : memref<!tpu.dma_semaphore, #tpu.memory_space<semaphore_mem>>)
      } else {
      }
      %dma_wait3A_531 = arith.constant 2 : i32
      %dma_wait3A_532 = arith.constant 0 : i32
      %dma_wait3A_533 = arith.constant 0 : i32
      %dma_wait3A_534 = tpu.memref_slice %arg7[%dma_wait3A_531, %dma_wait3A_532, %dma_wait3A_533] : memref<4x16x1024xf32, #tpu.memory_space<vmem>> -> memref<1x16x1024xf32, #tpu.memory_space<vmem>>
      %dma_wait3A_535 = tpu.memref_squeeze %dma_wait3A_534 : memref<1x16x1024xf32, #tpu.memory_space<vmem>> -> memref<16x1024xf32, #tpu.memory_space<vmem>>
      %dma_wait3A_536 = arith.constant 0 : i32
      %dma_wait3A_537 = arith.constant 0 : i32
      %dma_wait3A_538 = tpu.memref_slice %arg3[%dma_wait3A_536, %dma_wait3A_537] : memref<100000x1024xf32, #tpu.memory_space<hbm>> -> memref<16x1024xf32, #tpu.memory_space<hbm>>
      %dma_wait3A_539 = arith.constant 0 : i32
      %dma_wait3A_540 = arith.constant 0 : i32
      %dma_wait3A_541 = tpu.memref_slice %arg7[%dma_wait3A_531, %dma_wait3A_539, %dma_wait3A_540] : memref<4x16x1024xf32, #tpu.memory_space<vmem>> -> memref<1x16x1024xf32, #tpu.memory_space<vmem>>
      %dma_wait3A_542 = tpu.memref_squeeze %dma_wait3A_541 : memref<1x16x1024xf32, #tpu.memory_space<vmem>> -> memref<16x1024xf32, #tpu.memory_space<vmem>>
      %dma_wait3A_543 = arith.constant 0 : i32
      %dma_wait3A_544 = arith.constant 0 : i32
      %dma_wait3A_545 = tpu.memref_slice %arg3[%dma_wait3A_543, %dma_wait3A_544] : memref<100000x1024xf32, #tpu.memory_space<hbm>> -> memref<16x1024xf32, #tpu.memory_space<hbm>>
      tpu.wait_dma2 semaphore(%arg13 : memref<!tpu.dma_semaphore, #tpu.memory_space<semaphore_mem>>) src(%dma_wait3A_545 : memref<16x1024xf32, #tpu.memory_space<hbm>>) dst(%dma_wait3A_542 : memref<16x1024xf32, #tpu.memory_space<vmem>>)
      %parallel_loop3A_546 = arith.constant 0 : i32
      %parallel_loop3A_547 = arith.constant 1024 : i32
      %parallel_loop3A_548 = arith.constant 1 : i32
      scf.for %parallel_loop3A_626 = %parallel_loop3A_546 to %parallel_loop3A_547 step %parallel_loop3A_548  : i32 {
        %parallel_loop3A_627 = arith.constant 64 : i32
        %parallel_loop3A_628 = arith.divsi %parallel_loop3A_626, %parallel_loop3A_627 : i32
        %parallel_loop3A_629 = arith.constant 0 : i32
        %parallel_loop3A_630 = arith.cmpi sgt, %parallel_loop3A_626, %parallel_loop3A_629 : i32
        %parallel_loop3A_631 = arith.extui %parallel_loop3A_630 : i1 to i32
        %parallel_loop3A_632 = arith.constant 0 : i32
        %parallel_loop3A_633 = arith.cmpi slt, %parallel_loop3A_626, %parallel_loop3A_632 : i32
        %parallel_loop3A_634 = arith.extui %parallel_loop3A_633 : i1 to i32
        %parallel_loop3A_635 = arith.subi %parallel_loop3A_631, %parallel_loop3A_634 : i32
        %parallel_loop3A_636 = arith.constant 0 : i32
        %parallel_loop3A_637 = arith.cmpi sgt, %parallel_loop3A_627, %parallel_loop3A_636 : i32
        %parallel_loop3A_638 = arith.extui %parallel_loop3A_637 : i1 to i32
        %parallel_loop3A_639 = arith.constant 0 : i32
        %parallel_loop3A_640 = arith.cmpi slt, %parallel_loop3A_627, %parallel_loop3A_639 : i32
        %parallel_loop3A_641 = arith.extui %parallel_loop3A_640 : i1 to i32
        %parallel_loop3A_642 = arith.subi %parallel_loop3A_638, %parallel_loop3A_641 : i32
        %parallel_loop3A_643 = arith.cmpi ne, %parallel_loop3A_635, %parallel_loop3A_642 : i32
        %parallel_loop3A_644 = arith.remsi %parallel_loop3A_626, %parallel_loop3A_627 : i32
        %parallel_loop3A_645 = arith.constant 0 : i32
        %parallel_loop3A_646 = arith.cmpi ne, %parallel_loop3A_644, %parallel_loop3A_645 : i32
        %parallel_loop3A_647 = arith.andi %parallel_loop3A_643, %parallel_loop3A_646 : i1
        %parallel_loop3A_648 = arith.constant 1 : i32
        %parallel_loop3A_649 = arith.subi %parallel_loop3A_628, %parallel_loop3A_648 : i32
        %parallel_loop3A_650 = arith.select %parallel_loop3A_647, %parallel_loop3A_649, %parallel_loop3A_628 : i32
        %parallel_loop3A_651 = arith.constant 64 : i32
        %parallel_loop3A_652 = arith.muli %parallel_loop3A_650, %parallel_loop3A_651 : i32
        %parallel_loop3A_653 = arith.subi %parallel_loop3A_626, %parallel_loop3A_652 : i32
        %parallel_loop3A_654 = arith.constant 16 : i32
        %parallel_loop3A_655 = arith.muli %parallel_loop3A_653, %parallel_loop3A_654 : i32
        %parallel_loop3A_656 = arith.constant 2 : i32
        %parallel_loop3A_657 = arith.index_cast %parallel_loop3A_656 : i32 to index
        %parallel_loop3A_658 = arith.index_cast %parallel_loop3A_650 : i32 to index
        %parallel_loop3A_659 = arith.index_cast %parallel_loop3A_655 : i32 to index
        %parallel_loop3A_660 = tpu.vector_load %arg7[%parallel_loop3A_657, %parallel_loop3A_658, %parallel_loop3A_659] {strides = array<i32>} : memref<4x16x1024xf32, #tpu.memory_space<vmem>>, vector<1x1x16xf32>,
        %parallel_loop3A_661 = vector.shape_cast %parallel_loop3A_660 : vector<1x1x16xf32> to vector<16xf32>
        %parallel_loop3A_662 = arith.constant 3.200000e+01 : f32
        %parallel_loop3A_663 = vector.broadcast %parallel_loop3A_662 : f32 to vector<16xf32>
        %parallel_loop3A_664 = arith.mulf %parallel_loop3A_661, %parallel_loop3A_663 : vector<16xf32>
        %parallel_loop3A_665 = arith.constant 1 : i32
        %parallel_loop3A_666 = arith.index_cast %parallel_loop3A_665 : i32 to index
        %parallel_loop3A_667 = arith.index_cast %parallel_loop3A_650 : i32 to index
        %parallel_loop3A_668 = arith.index_cast %parallel_loop3A_655 : i32 to index
        %parallel_loop3A_669 = tpu.vector_load %arg8[%parallel_loop3A_666, %parallel_loop3A_667, %parallel_loop3A_668] {strides = array<i32>} : memref<2x16x1024xf32, #tpu.memory_space<vmem>>, vector<1x1x16xf32>,
        %parallel_loop3A_670 = vector.shape_cast %parallel_loop3A_669 : vector<1x1x16xf32> to vector<16xf32>
        %parallel_loop3A_671 = arith.addf %parallel_loop3A_664, %parallel_loop3A_670 : vector<16xf32>
        %parallel_loop3A_672 = arith.constant 2 : i32
        %parallel_loop3A_673 = arith.index_cast %parallel_loop3A_672 : i32 to index
        %parallel_loop3A_674 = arith.index_cast %parallel_loop3A_650 : i32 to index
        %parallel_loop3A_675 = arith.index_cast %parallel_loop3A_655 : i32 to index
        %parallel_loop3A_676 = tpu.vector_load %arg7[%parallel_loop3A_673, %parallel_loop3A_674, %parallel_loop3A_675] {strides = array<i32>} : memref<4x16x1024xf32, #tpu.memory_space<vmem>>, vector<1x1x16xf32>,
        %parallel_loop3A_677 = vector.shape_cast %parallel_loop3A_676 : vector<1x1x16xf32> to vector<16xf32>
        %parallel_loop3A_678 = vector.shape_cast %parallel_loop3A_671 : vector<16xf32> to vector<1x1x16xf32>
        tpu.vector_store %arg7[%parallel_loop3A_673, %parallel_loop3A_674, %parallel_loop3A_675], %parallel_loop3A_678 {strides = array<i32>} : memref<4x16x1024xf32, #tpu.memory_space<vmem>>, vector<1x1x16xf32>,
      } {sc.loop_unroll_factor = 4 : i64, sc.parallel_access}
      %mul3A_549 = arith.constant 16 : i32
      %mul3A_550 = arith.muli %add3A_377, %mul3A_549 : i32
      %add3A_551 = arith.addi %multiple_of3A, %mul3A_550 : i32
      %multiple_of3A_552 = tpu.assume_multiple %add3A_551, 16 : i32
      %dma_start3A_553 = arith.constant 2 : i32
      %dma_start3A_554 = arith.constant 2 : i32
      %dma_start3A_555 = arith.constant 0 : i32
      %dma_start3A_556 = arith.constant 0 : i32
      %dma_start3A_557 = tpu.memref_slice %arg7[%dma_start3A_553, %dma_start3A_555, %dma_start3A_556] : memref<4x16x1024xf32, #tpu.memory_space<vmem>> -> memref<1x16x1024xf32, #tpu.memory_space<vmem>>
      %dma_start3A_558 = tpu.memref_squeeze %dma_start3A_557 : memref<1x16x1024xf32, #tpu.memory_space<vmem>> -> memref<16x1024xf32, #tpu.memory_space<vmem>>
      %dma_start3A_559 = arith.constant 0 : i32
      %dma_start3A_560 = tpu.memref_slice %arg5[%dma_start3A_554, %multiple_of3A_552, %dma_start3A_559] : memref<4x2048x1024xf32, #tpu.memory_space<hbm>> -> memref<1x16x1024xf32, #tpu.memory_space<hbm>>
      %dma_start3A_561 = tpu.memref_squeeze %dma_start3A_560 : memref<1x16x1024xf32, #tpu.memory_space<hbm>> -> memref<16x1024xf32, #tpu.memory_space<hbm>>
      %dma_start3A_562 = arith.constant 0 : i32
      %dma_start3A_563 = tpu.memref_slice %arg5[%dma_start3A_554, %multiple_of3A_552, %dma_start3A_562] : memref<4x2048x1024xf32, #tpu.memory_space<hbm>> -> memref<1x16x1024xf32, #tpu.memory_space<hbm>>
      %dma_start3A_564 = tpu.memref_squeeze %dma_start3A_563 : memref<1x16x1024xf32, #tpu.memory_space<hbm>> -> memref<16x1024xf32, #tpu.memory_space<hbm>>
      %dma_start3A_565 = arith.constant 0 : i32
      %dma_start3A_566 = arith.constant 0 : i32
      %dma_start3A_567 = tpu.memref_slice %arg7[%dma_start3A_553, %dma_start3A_565, %dma_start3A_566] : memref<4x16x1024xf32, #tpu.memory_space<vmem>> -> memref<1x16x1024xf32, #tpu.memory_space<vmem>>
      %dma_start3A_568 = tpu.memref_squeeze %dma_start3A_567 : memref<1x16x1024xf32, #tpu.memory_space<vmem>> -> memref<16x1024xf32, #tpu.memory_space<vmem>>
      tpu.enqueue_dma source(%dma_start3A_568 : memref<16x1024xf32, #tpu.memory_space<vmem>>) target(%dma_start3A_564 : memref<16x1024xf32, #tpu.memory_space<hbm>>) target_semaphore(%arg17 : memref<!tpu.dma_semaphore, #tpu.memory_space<semaphore_mem>>)
      %mul3A_569 = arith.constant 4 : i32
      %mul3A_570 = arith.muli %add3A_377, %mul3A_569 : i32
      %add3A_571 = arith.constant 3 : i32
      %add3A_572 = arith.addi %mul3A_570, %add3A_571 : i32
      %add3A_573 = arith.constant 1 : i32
      %add3A_574 = arith.addi %add3A_377, %add3A_573 : i32
      %ge3A_575 = arith.constant 2 : i32
      %ge3A_576 = arith.cmpi sge, %add3A_572, %ge3A_575 : i32
      %lt3A_577 = arith.constant 14 : i32
      %lt3A_578 = arith.cmpi slt, %add3A_572, %lt3A_577 : i32
      %and3A_579 = arith.andi %ge3A_576, %lt3A_578 : i1
      %convert_element_type3A_580 = arith.extui %and3A_579 : i1 to i32
      %cond3A_581 = arith.constant 0 : i32
      %cond3A_582 = arith.cmpi ne, %convert_element_type3A_580, %cond3A_581 : i32
      scf.if %cond3A_582 {
        %dma_wait3A_626 = arith.constant 1 : i32
        %dma_wait3A_627 = arith.constant 0 : i32
        %dma_wait3A_628 = arith.constant 0 : i32
        %dma_wait3A_629 = arith.constant 0 : i32
        %dma_wait3A_630 = tpu.memref_slice %arg7[%dma_wait3A_626, %dma_wait3A_628, %dma_wait3A_629] : memref<4x16x1024xf32, #tpu.memory_space<vmem>> -> memref<1x16x1024xf32, #tpu.memory_space<vmem>>
        %dma_wait3A_631 = tpu.memref_squeeze %dma_wait3A_630 : memref<1x16x1024xf32, #tpu.memory_space<vmem>> -> memref<16x1024xf32, #tpu.memory_space<vmem>>
        %dma_wait3A_632 = arith.constant 0 : i32
        %dma_wait3A_633 = arith.constant 0 : i32
        %dma_wait3A_634 = tpu.memref_slice %arg5[%dma_wait3A_627, %dma_wait3A_632, %dma_wait3A_633] : memref<4x2048x1024xf32, #tpu.memory_space<hbm>> -> memref<1x16x1024xf32, #tpu.memory_space<hbm>>
        %dma_wait3A_635 = tpu.memref_squeeze %dma_wait3A_634 : memref<1x16x1024xf32, #tpu.memory_space<hbm>> -> memref<16x1024xf32, #tpu.memory_space<hbm>>
        %dma_wait3A_636 = arith.constant 0 : i32
        %dma_wait3A_637 = arith.constant 0 : i32
        %dma_wait3A_638 = tpu.memref_slice %arg5[%dma_wait3A_627, %dma_wait3A_636, %dma_wait3A_637] : memref<4x2048x1024xf32, #tpu.memory_space<hbm>> -> memref<1x16x1024xf32, #tpu.memory_space<hbm>>
        %dma_wait3A_639 = tpu.memref_squeeze %dma_wait3A_638 : memref<1x16x1024xf32, #tpu.memory_space<hbm>> -> memref<16x1024xf32, #tpu.memory_space<hbm>>
        %dma_wait3A_640 = arith.constant 0 : i32
        %dma_wait3A_641 = arith.constant 0 : i32
        %dma_wait3A_642 = tpu.memref_slice %arg7[%dma_wait3A_626, %dma_wait3A_640, %dma_wait3A_641] : memref<4x16x1024xf32, #tpu.memory_space<vmem>> -> memref<1x16x1024xf32, #tpu.memory_space<vmem>>
        %dma_wait3A_643 = tpu.memref_squeeze %dma_wait3A_642 : memref<1x16x1024xf32, #tpu.memory_space<vmem>> -> memref<16x1024xf32, #tpu.memory_space<vmem>>
        tpu.wait_dma2 semaphore(%arg16 : memref<!tpu.dma_semaphore, #tpu.memory_space<semaphore_mem>>) src(%dma_wait3A_643 : memref<16x1024xf32, #tpu.memory_space<vmem>>) dst(%dma_wait3A_639 : memref<16x1024xf32, #tpu.memory_space<hbm>>)
      } else {
      }
      %lt3A_583 = arith.constant 14 : i32
      %lt3A_584 = arith.cmpi slt, %add3A_572, %lt3A_583 : i32
      %convert_element_type3A_585 = arith.extui %lt3A_584 : i1 to i32
      %cond3A_586 = arith.constant 0 : i32
      %cond3A_587 = arith.cmpi ne, %convert_element_type3A_585, %cond3A_586 : i32
      scf.if %cond3A_587 {
        %mul3A_626 = arith.constant 16 : i32
        %mul3A_627 = arith.muli %add3A_574, %mul3A_626 : i32
        %multiple_of3A_628 = tpu.assume_multiple %mul3A_627, 16 : i32
        %dma_start3A_629 = arith.constant 1 : i32
        %dma_start3A_630 = arith.constant 1 : i32
        %dma_start3A_631 = arith.constant 0 : i32
        %dma_start3A_632 = arith.constant 0 : i32
        %dma_start3A_633 = tpu.memref_slice %arg7[%dma_start3A_630, %dma_start3A_631, %dma_start3A_632] : memref<4x16x1024xf32, #tpu.memory_space<vmem>> -> memref<1x16x1024xf32, #tpu.memory_space<vmem>>
        %dma_start3A_634 = tpu.memref_squeeze %dma_start3A_633 : memref<1x16x1024xf32, #tpu.memory_space<vmem>> -> memref<16x1024xf32, #tpu.memory_space<vmem>>
        %dma_start3A_635 = tpu.memref_slice %arg6[%dma_start3A_629, %multiple_of3A_628] : memref<4x64xi32, #tpu.memory_space<vmem>> -> memref<1x16xi32, #tpu.memory_space<vmem>>
        %dma_start3A_636 = tpu.memref_squeeze %dma_start3A_635 : memref<1x16xi32, #tpu.memory_space<vmem>> -> memref<16xi32, #tpu.memory_space<vmem>>
        %dma_start3A_637 = arith.constant 0 : i32
        %dma_start3A_638 = arith.constant 0 : i32
        %dma_start3A_639 = tpu.memref_slice %arg3[%dma_start3A_637, %dma_start3A_638] : memref<100000x1024xf32, #tpu.memory_space<hbm>> -> memref<100000x1024xf32, #tpu.memory_space<hbm>>
        tpu.enqueue_indirect_dma source(%dma_start3A_639 : memref<100000x1024xf32, #tpu.memory_space<hbm>>) target(%dma_start3A_634 : memref<16x1024xf32, #tpu.memory_space<vmem>>) offsets(%dma_start3A_636 : memref<16xi32, #tpu.memory_space<vmem>>) semaphore(%arg12 : memref<!tpu.dma_semaphore, #tpu.memory_space<semaphore_mem>>)
      } else {
      }
      %dma_wait3A_588 = arith.constant 3 : i32
      %dma_wait3A_589 = arith.constant 0 : i32
      %dma_wait3A_590 = arith.constant 0 : i32
      %dma_wait3A_591 = tpu.memref_slice %arg7[%dma_wait3A_588, %dma_wait3A_589, %dma_wait3A_590] : memref<4x16x1024xf32, #tpu.memory_space<vmem>> -> memref<1x16x1024xf32, #tpu.memory_space<vmem>>
      %dma_wait3A_592 = tpu.memref_squeeze %dma_wait3A_591 : memref<1x16x1024xf32, #tpu.memory_space<vmem>> -> memref<16x1024xf32, #tpu.memory_space<vmem>>
      %dma_wait3A_593 = arith.constant 0 : i32
      %dma_wait3A_594 = arith.constant 0 : i32
      %dma_wait3A_595 = tpu.memref_slice %arg3[%dma_wait3A_593, %dma_wait3A_594] : memref<100000x1024xf32, #tpu.memory_space<hbm>> -> memref<16x1024xf32, #tpu.memory_space<hbm>>
      %dma_wait3A_596 = arith.constant 0 : i32
      %dma_wait3A_597 = arith.constant 0 : i32
      %dma_wait3A_598 = tpu.memref_slice %arg7[%dma_wait3A_588, %dma_wait3A_596, %dma_wait3A_597] : memref<4x16x1024xf32, #tpu.memory_space<vmem>> -> memref<1x16x1024xf32, #tpu.memory_space<vmem>>
      %dma_wait3A_599 = tpu.memref_squeeze %dma_wait3A_598 : memref<1x16x1024xf32, #tpu.memory_space<vmem>> -> memref<16x1024xf32, #tpu.memory_space<vmem>>
      %dma_wait3A_600 = arith.constant 0 : i32
      %dma_wait3A_601 = arith.constant 0 : i32
      %dma_wait3A_602 = tpu.memref_slice %arg3[%dma_wait3A_600, %dma_wait3A_601] : memref<100000x1024xf32, #tpu.memory_space<hbm>> -> memref<16x1024xf32, #tpu.memory_space<hbm>>
      tpu.wait_dma2 semaphore(%arg14 : memref<!tpu.dma_semaphore, #tpu.memory_space<semaphore_mem>>) src(%dma_wait3A_602 : memref<16x1024xf32, #tpu.memory_space<hbm>>) dst(%dma_wait3A_599 : memref<16x1024xf32, #tpu.memory_space<vmem>>)
      %parallel_loop3A_603 = arith.constant 0 : i32
      %parallel_loop3A_604 = arith.constant 1024 : i32
      %parallel_loop3A_605 = arith.constant 1 : i32
      scf.for %parallel_loop3A_626 = %parallel_loop3A_603 to %parallel_loop3A_604 step %parallel_loop3A_605  : i32 {
        %parallel_loop3A_627 = arith.constant 64 : i32
        %parallel_loop3A_628 = arith.divsi %parallel_loop3A_626, %parallel_loop3A_627 : i32
        %parallel_loop3A_629 = arith.constant 0 : i32
        %parallel_loop3A_630 = arith.cmpi sgt, %parallel_loop3A_626, %parallel_loop3A_629 : i32
        %parallel_loop3A_631 = arith.extui %parallel_loop3A_630 : i1 to i32
        %parallel_loop3A_632 = arith.constant 0 : i32
        %parallel_loop3A_633 = arith.cmpi slt, %parallel_loop3A_626, %parallel_loop3A_632 : i32
        %parallel_loop3A_634 = arith.extui %parallel_loop3A_633 : i1 to i32
        %parallel_loop3A_635 = arith.subi %parallel_loop3A_631, %parallel_loop3A_634 : i32
        %parallel_loop3A_636 = arith.constant 0 : i32
        %parallel_loop3A_637 = arith.cmpi sgt, %parallel_loop3A_627, %parallel_loop3A_636 : i32
        %parallel_loop3A_638 = arith.extui %parallel_loop3A_637 : i1 to i32
        %parallel_loop3A_639 = arith.constant 0 : i32
        %parallel_loop3A_640 = arith.cmpi slt, %parallel_loop3A_627, %parallel_loop3A_639 : i32
        %parallel_loop3A_641 = arith.extui %parallel_loop3A_640 : i1 to i32
        %parallel_loop3A_642 = arith.subi %parallel_loop3A_638, %parallel_loop3A_641 : i32
        %parallel_loop3A_643 = arith.cmpi ne, %parallel_loop3A_635, %parallel_loop3A_642 : i32
        %parallel_loop3A_644 = arith.remsi %parallel_loop3A_626, %parallel_loop3A_627 : i32
        %parallel_loop3A_645 = arith.constant 0 : i32
        %parallel_loop3A_646 = arith.cmpi ne, %parallel_loop3A_644, %parallel_loop3A_645 : i32
        %parallel_loop3A_647 = arith.andi %parallel_loop3A_643, %parallel_loop3A_646 : i1
        %parallel_loop3A_648 = arith.constant 1 : i32
        %parallel_loop3A_649 = arith.subi %parallel_loop3A_628, %parallel_loop3A_648 : i32
        %parallel_loop3A_650 = arith.select %parallel_loop3A_647, %parallel_loop3A_649, %parallel_loop3A_628 : i32
        %parallel_loop3A_651 = arith.constant 64 : i32
        %parallel_loop3A_652 = arith.muli %parallel_loop3A_650, %parallel_loop3A_651 : i32
        %parallel_loop3A_653 = arith.subi %parallel_loop3A_626, %parallel_loop3A_652 : i32
        %parallel_loop3A_654 = arith.constant 16 : i32
        %parallel_loop3A_655 = arith.muli %parallel_loop3A_653, %parallel_loop3A_654 : i32
        %parallel_loop3A_656 = arith.constant 3 : i32
        %parallel_loop3A_657 = arith.index_cast %parallel_loop3A_656 : i32 to index
        %parallel_loop3A_658 = arith.index_cast %parallel_loop3A_650 : i32 to index
        %parallel_loop3A_659 = arith.index_cast %parallel_loop3A_655 : i32 to index
        %parallel_loop3A_660 = tpu.vector_load %arg7[%parallel_loop3A_657, %parallel_loop3A_658, %parallel_loop3A_659] {strides = array<i32>} : memref<4x16x1024xf32, #tpu.memory_space<vmem>>, vector<1x1x16xf32>,
        %parallel_loop3A_661 = vector.shape_cast %parallel_loop3A_660 : vector<1x1x16xf32> to vector<16xf32>
        %parallel_loop3A_662 = arith.constant 3.200000e+01 : f32
        %parallel_loop3A_663 = vector.broadcast %parallel_loop3A_662 : f32 to vector<16xf32>
        %parallel_loop3A_664 = arith.mulf %parallel_loop3A_661, %parallel_loop3A_663 : vector<16xf32>
        %parallel_loop3A_665 = arith.constant 1 : i32
        %parallel_loop3A_666 = arith.index_cast %parallel_loop3A_665 : i32 to index
        %parallel_loop3A_667 = arith.index_cast %parallel_loop3A_650 : i32 to index
        %parallel_loop3A_668 = arith.index_cast %parallel_loop3A_655 : i32 to index
        %parallel_loop3A_669 = tpu.vector_load %arg8[%parallel_loop3A_666, %parallel_loop3A_667, %parallel_loop3A_668] {strides = array<i32>} : memref<2x16x1024xf32, #tpu.memory_space<vmem>>, vector<1x1x16xf32>,
        %parallel_loop3A_670 = vector.shape_cast %parallel_loop3A_669 : vector<1x1x16xf32> to vector<16xf32>
        %parallel_loop3A_671 = arith.addf %parallel_loop3A_664, %parallel_loop3A_670 : vector<16xf32>
        %parallel_loop3A_672 = arith.constant 3 : i32
        %parallel_loop3A_673 = arith.index_cast %parallel_loop3A_672 : i32 to index
        %parallel_loop3A_674 = arith.index_cast %parallel_loop3A_650 : i32 to index
        %parallel_loop3A_675 = arith.index_cast %parallel_loop3A_655 : i32 to index
        %parallel_loop3A_676 = tpu.vector_load %arg7[%parallel_loop3A_673, %parallel_loop3A_674, %parallel_loop3A_675] {strides = array<i32>} : memref<4x16x1024xf32, #tpu.memory_space<vmem>>, vector<1x1x16xf32>,
        %parallel_loop3A_677 = vector.shape_cast %parallel_loop3A_676 : vector<1x1x16xf32> to vector<16xf32>
        %parallel_loop3A_678 = vector.shape_cast %parallel_loop3A_671 : vector<16xf32> to vector<1x1x16xf32>
        tpu.vector_store %arg7[%parallel_loop3A_673, %parallel_loop3A_674, %parallel_loop3A_675], %parallel_loop3A_678 {strides = array<i32>} : memref<4x16x1024xf32, #tpu.memory_space<vmem>>, vector<1x1x16xf32>,
      } {sc.loop_unroll_factor = 4 : i64, sc.parallel_access}
      %mul3A_606 = arith.constant 16 : i32
      %mul3A_607 = arith.muli %add3A_377, %mul3A_606 : i32
      %add3A_608 = arith.addi %multiple_of3A, %mul3A_607 : i32
      %multiple_of3A_609 = tpu.assume_multiple %add3A_608, 16 : i32
      %dma_start3A_610 = arith.constant 3 : i32
      %dma_start3A_611 = arith.constant 3 : i32
      %dma_start3A_612 = arith.constant 0 : i32
      %dma_start3A_613 = arith.constant 0 : i32
      %dma_start3A_614 = tpu.memref_slice %arg7[%dma_start3A_610, %dma_start3A_612, %dma_start3A_613] : memref<4x16x1024xf32, #tpu.memory_space<vmem>> -> memref<1x16x1024xf32, #tpu.memory_space<vmem>>
      %dma_start3A_615 = tpu.memref_squeeze %dma_start3A_614 : memref<1x16x1024xf32, #tpu.memory_space<vmem>> -> memref<16x1024xf32, #tpu.memory_space<vmem>>
      %dma_start3A_616 = arith.constant 0 : i32
      %dma_start3A_617 = tpu.memref_slice %arg5[%dma_start3A_611, %multiple_of3A_609, %dma_start3A_616] : memref<4x2048x1024xf32, #tpu.memory_space<hbm>> -> memref<1x16x1024xf32, #tpu.memory_space<hbm>>
      %dma_start3A_618 = tpu.memref_squeeze %dma_start3A_617 : memref<1x16x1024xf32, #tpu.memory_space<hbm>> -> memref<16x1024xf32, #tpu.memory_space<hbm>>
      %dma_start3A_619 = arith.constant 0 : i32
      %dma_start3A_620 = tpu.memref_slice %arg5[%dma_start3A_611, %multiple_of3A_609, %dma_start3A_619] : memref<4x2048x1024xf32, #tpu.memory_space<hbm>> -> memref<1x16x1024xf32, #tpu.memory_space<hbm>>
      %dma_start3A_621 = tpu.memref_squeeze %dma_start3A_620 : memref<1x16x1024xf32, #tpu.memory_space<hbm>> -> memref<16x1024xf32, #tpu.memory_space<hbm>>
      %dma_start3A_622 = arith.constant 0 : i32
      %dma_start3A_623 = arith.constant 0 : i32
      %dma_start3A_624 = tpu.memref_slice %arg7[%dma_start3A_610, %dma_start3A_622, %dma_start3A_623] : memref<4x16x1024xf32, #tpu.memory_space<vmem>> -> memref<1x16x1024xf32, #tpu.memory_space<vmem>>
      %dma_start3A_625 = tpu.memref_squeeze %dma_start3A_624 : memref<1x16x1024xf32, #tpu.memory_space<vmem>> -> memref<16x1024xf32, #tpu.memory_space<vmem>>
      tpu.enqueue_dma source(%dma_start3A_625 : memref<16x1024xf32, #tpu.memory_space<vmem>>) target(%dma_start3A_621 : memref<16x1024xf32, #tpu.memory_space<hbm>>) target_semaphore(%arg18 : memref<!tpu.dma_semaphore, #tpu.memory_space<semaphore_mem>>)
    }
    %scan3A_55 = arith.constant 2 : i32
    %dma_wait3A = arith.constant 0 : i32
    %dma_wait3A_56 = arith.constant 0 : i32
    %dma_wait3A_57 = arith.constant 0 : i32
    %dma_wait3A_58 = arith.constant 0 : i32
    %dma_wait3A_59 = tpu.memref_slice %arg7[%dma_wait3A, %dma_wait3A_57, %dma_wait3A_58] : memref<4x16x1024xf32, #tpu.memory_space<vmem>> -> memref<1x16x1024xf32, #tpu.memory_space<vmem>>
    %dma_wait3A_60 = tpu.memref_squeeze %dma_wait3A_59 : memref<1x16x1024xf32, #tpu.memory_space<vmem>> -> memref<16x1024xf32, #tpu.memory_space<vmem>>
    %dma_wait3A_61 = arith.constant 0 : i32
    %dma_wait3A_62 = arith.constant 0 : i32
    %dma_wait3A_63 = tpu.memref_slice %arg5[%dma_wait3A_56, %dma_wait3A_61, %dma_wait3A_62] : memref<4x2048x1024xf32, #tpu.memory_space<hbm>> -> memref<1x16x1024xf32, #tpu.memory_space<hbm>>
    %dma_wait3A_64 = tpu.memref_squeeze %dma_wait3A_63 : memref<1x16x1024xf32, #tpu.memory_space<hbm>> -> memref<16x1024xf32, #tpu.memory_space<hbm>>
    %dma_wait3A_65 = arith.constant 0 : i32
    %dma_wait3A_66 = arith.constant 0 : i32
    %dma_wait3A_67 = tpu.memref_slice %arg5[%dma_wait3A_56, %dma_wait3A_65, %dma_wait3A_66] : memref<4x2048x1024xf32, #tpu.memory_space<hbm>> -> memref<1x16x1024xf32, #tpu.memory_space<hbm>>
    %dma_wait3A_68 = tpu.memref_squeeze %dma_wait3A_67 : memref<1x16x1024xf32, #tpu.memory_space<hbm>> -> memref<16x1024xf32, #tpu.memory_space<hbm>>
    %dma_wait3A_69 = arith.constant 0 : i32
    %dma_wait3A_70 = arith.constant 0 : i32
    %dma_wait3A_71 = tpu.memref_slice %arg7[%dma_wait3A, %dma_wait3A_69, %dma_wait3A_70] : memref<4x16x1024xf32, #tpu.memory_space<vmem>> -> memref<1x16x1024xf32, #tpu.memory_space<vmem>>
    %dma_wait3A_72 = tpu.memref_squeeze %dma_wait3A_71 : memref<1x16x1024xf32, #tpu.memory_space<vmem>> -> memref<16x1024xf32, #tpu.memory_space<vmem>>
    tpu.wait_dma2 semaphore(%arg15 : memref<!tpu.dma_semaphore, #tpu.memory_space<semaphore_mem>>) src(%dma_wait3A_72 : memref<16x1024xf32, #tpu.memory_space<vmem>>) dst(%dma_wait3A_68 : memref<16x1024xf32, #tpu.memory_space<hbm>>)
    %dma_wait3A_73 = arith.constant 1 : i32
    %dma_wait3A_74 = arith.constant 0 : i32
    %dma_wait3A_75 = arith.constant 0 : i32
    %dma_wait3A_76 = arith.constant 0 : i32
    %dma_wait3A_77 = tpu.memref_slice %arg7[%dma_wait3A_73, %dma_wait3A_75, %dma_wait3A_76] : memref<4x16x1024xf32, #tpu.memory_space<vmem>> -> memref<1x16x1024xf32, #tpu.memory_space<vmem>>
    %dma_wait3A_78 = tpu.memref_squeeze %dma_wait3A_77 : memref<1x16x1024xf32, #tpu.memory_space<vmem>> -> memref<16x1024xf32, #tpu.memory_space<vmem>>
    %dma_wait3A_79 = arith.constant 0 : i32
    %dma_wait3A_80 = arith.constant 0 : i32
    %dma_wait3A_81 = tpu.memref_slice %arg5[%dma_wait3A_74, %dma_wait3A_79, %dma_wait3A_80] : memref<4x2048x1024xf32, #tpu.memory_space<hbm>> -> memref<1x16x1024xf32, #tpu.memory_space<hbm>>
    %dma_wait3A_82 = tpu.memref_squeeze %dma_wait3A_81 : memref<1x16x1024xf32, #tpu.memory_space<hbm>> -> memref<16x1024xf32, #tpu.memory_space<hbm>>
    %dma_wait3A_83 = arith.constant 0 : i32
    %dma_wait3A_84 = arith.constant 0 : i32
    %dma_wait3A_85 = tpu.memref_slice %arg5[%dma_wait3A_74, %dma_wait3A_83, %dma_wait3A_84] : memref<4x2048x1024xf32, #tpu.memory_space<hbm>> -> memref<1x16x1024xf32, #tpu.memory_space<hbm>>
    %dma_wait3A_86 = tpu.memref_squeeze %dma_wait3A_85 : memref<1x16x1024xf32, #tpu.memory_space<hbm>> -> memref<16x1024xf32, #tpu.memory_space<hbm>>
    %dma_wait3A_87 = arith.constant 0 : i32
    %dma_wait3A_88 = arith.constant 0 : i32
    %dma_wait3A_89 = tpu.memref_slice %arg7[%dma_wait3A_73, %dma_wait3A_87, %dma_wait3A_88] : memref<4x16x1024xf32, #tpu.memory_space<vmem>> -> memref<1x16x1024xf32, #tpu.memory_space<vmem>>
    %dma_wait3A_90 = tpu.memref_squeeze %dma_wait3A_89 : memref<1x16x1024xf32, #tpu.memory_space<vmem>> -> memref<16x1024xf32, #tpu.memory_space<vmem>>
    tpu.wait_dma2 semaphore(%arg16 : memref<!tpu.dma_semaphore, #tpu.memory_space<semaphore_mem>>) src(%dma_wait3A_90 : memref<16x1024xf32, #tpu.memory_space<vmem>>) dst(%dma_wait3A_86 : memref<16x1024xf32, #tpu.memory_space<hbm>>)
    %dma_wait3A_91 = arith.constant 2 : i32
    %dma_wait3A_92 = arith.constant 0 : i32
    %dma_wait3A_93 = arith.constant 0 : i32
    %dma_wait3A_94 = arith.constant 0 : i32
    %dma_wait3A_95 = tpu.memref_slice %arg7[%dma_wait3A_91, %dma_wait3A_93, %dma_wait3A_94] : memref<4x16x1024xf32, #tpu.memory_space<vmem>> -> memref<1x16x1024xf32, #tpu.memory_space<vmem>>
    %dma_wait3A_96 = tpu.memref_squeeze %dma_wait3A_95 : memref<1x16x1024xf32, #tpu.memory_space<vmem>> -> memref<16x1024xf32, #tpu.memory_space<vmem>>
    %dma_wait3A_97 = arith.constant 0 : i32
    %dma_wait3A_98 = arith.constant 0 : i32
    %dma_wait3A_99 = tpu.memref_slice %arg5[%dma_wait3A_92, %dma_wait3A_97, %dma_wait3A_98] : memref<4x2048x1024xf32, #tpu.memory_space<hbm>> -> memref<1x16x1024xf32, #tpu.memory_space<hbm>>
    %dma_wait3A_100 = tpu.memref_squeeze %dma_wait3A_99 : memref<1x16x1024xf32, #tpu.memory_space<hbm>> -> memref<16x1024xf32, #tpu.memory_space<hbm>>
    %dma_wait3A_101 = arith.constant 0 : i32
    %dma_wait3A_102 = arith.constant 0 : i32
    %dma_wait3A_103 = tpu.memref_slice %arg5[%dma_wait3A_92, %dma_wait3A_101, %dma_wait3A_102] : memref<4x2048x1024xf32, #tpu.memory_space<hbm>> -> memref<1x16x1024xf32, #tpu.memory_space<hbm>>
    %dma_wait3A_104 = tpu.memref_squeeze %dma_wait3A_103 : memref<1x16x1024xf32, #tpu.memory_space<hbm>> -> memref<16x1024xf32, #tpu.memory_space<hbm>>
    %dma_wait3A_105 = arith.constant 0 : i32
    %dma_wait3A_106 = arith.constant 0 : i32
    %dma_wait3A_107 = tpu.memref_slice %arg7[%dma_wait3A_91, %dma_wait3A_105, %dma_wait3A_106] : memref<4x16x1024xf32, #tpu.memory_space<vmem>> -> memref<1x16x1024xf32, #tpu.memory_space<vmem>>
    %dma_wait3A_108 = tpu.memref_squeeze %dma_wait3A_107 : memref<1x16x1024xf32, #tpu.memory_space<vmem>> -> memref<16x1024xf32, #tpu.memory_space<vmem>>
    tpu.wait_dma2 semaphore(%arg17 : memref<!tpu.dma_semaphore, #tpu.memory_space<semaphore_mem>>) src(%dma_wait3A_108 : memref<16x1024xf32, #tpu.memory_space<vmem>>) dst(%dma_wait3A_104 : memref<16x1024xf32, #tpu.memory_space<hbm>>)
    %dma_wait3A_109 = arith.constant 3 : i32
    %dma_wait3A_110 = arith.constant 0 : i32
    %dma_wait3A_111 = arith.constant 0 : i32
    %dma_wait3A_112 = arith.constant 0 : i32
    %dma_wait3A_113 = tpu.memref_slice %arg7[%dma_wait3A_109, %dma_wait3A_111, %dma_wait3A_112] : memref<4x16x1024xf32, #tpu.memory_space<vmem>> -> memref<1x16x1024xf32, #tpu.memory_space<vmem>>
    %dma_wait3A_114 = tpu.memref_squeeze %dma_wait3A_113 : memref<1x16x1024xf32, #tpu.memory_space<vmem>> -> memref<16x1024xf32, #tpu.memory_space<vmem>>
    %dma_wait3A_115 = arith.constant 0 : i32
    %dma_wait3A_116 = arith.constant 0 : i32
    %dma_wait3A_117 = tpu.memref_slice %arg5[%dma_wait3A_110, %dma_wait3A_115, %dma_wait3A_116] : memref<4x2048x1024xf32, #tpu.memory_space<hbm>> -> memref<1x16x1024xf32, #tpu.memory_space<hbm>>
    %dma_wait3A_118 = tpu.memref_squeeze %dma_wait3A_117 : memref<1x16x1024xf32, #tpu.memory_space<hbm>> -> memref<16x1024xf32, #tpu.memory_space<hbm>>
    %dma_wait3A_119 = arith.constant 0 : i32
    %dma_wait3A_120 = arith.constant 0 : i32
    %dma_wait3A_121 = tpu.memref_slice %arg5[%dma_wait3A_110, %dma_wait3A_119, %dma_wait3A_120] : memref<4x2048x1024xf32, #tpu.memory_space<hbm>> -> memref<1x16x1024xf32, #tpu.memory_space<hbm>>
    %dma_wait3A_122 = tpu.memref_squeeze %dma_wait3A_121 : memref<1x16x1024xf32, #tpu.memory_space<hbm>> -> memref<16x1024xf32, #tpu.memory_space<hbm>>
    %dma_wait3A_123 = arith.constant 0 : i32
    %dma_wait3A_124 = arith.constant 0 : i32
    %dma_wait3A_125 = tpu.memref_slice %arg7[%dma_wait3A_109, %dma_wait3A_123, %dma_wait3A_124] : memref<4x16x1024xf32, #tpu.memory_space<vmem>> -> memref<1x16x1024xf32, #tpu.memory_space<vmem>>
    %dma_wait3A_126 = tpu.memref_squeeze %dma_wait3A_125 : memref<1x16x1024xf32, #tpu.memory_space<vmem>> -> memref<16x1024xf32, #tpu.memory_space<vmem>>
    tpu.wait_dma2 semaphore(%arg18 : memref<!tpu.dma_semaphore, #tpu.memory_space<semaphore_mem>>) src(%dma_wait3A_126 : memref<16x1024xf32, #tpu.memory_space<vmem>>) dst(%dma_wait3A_122 : memref<16x1024xf32, #tpu.memory_space<hbm>>)
    return
  }
}

</mosaic_0001>

<sc_bundles>
// kernel: kernel.3.cloned.1.call-start
scs
__scs_entry_jumppad:
0x0: {  	(pc) =	sbr.rel $0x88, $3  }
0x1: {  	(tag) =	ssettag $0x0;
	lr =	simm.s32 $0x1  }
0x2: {  	[smem:$0x3F9E] =	sst lr;
	_ =	strace $0xD0000000  }
0x3: {  	_ = 	snop  }
0x4: {  	_ = 	snop  }
0x5: {  	_ = 	snop  }
0x6: {  	_ = 	snop  }
0x7: {  	_ = 	snop  }
__scs_overlays_trampoline_lowered:
0x8: {  	[smem:$0x3FAD] =	sst s0  }
0x9: {  	[smem:$0x3FAE] =	sst s1  }
0xa: {  	[smem:$0x3FAF] =	sst s2  }
0xb: {  	[smem:$0x3FB0] =	sst s3  }
0xc: {  	[smem:$0x3FB1] =	sst s4  }
0xd: {  	[smem:$0x3FB2] =	sst s5  }
0xe: {  	[smem:$0x3FB3] =	sst s6  }
0xf: {  	[smem:$0x3FB4] =	sst s7  }
0x10: {  	[smem:$0x3FB5] =	sst s8  }
0x11: {  	[smem:$0x3FB6] =	sst s9;
	s0 =	simm.s32 @!p0 $0x0  }
0x12: {  	s1 =	sld [smem:$0x3F9C];
	s0 =	simm.s32 @p0 $0x1  }
0x13: {  	[smem:$0x3FB7] =	sst s0;
	s0 =	simm.s32 @!p1 $0x0  }
0x14: {  	s2 =	sld [smem:$0x3F9B];
	s0 =	simm.s32 @p1 $0x1  }
0x15: {  	[smem:$0x3FB8] =	sst s0;
	s0 =	simm.s32 @!p2 $0x0  }
0x16: {  	s3 =	sld [smem:$0x3FDB];
	s0 =	simm.s32 @p2 $0x1  }
0x17: {  	s4 =	simm.s32 $0x1BF5;
	[smem:$0x3FBA] =	sst s0  }
0x18: {  	s0 =	sld [smem:$0x3F9D];
	_ =	swait.ge [sflag:s4], $0x0  }
0x19: {  	s7 =	sld [smem:$0x3F9E]  }
0x1a: {  	s8 =	sadd.s32 $0xFFFFE003, lr  }
0x1b: {  	s9 =	sadd.s32 $0xFFFFFEF7, lr;
	s5 =	simm.s32 $0xFFFFFFFF;
	p2 =	slt.u32 s8, $0xFFFFF086  }
0x1c: {  	p1 =	slt.u32 s9, $0xF7A;
	s5 =	simm.s32 @!p2 $0x0  }
0x1d: {  	s5 =	simm.s32 @p1 $0x1;
	p0 =	seq.s32 s7, s2  }
0x1e: {  	s7 =	smul.u32 @!p0 $0xF7A, s2;
	p2 =	seq.s32 @!p0 s5, $0x0  }
0x1f: {  	s9 =	smul.u32 $0xF7A, s1;
	s8 =	simm.s32 @!p0 $0x1BF5;
	p2 =	por !p2, p0  }
0x20: {  	[sflag:s8] =	ssyncset.s32 @!p0 $0xFFFFF086;
	s6 =	sadd.s32 @!p0 s3, s7;
	s7 =	simm.s32 @!p0 $0x108  }
0x21: {  	s3 =	sadd.s32 s3, s9;
	s6 =	sadd.s32 @!p0 $0x88, s6;
	s7 =	simm.s32 @p2 $0x1082  }
0x22: {  	[simem:s7], [sflag:s8] =	dma.local @!p0 [hbm:s6], $0xF7A  }
0x23: {  	s9 =	sor.u32 $0xD0000000, s2;
	s6 =	simm.s32 $0x108;
	_ =	swait.ge @!p0 [sflag:s8], $0x0  }
0x24: {  	s3 =	sadd.s32 $0x88, s3;
	s6 =	simm.s32 @!p1 $0x1082;
	[sflag:s4] =	ssyncset.s32 $0xFFFFF086  }
0x25: {  	[simem:s6], [sflag:s4] =	dma.local [hbm:s3], $0xF7A  }
0x26: {  	[smem:$0x3F9E] =	sst s1;
	(tag) =	ssettag s2;
	_ =	strace s9  }
0x27: {  	s1 =	sld [smem:$0x3FAE]  }
0x28: {  	s2 =	sld [smem:$0x3FAF]  }
0x29: {  	s4 =	sld [smem:$0x3FB1]  }
0x2a: {  	p0 =	seq.s32 s5, $0x0;
	s5 =	sld [smem:$0x3FB2]  }
0x2b: {  	s6 =	sld [smem:$0x3FB3]  }
0x2c: {  	s7 =	sld [smem:$0x3FB4]  }
0x2d: {  	s3 =	simm.s32 $0x108;
	s8 =	sld [smem:$0x3FB5]  }
0x2e: {  	s3 =	simm.s32 @!p0 $0x1082;
	s9 =	sld [smem:$0x3FB6]  }
0x2f: {  	lr =	sadd.s32 s0, s3;
	s0 =	sld [smem:$0x3FAD]  }
0x30: {  	s3 =	sld [smem:$0x3FB0]  }
0x31: {  	[smem:$0x3FB9] =	sst s10  }
0x32: {  	s10 =	sld [smem:$0x3FB7];
	_ =	sdelay $0x3  }
0x33: {  	p0 =	seq.s32 s10, $0x1;
	s10 =	sld [smem:$0x3FB9];
	_ =	sdelay $0x3  }
0x34: {  	[smem:$0x3FB9] =	sst s10  }
0x35: {  	s10 =	sld [smem:$0x3FB8];
	_ =	sdelay $0x3  }
0x36: {  	p1 =	seq.s32 s10, $0x1;
	s10 =	sld [smem:$0x3FB9];
	_ =	sdelay $0x3  }
0x37: {  	[smem:$0x3FB9] =	sst s10  }
0x38: {  	s10 =	sld [smem:$0x3FBA]  }
0x39: {  	_ = 	snop;
	(pc) =	sbr.ind lr, $3  }
0x3a: {  	_ = 	snop  }
0x3b: {  	_ = 	snop  }
0x3c: {  	p2 =	seq.s32 s10, $0x1;
	s10 =	sld [smem:$0x3FB9]  }
0x3d: {  	_ =	shalt  }
0x3e: {  	_ =	shalt  }
0x3f: {  	_ =	shalt  }
0x40: {  	_ =	shalt  }
0x41: {  	_ =	shalt  }
0x42: {  	_ =	shalt  }
0x43: {  	_ =	shalt  }
0x44: {  	_ =	shalt  }
0x45: {  	_ =	shalt  }
0x46: {  	_ =	shalt  }
0x47: {  	_ =	shalt  }
0x48: {  	_ =	shalt  }
0x49: {  	_ =	shalt  }
0x4a: {  	_ =	shalt  }
0x4b: {  	_ =	shalt  }
0x4c: {  	_ =	shalt  }
0x4d: {  	_ =	shalt  }
0x4e: {  	_ =	shalt  }
0x4f: {  	_ =	shalt  }
0x50: {  	_ =	shalt  }
0x51: {  	_ =	shalt  }
0x52: {  	_ =	shalt  }
0x53: {  	_ =	shalt  }
0x54: {  	_ =	shalt  }
0x55: {  	_ =	shalt  }
0x56: {  	_ =	shalt  }
0x57: {  	_ =	shalt  }
0x58: {  	_ =	shalt  }
0x59: {  	_ =	shalt  }
0x5a: {  	_ =	shalt  }
0x5b: {  	_ =	shalt  }
0x5c: {  	_ =	shalt  }
0x5d: {  	_ =	shalt  }
0x5e: {  	_ =	shalt  }
0x5f: {  	_ =	shalt  }
0x60: {  	_ =	shalt  }
0x61: {  	_ =	shalt  }
0x62: {  	_ =	shalt  }
0x63: {  	_ =	shalt  }
0x64: {  	_ =	shalt  }
0x65: {  	_ =	shalt  }
0x66: {  	_ =	shalt  }
0x67: {  	_ =	shalt  }
0x68: {  	_ =	shalt  }
0x69: {  	_ =	shalt  }
0x6a: {  	_ =	shalt  }
0x6b: {  	_ =	shalt  }
0x6c: {  	_ =	shalt  }
0x6d: {  	_ =	shalt  }
0x6e: {  	_ =	shalt  }
0x6f: {  	_ =	shalt  }
0x70: {  	_ =	shalt  }
0x71: {  	_ =	shalt  }
0x72: {  	_ =	shalt  }
0x73: {  	_ =	shalt  }
0x74: {  	_ =	shalt  }
0x75: {  	_ =	shalt  }
0x76: {  	_ =	shalt  }
0x77: {  	_ =	shalt  }
0x78: {  	_ =	shalt  }
0x79: {  	_ =	shalt  }
0x7a: {  	_ =	shalt  }
0x7b: {  	_ =	shalt  }
0x7c: {  	_ =	shalt  }
0x7d: {  	_ =	shalt  }
0x7e: {  	_ =	shalt  }
0x7f: {  	_ =	shalt  }
0x80: {  	_ =	shalt  }
0x81: {  	_ =	shalt  }
0x82: {  	_ =	shalt  }
0x83: {  	_ =	shalt  }
0x84: {  	_ =	shalt  }
0x85: {  	_ =	shalt  }
0x86: {  	_ =	shalt  }
0x87: {  	_ =	shalt  }
.Lfunc_end0:
.L_simem_size_0:
called_computation_lowered:
.L_overlay_start_0:
0x88: {  	s2 =	sld [smem:$0x3FD9]  }
0x89: {  	s3 =	sld [smem:$0x3FFE];
	_ =	sdelay $0x1  }
0x8a: {  	s1 =	srdreg.scid  }
0x8b: {  	s0 =	sand.u32 $0x1, s1  }
0x8c: {  	s18 =	sshll.u32 s0, $0xA;
	s2 =	sadd.s32 s3, s2  }
0x8d: {  	s2 =	sadd.s32 s2, s18  }
0x8e: {  	[smem:$0x3FC5] =	sst s2  }
0x8f: {  	_ = 	snop  }
0x90: {  	s2 =	sld [smem:$0x3FC9]  }
0x91: {  	s19 =	sld [smem:$0x3FC8]  }
0x92: {  	s4 =	sld [smem:$0x3FC7]  }
0x93: {  	s5 =	sld [smem:$0x3FD0];
	(tm) =	ssettm $0x1  }
0x94: {  	s6 =	sld [smem:$0x3FFB];
	_ =	sdelay $0x3  }
0x95: {  	_ =	strace s6  }
0x96: {  	s6 =	sld [smem:$0x3FFC];
	_ =	sdelay $0x3  }
0x97: {  	_ =	strace s6  }
0x98: {  	s6 =	sld [smem:$0x3FFD];
	_ =	sdelay $0x3  }
0x99: {  	_ =	strace s6  }
0x9a: {  	_ =	strace $0x8FFFFFFF  }
0x9b: {  	s20 =	sld [smem:$0x3FDB];
	_ =	sdelay $0x1  }
0x9c: {  	s7 =	simm.s32 $_scs_section_size  }
0x9d: {  	s8 =	simm.s32 $_size__tile_overlayer_lowered;
	s9 =	simm.s32 $_tile_overlayer_lowered  }
0x9e: {  	s23 =	simm.s32 $0x1BFF;
	s22 =	sshll.u32 s9, $0x1;
	s6 =	sadd.s32 s7, s20  }
0x9f: {  	s10 =	simm.s32 $0x0;
	s21 =	sshll.u32 s8, $0x1;
	s8 =	sadd.s32 s22, s6  }
0xa0: {  	[timem:s10], [sflag:s23] =	dma.local [hbm:s8], s21  }
0xa1: {  	_ =	swait.ge [sflag:s23], s21  }
0xa2: {  	s7 =	ssub.s32 $0x0, s21;
	[sflag:s23] =	ssyncset.done $0x0  }
0xa3: {  	[sflag:s23] =	ssyncadd.s32 s7;
	_ =	sdelay $0x1  }
0xa4: {  	s24 =	simm.s32 $0x1B8B  }
0xa5: {  	_ =	swait.ge [sflag:s24], $0x1  }
0xa6: {  	[sflag:s24] =	ssyncset.done $0x0  }
0xa7: {  	s25 =	simm.s32 $0x1B8E;
	[sflag:s24] =	ssyncadd.s32 $0xFFFFFFFF  }
0xa8: {  	s26 =	simm.s32 $execute0_lowered;
	[smem:$0x3FD2] =	sst s25  }
0xa9: {  	s7 =	sshll.u32 s26, $0x1;
	_ =	strace $0x80000046;
	[dreg:$0x1] =	wrdreg $0xFFFFFFFF  }
0xaa: {  	s28 =	simm.s32 $_size_execute0_lowered;
	s6 =	sadd.s32 s6, s7;
	[dreg:$0x0] =	wrdreg $0x0  }
0xab: {  	s7 =	sshll.u32 s28, $0x1;
	[dreg:$0x2] =	wrdreg s6  }
0xac: {  	[dreg:$0x3] =	wrdreg s7  }
0xad: {  	[dreg:$0x4] =	wrdreg $0xC0  }
0xae: {  	_ =	task [dreg:s10], $0x5FFFF  }
0xaf: {  	[dreg:$0x1] =	wrdreg $0xFFFFFFFF  }
0xb0: {  	[dreg:$0x0] =	wrdreg $0x60  }
0xb1: {  	[dreg:$0x2] =	wrdreg s2  }
0xb2: {  	[dreg:$0x3] =	wrdreg s19  }
0xb3: {  	[dreg:$0x4] =	wrdreg s4  }
0xb4: {  	[dreg:$0x5] =	wrdreg s5  }
0xb5: {  	[dreg:$0x6] =	wrdreg $0x9  }
0xb6: {  	_ =	task.clear_ibuf [dreg:s10], $0x7FFFF;
	_ =	strace $0x90000046  }
0xb7: {  	s29 =	simm.s32 $0x9;
	_ =	strace $0x80000048  }
0xb8: {  	_ =	swait.ge [sflag:s29], $0x1  }
0xb9: {  	[sflag:s29] =	ssyncadd.s32 $0xFFFFFFFF  }
0xba: {  	_ =	strace $0x90000048  }
0xbb: {  	_ =	sfence  }
0xbc: {  	s30 =	sld [smem:$0x0];
	_ =	sdelay $0x2  }
0xbd: {  	s31 =	sshll.u32 s1, $0xD;
	s1 =	sshrl.u32 s1, $0x2  }
0xbe: {  	s3 =	sand.u32 $0x4000, s31;
	s1 =	sadd.s32 s1, s30  }
0xbf: {  	s0 =	sor.u32 s3, s0;
	s1 =	sshll.u32 s1, $0x11  }
0xc0: {  	s0 =	sor.u32 s1, s0  }
0xc1: {  	s0 =	sadd.s32 $0x8F2B, s0  }
0xc2: {  	[sflag:s0] =	ssyncadd.remote.s32 $0x1  }
0xc3: {  	_ =	sfence.sel $0xFFFF  }
0xc4: {  	[dreg:$0x0] =	wrdreg $0xFFFFFFFF;
	(pc) =	sbr.abs _section_cstart, $3  }
0xc5: {  	[dreg:$0x1] =	wrdreg $0xFFFFFFFF  }
0xc6: {  	_ =	task.clear_ibuf [dreg:s10], $0x2FFFF;
	_ =	strace $0x9FFFFFFF  }
0xc7: {  	(tm) =	ssettm $0x7FFFFFFF  }
tec
execute0_lowered:
.L_overlay_start_1:
0x0: {  	(tag) =	ssettag $0x1  }
0x1: {  	s2 =	rddreg [dreg:$0x0]  }
0x2: {  	s0 =	srdreg.scid;
	s1 =	rddreg [dreg:$0x1]  }
0x3: {  	s3 =	stileid.u32;
	s29 =	rddreg [dreg:$0x2]  }
0x4: {  	s30 =	rddreg [dreg:$0x3];
	s6 =	simm.s32 $0x0;
	s0 =	sand.u32 $0x1, s0  }
0x5: {  	s3 =	sshll.u32 s3, $0x7;
	[smem:$0x7FF] =	sst s6;
	s12 =	sadd.s32 $0x100, s1  }
0x6: {  	s25 =	sadd.s32 $0x40000, s30;
	s26 =	sadd.s32 $0x80000, s30;
	s28 =	sadd.s32 $0xC0000, s30  }
0x7: {  	s7 =	sshll.u32 s0, $0x6;
	_ =	strace $0x80000047;
	[dreg:$0xa] =	wrdreg s25  }
0x8: {  	s0 =	ssub.s32 $0x2, s0;
	[dreg:$0xb] =	wrdreg s26;
	s15 =	sor.u32 s7, s3  }
0x9: {  	[dreg:$0xc] =	wrdreg s28;
	s9 =	sshrl.u32 s0, $0x1;
	s3 =	sshll.u32 s15, $0x2  }
0xa: {  	s0 =	ssub.s32 s0, s9;
	s22 =	sshll.u32 s15, $0x7;
	s31 =	sor.u32 $0x20, s15  }
0xb: {  	s8 =	sand.u32 $0x1E00, s3;
	s3 =	sor.u32 s7, s3;
	s24 =	sadd.s32 s29, s22  }
0xc: {  	[dreg:$0xd] =	wrdreg s31;
	s0 =	smax.u32 s0, $0x1;
	s8 =	sor.u32 s7, s8  }
0xd: {  	s3 =	sshrl.u32 s3, $0x3;
	[dreg:$0x9] =	wrdreg s24;
	s8 =	sshrl.u32 s8, $0x3  }
0xe: {  	[dreg:$0xe] =	wrdreg s0;
	s21 =	sor.u32 $0x20, s3;
	s4 =	sadd.s32 s2, s8  }
0xf: {  	s3 =	sor.u32 $0x30, s3;
	s23 =	sadd.s32 s2, s21;
	[dreg:$0x5] =	wrdreg s4  }
0x10: {  	v2 =	vlaneseq.u32;
	s13 =	sadd.s32 $0x200, s1;
	s2 =	sadd.s32 s2, s3;
	[dreg:$0x7] =	wrdreg s23  }
0x11: {  	vm0 =	vmmov $0xffff;
	s14 =	sadd.s32 $0x300, s1;
	v1 =	vshrl.u32 v2, $0x3;
	s4 =	sadd.s32 $0x10, s4;
	[dreg:$0x8] =	wrdreg s2  }
0x12: {  	v0 =	vand.u32 $0x7, v2;
	v2 =	vor.u32 $0x8, v2;
	v1 =	vmul.u32 $0x8, v1;
	s3 =	simm.s32 $0x0;
	[dreg:$0x6] =	wrdreg s4;
	s4 =	simm.s32 $0xC200  }
.LBB2_1:
0x13: {  	[dreg:$0xf] =	wrdreg s3  }
0x14: {  	s0 =	rddreg [dreg:$0x5];
	s2 =	simm.s32 $0xB  }
0x15: {  	[tilespmem:s6], [sflag:$0xB] =	stream.linear.gather [hbm4b:s0+s6], $0x40, $0x38;
	[tilespmem:$0x18200] =	vst v63  }
0x16: {  	_ =	swait.ge [sflag:s2], $0x40  }
0x17: {  	[sflag:s2] =	ssyncset.done $0x0  }
0x18: {  	s26 =	simm.s32 $0x80;
	s25 =	rddreg [dreg:$0x6];
	[sflag:s2] =	ssyncadd.s32 $0xFFFFFFC0  }
0x19: {  	[tilespmem:s26], [sflag:$0xB] =	stream.linear.gather [hbm4b:s25+s6], $0x40, $0x38;
	[tilespmem:$0x18200] =	vst v63  }
0x1a: {  	_ =	swait.ge [sflag:s2], $0x40  }
0x1b: {  	[sflag:s2] =	ssyncset.done $0x0  }
0x1c: {  	s31 =	simm.s32 $0x100;
	s28 =	rddreg [dreg:$0x7];
	[sflag:s2] =	ssyncadd.s32 $0xFFFFFFC0  }
0x1d: {  	[tilespmem:s31], [sflag:$0xB] =	stream.linear.gather [hbm4b:s28+s6], $0x40, $0x38;
	[tilespmem:$0x18200] =	vst v63  }
0x1e: {  	_ =	swait.ge [sflag:s2], $0x40  }
0x1f: {  	[sflag:s2] =	ssyncset.done $0x0  }
0x20: {  	s5 =	simm.s32 $0x180;
	s3 =	rddreg [dreg:$0x8];
	[sflag:s2] =	ssyncadd.s32 $0xFFFFFFC0  }
0x21: {  	[tilespmem:s5], [sflag:$0xB] =	stream.linear.gather [hbm4b:s3+s6], $0x40, $0x38;
	[tilespmem:$0x18200] =	vst v63  }
0x22: {  	_ =	swait.ge [sflag:s2], $0x40  }
0x23: {  	[sflag:s2] =	ssyncset.done $0x0  }
0x24: {  	s8 =	simm.s32 $0x10200;
	s7 =	rddreg [dreg:$0x9];
	[sflag:s2] =	ssyncadd.s32 $0xFFFFFFC0  }
0x25: {  	[tilespmem:s8], [sflag:$0x1] =	stream.linear.gather [hbm4b:s7+s6], $0x4000, $0x38;
	[tilespmem:$0x18200] =	vst v63  }
0x26: {  	v3 =	vld [tilespmem:$0x0];
	_ =	sdelay $0x4  }
0x27: {  	v4 =	vshll.u32 v3, $0x3  }
0x28: {  	v3 =	vand.u32 $0x7, v3;
	v4 =	vand.u32 $0xFFFFFFC0, v4  }
0x29: {  	v3 =	vor.u32 v3, v4  }
0x2a: {  	v4 =	vperm.xlane v3, v0;
	_ =	sdelay $0x1  }
0x2b: {  	v4 =	vadd.s32 v1, v4;
	_ =	sdelay $0x3  }
0x2c: {  	s9 =	simm.s32 $0x200  }
0x2d: {  	[tilespmem:s9], [sflag:$0x3] =	stream.indirect_vreg.gather [hbm4b:s1+s6], $0x80, v4, vm0, $0xb8;
	[tilespmem:$0x18200] =	vst v63  }
0x2e: {  	s10 =	simm.s32 $0xA00;
	v3 =	vperm.xlane v3, v2  }
0x2f: {  	[tilespmem:s10], [sflag:$0x3] =	stream.indirect_vreg.gather [hbm4b:s12+s6], $0x80, v4, vm0, $0xb8;
	[tilespmem:$0x18200] =	vst v63  }
0x30: {  	s11 =	simm.s32 $0x1200;
	v3 =	vadd.s32 v1, v3  }
0x31: {  	[tilespmem:s11], [sflag:$0x3] =	stream.indirect_vreg.gather [hbm4b:s13+s6], $0x80, v4, vm0, $0xb8;
	[tilespmem:$0x18200] =	vst v63  }
0x32: {  	s16 =	simm.s32 $0x1A00  }
0x33: {  	[tilespmem:s16], [sflag:$0x3] =	stream.indirect_vreg.gather [hbm4b:s14+s6], $0x80, v4, vm0, $0xb8;
	[tilespmem:$0x18200] =	vst v63  }
0x34: {  	s17 =	simm.s32 $0x2200  }
0x35: {  	[tilespmem:s17], [sflag:$0x3] =	stream.indirect_vreg.gather [hbm4b:s1+s6], $0x80, v3, vm0, $0xb8;
	[tilespmem:$0x18200] =	vst v63  }
0x36: {  	s18 =	simm.s32 $0x2A00  }
0x37: {  	[tilespmem:s18], [sflag:$0x3] =	stream.indirect_vreg.gather [hbm4b:s12+s6], $0x80, v3, vm0, $0xb8;
	[tilespmem:$0x18200] =	vst v63  }
0x38: {  	s19 =	simm.s32 $0x3200  }
0x39: {  	[tilespmem:s19], [sflag:$0x3] =	stream.indirect_vreg.gather [hbm4b:s13+s6], $0x80, v3, vm0, $0xb8;
	[tilespmem:$0x18200] =	vst v63  }
0x3a: {  	s20 =	simm.s32 $0x3A00  }
0x3b: {  	[tilespmem:s20], [sflag:$0x3] =	stream.indirect_vreg.gather [hbm4b:s14+s6], $0x80, v3, vm0, $0xb8;
	[tilespmem:$0x18200] =	vst v63  }
0x3c: {  	v3 =	vld [tilespmem:$0x80];
	_ =	sdelay $0x4  }
0x3d: {  	v63 =	vshll.u32 v3, $0x3  }
0x3e: {  	v3 =	vand.u32 $0x7, v3;
	v4 =	vand.u32 $0xFFFFFFC0, v63  }
0x3f: {  	v3 =	vor.u32 v3, v4  }
0x40: {  	v4 =	vperm.xlane v3, v0;
	_ =	sdelay $0x1  }
0x41: {  	v4 =	vadd.s32 v1, v4;
	_ =	sdelay $0x3  }
0x42: {  	s21 =	simm.s32 $0x4200  }
0x43: {  	[tilespmem:s21], [sflag:$0x4] =	stream.indirect_vreg.gather [hbm4b:s1+s6], $0x80, v4, vm0, $0xb8;
	[tilespmem:$0x18200] =	vst v63  }
0x44: {  	s22 =	simm.s32 $0x4A00;
	v3 =	vperm.xlane v3, v2  }
0x45: {  	[tilespmem:s22], [sflag:$0x4] =	stream.indirect_vreg.gather [hbm4b:s12+s6], $0x80, v4, vm0, $0xb8;
	[tilespmem:$0x18200] =	vst v63  }
0x46: {  	s23 =	simm.s32 $0x5200;
	v3 =	vadd.s32 v1, v3  }
0x47: {  	[tilespmem:s23], [sflag:$0x4] =	stream.indirect_vreg.gather [hbm4b:s13+s6], $0x80, v4, vm0, $0xb8;
	[tilespmem:$0x18200] =	vst v63  }
0x48: {  	s24 =	simm.s32 $0x5A00  }
0x49: {  	[tilespmem:s24], [sflag:$0x4] =	stream.indirect_vreg.gather [hbm4b:s14+s6], $0x80, v4, vm0, $0xb8;
	[tilespmem:$0x18200] =	vst v63  }
0x4a: {  	s25 =	simm.s32 $0x6200  }
0x4b: {  	[tilespmem:s25], [sflag:$0x4] =	stream.indirect_vreg.gather [hbm4b:s1+s6], $0x80, v3, vm0, $0xb8;
	[tilespmem:$0x18200] =	vst v63  }
0x4c: {  	s26 =	simm.s32 $0x6A00  }
0x4d: {  	[tilespmem:s26], [sflag:$0x4] =	stream.indirect_vreg.gather [hbm4b:s12+s6], $0x80, v3, vm0, $0xb8;
	[tilespmem:$0x18200] =	vst v63  }
0x4e: {  	p1 =	por $0x0, $0x0;
	s28 =	simm.s32 $0x7200  }
0x4f: {  	[tilespmem:s28], [sflag:$0x4] =	stream.indirect_vreg.gather [hbm4b:s13+s6], $0x80, v3, vm0, $0xb8;
	[tilespmem:$0x18200] =	vst v63  }
0x50: {  	p2 =	por $0x1, $0x1;
	s31 =	simm.s32 $0x7A00;
	s7 =	simm.s32 $0x0  }
0x51: {  	[tilespmem:s31], [sflag:$0x4] =	stream.indirect_vreg.gather [hbm4b:s14+s6], $0x80, v3, vm0, $0xb8;
	[tilespmem:$0x18200] =	vst v63  }
.LBB2_2:
0x52: {  	s2 =	sshll.u32 s7, $0x5  }
0x53: {  	s3 =	sor.u32 s15, s2  }
0x54: {  	s23 =	sshll.u32 s3, $0x7  }
0x55: {  	s18 =	smov.u32 s15;
	s0 =	simm.s32 $0x14200;
	s3 =	sadd.s32 s23, s29  }
0x56: {  	s15 =	smov.u32 s29;
	s29 =	simm.s32 $0x1;
	s3 =	sadd.s32 $0x800, s3  }
0x57: {  	[tilespmem:s0], [sflag:$0x2] =	stream.linear.gather [hbm4b:s3+s6], $0x4000, $0x38;
	[tilespmem:$0x18200] =	vst v63  }
0x58: {  	_ =	swait.ge [sflag:s29], $0x4000  }
0x59: {  	[sflag:s29] =	ssyncset.done $0x0  }
0x5a: {  	s3 =	simm.s32 @!p2 $0x9;
	[sflag:s29] =	ssyncadd.s32 $0xFFFFC000  }
0x5b: {  	_ =	swait.ge @!p2 [sflag:s3], $0x4000  }
0x5c: {  	[sflag:s3] =	ssyncset.done @!p2 $0x0  }
0x5d: {  	s0 =	sand.u32 $0x3FFFFFE0, s2;
	[sflag:s3] =	ssyncadd.s32 @!p2 $0xFFFFC000  }
0x5e: {  	v3 =	vld [tilespmem:s0+$0x100];
	_ =	sdelay $0x4  }
0x5f: {  	v4 =	vshll.u32 v3, $0x3  }
0x60: {  	v3 =	vand.u32 $0x7, v3;
	v4 =	vand.u32 $0xFFFFFFC0, v4  }
0x61: {  	v3 =	vor.u32 v3, v4  }
0x62: {  	v4 =	vperm.xlane v3, v0;
	_ =	sdelay $0x1  }
0x63: {  	v4 =	vadd.s32 v1, v4;
	_ =	sdelay $0x3  }
0x64: {  	s5 =	simm.s32 $0x0;
	s10 =	simm.s32 $0x8200  }
0x65: {  	[tilespmem:s10], [sflag:$0x5] =	stream.indirect_vreg.gather [hbm4b:s1+s5], $0x80, v4, vm0, $0xb8;
	[tilespmem:$0x18200] =	vst v63  }
0x66: {  	s11 =	simm.s32 $0x8A00;
	v3 =	vperm.xlane v3, v2  }
0x67: {  	[tilespmem:s11], [sflag:$0x5] =	stream.indirect_vreg.gather [hbm4b:s12+s5], $0x80, v4, vm0, $0xb8;
	[tilespmem:$0x18200] =	vst v63  }
0x68: {  	s16 =	simm.s32 $0x9200;
	v3 =	vadd.s32 v1, v3  }
0x69: {  	[tilespmem:s16], [sflag:$0x5] =	stream.indirect_vreg.gather [hbm4b:s13+s5], $0x80, v4, vm0, $0xb8;
	[tilespmem:$0x18200] =	vst v63  }
0x6a: {  	s17 =	simm.s32 $0x9A00  }
0x6b: {  	[tilespmem:s17], [sflag:$0x5] =	stream.indirect_vreg.gather [hbm4b:s14+s5], $0x80, v4, vm0, $0xb8;
	[tilespmem:$0x18200] =	vst v63  }
0x6c: {  	s19 =	simm.s32 $0xA200;
	s20 =	simm.s32 $0xAA00;
	s8 =	simm.s32 $0x0  }
0x6d: {  	[tilespmem:s19], [sflag:$0x5] =	stream.indirect_vreg.gather [hbm4b:s1+s5], $0x80, v3, vm0, $0xb8;
	[tilespmem:$0x18200] =	vst v63  }
0x6e: {  	s21 =	simm.s32 $0xB200;
	s22 =	simm.s32 $0xBA00;
	s8 =	sand.u32 $0xFFFFE000, s8  }
0x6f: {  	[tilespmem:s20], [sflag:$0x5] =	stream.indirect_vreg.gather [hbm4b:s12+s5], $0x80, v3, vm0, $0xb8;
	[tilespmem:$0x18200] =	vst v63  }
0x70: {  	s9 =	simm.s32 $0x0;
	s24 =	simm.s32 $0x3;
	s8 =	ssub.s32 $0x0, s8  }
0x71: {  	[tilespmem:s21], [sflag:$0x5] =	stream.indirect_vreg.gather [hbm4b:s13+s5], $0x80, v3, vm0, $0xb8;
	[tilespmem:$0x18200] =	vst v63  }
0x72: {  	s9 =	sand.u32 $0x2000, s9;
	s8 =	sand.u32 $0xFFFFFC00, s8;
	s10 =	simm.s32 $0x0  }
0x73: {  	[tilespmem:s22], [sflag:$0x5] =	stream.indirect_vreg.gather [hbm4b:s14+s5], $0x80, v3, vm0, $0xb8;
	[tilespmem:$0x18200] =	vst v63  }
0x74: {  	s8 =	sadd.s32 s9, s8;
	s25 =	sand.u32 $0x380, s10;
	_ =	swait.ge [sflag:s24], $0x4000  }
0x75: {  	s3 =	sand.u32 $0x40, s5;
	s8 =	sor.u32 s25, s8;
	[sflag:s24] =	ssyncset.done $0x0  }
0x76: {  	s3 =	sor.u32 s3, s8;
	[sflag:s24] =	ssyncadd.s32 $0xFFFFC000  }
0x77: {  	v5 =	vld [tilespmem:s3+$0x230]  }
0x78: {  	s26 =	simm.s32 $0x200;
	v7 =	vld [tilespmem:s3+$0x200]  }
0x79: {  	s8 =	sand.u32 $0xFFFFE000, s26;
	v9 =	vld [tilespmem:s3+$0x10230]  }
0x7a: {  	s28 =	simm.s32 $0x40;
	s8 =	ssub.s32 $0x200, s8;
	v11 =	vld [tilespmem:s3+$0x210]  }
0x7b: {  	s9 =	sand.u32 $0x2000, s28;
	s29 =	simm.s32 $0x8;
	s8 =	sand.u32 $0xFFFFFC00, s8;
	v3 =	vld [tilespmem:s3+$0x220]  }
0x7c: {  	s10 =	sand.u32 $0x380, s29;
	s9 =	sadd.s32 s9, s8;
	s8 =	simm.s32 $0x40;
	v4 =	vld [tilespmem:s3+$0x10200];
	v10 =	vmul.f32 $3.200000000e+01, v5  }
0x7d: {  	s11 =	sand.u32 $0x40, s8;
	s9 =	sor.u32 s10, s9;
	v6 =	vld [tilespmem:s3+$0x10210]  }
0x7e: {  	p0 =	por p2, p2;
	s31 =	sshll.u32 s7, $0x1;
	s7 =	sor.u32 s11, s9;
	v5 =	vld [tilespmem:s3+$0x10220];
	v10 =	vadd.f32 v9, v10  }
0x7f: {  	s10 =	simm.s32 $0x200;
	s9 =	simm.s32 $0x4;
	s11 =	simm.s32 $0x8;
	v8 =	vmul.f32 $3.200000000e+01, v7;
	v7 =	vld [tilespmem:s7+$0x230];
	v9 =	vmul.f32 $3.200000000e+01, v11  }
.LBB2_3:
0x80: {  	s16 =	sshll.u32 s11, $0x7;
	v11 =	vld [tilespmem:s7+$0x200];
	v12 =	vmul.f32 $3.200000000e+01, v3;
	[tilespmem:s3+$0x230] =	vst v10;
	s9 =	sadd.s32 $0x4, s9  }
0x81: {  	s10 =	sadd.s32 $0x200, s10;
	s16 =	sand.u32 $0xFFFFE000, s16;
	v10 =	vld [tilespmem:s7+$0x10230];
	v4 =	vadd.f32 v4, v8;
	s19 =	sshll.u32 s9, $0x4  }
0x82: {  	p2 =	slt.u32 s9, $0x3FC;
	s21 =	sshll.u32 s9, $0x1;
	s16 =	ssub.s32 s10, s16;
	v13 =	vld [tilespmem:s7+$0x210];
	v6 =	vadd.f32 v6, v9  }
.Ltmp0:
0x83: {  	s19 =	sand.u32 $0x2000, s19;
	s16 =	sand.u32 $0xFFFFFC00, s16;
	v3 =	vld [tilespmem:s7+$0x220];
	[tilespmem:s3+$0x200] =	vst v4;
	v5 =	vadd.f32 v5, v12;
	(pc) =	sbr.rel @p2 .LBB2_3-.Ltmp0, $4  }
0x84: {  	s8 =	sadd.s32 $0x40, s8;
	s16 =	sadd.s32 s19, s16;
	s19 =	sand.u32 $0x380, s21;
	v4 =	vld [tilespmem:s7+$0x10200];
	v7 =	vmul.f32 $3.200000000e+01, v7;
	[tilespmem:s3+$0x210] =	vst v6  }
0x85: {  	s21 =	sand.u32 $0x40, s8;
	s16 =	sor.u32 s19, s16;
	v8 =	vmul.f32 $3.200000000e+01, v11;
	v6 =	vld [tilespmem:s7+$0x10210];
	[tilespmem:s3+$0x220] =	vst v5;
	s3 =	smov.u32 s7  }
0x86: {  	s7 =	sor.u32 s21, s16;
	v5 =	vld [tilespmem:s3+$0x10220];
	v10 =	vadd.f32 v10, v7  }
0x87: {  	s11 =	sadd.s32 $0x4, s11;
	v7 =	vld [tilespmem:s7+$0x230];
	v9 =	vmul.f32 $3.200000000e+01, v13  }
0x88: {  	v11 =	vld [tilespmem:s7+$0x200]  }
0x89: {  	v12 =	vld [tilespmem:s7+$0x10230]  }
0x8a: {  	v13 =	vld [tilespmem:s7+$0x210]  }
0x8b: {  	v14 =	vld [tilespmem:s7+$0x220]  }
0x8c: {  	v15 =	vld [tilespmem:s7+$0x10200];
	v3 =	vmul.f32 $3.200000000e+01, v3  }
0x8d: {  	v4 =	vadd.f32 v4, v8;
	v6 =	vadd.f32 v6, v9;
	v9 =	vld [tilespmem:s7+$0x10220]  }
0x8e: {  	[tilespmem:s3+$0x230] =	vst v10;
	v8 =	vld [tilespmem:s7+$0x10210];
	v3 =	vadd.f32 v5, v3;
	v7 =	vmul.f32 $3.200000000e+01, v7  }
0x8f: {  	[tilespmem:s3+$0x200] =	vst v4;
	v4 =	vmul.f32 $3.200000000e+01, v11  }
0x90: {  	[tilespmem:s3+$0x220] =	vst v3;
	v3 =	vmul.f32 $3.200000000e+01, v14;
	v5 =	vadd.f32 v12, v7  }
0x91: {  	[tilespmem:s3+$0x210] =	vst v6;
	v6 =	vmul.f32 $3.200000000e+01, v13;
	v4 =	vadd.f32 v15, v4  }
0x92: {  	v3 =	vadd.f32 v9, v3;
	[tilespmem:s7+$0x230] =	vst v5  }
0x93: {  	v5 =	vadd.f32 v8, v6;
	[tilespmem:s7+$0x200] =	vst v4  }
0x94: {  	[tilespmem:s7+$0x220] =	vst v3  }
0x95: {  	s29 =	sadd.s32 s30, s23;
	s0 =	simm.s32 $0x200;
	s3 =	simm.s32 @!p0 $0xA;
	[tilespmem:s7+$0x210] =	vst v5  }
0x96: {  	[hbm4b:s29+s6] =	stream.linear.scatter [tilespmem:s0], [sflag:$0x7], $0x4000, $0x38;
	[tilespmem:$0x18200] =	vst v63  }
0x97: {  	_ =	swait.ge @!p0 [sflag:s3], $0x4000  }
0x98: {  	[sflag:s3] =	ssyncset.done @!p0 $0x0  }
0x99: {  	[sflag:s3] =	ssyncadd.s32 @!p0 $0xFFFFC000  }
0x9a: {  	v3 =	vld [tilespmem:s2+$0x180];
	_ =	sdelay $0x4  }
0x9b: {  	v4 =	vshll.u32 v3, $0x3  }
0x9c: {  	v3 =	vand.u32 $0x7, v3;
	v4 =	vand.u32 $0xFFFFFFC0, v4  }
0x9d: {  	v3 =	vor.u32 v3, v4  }
0x9e: {  	v4 =	vperm.xlane v3, v0;
	_ =	sdelay $0x1  }
0x9f: {  	v4 =	vadd.s32 v1, v4;
	_ =	sdelay $0x3  }
0xa0: {  	s26 =	smov.u32 s30;
	s30 =	simm.s32 $0x0  }
0xa1: {  	[tilespmem:s4], [sflag:$0x6] =	stream.indirect_vreg.gather [hbm4b:s1+s30], $0x80, v4, vm0, $0xb8;
	[tilespmem:$0x18200] =	vst v63  }
0xa2: {  	s5 =	simm.s32 $0xCA00;
	v3 =	vperm.xlane v3, v2  }
0xa3: {  	[tilespmem:s5], [sflag:$0x6] =	stream.indirect_vreg.gather [hbm4b:s12+s30], $0x80, v4, vm0, $0xb8;
	[tilespmem:$0x18200] =	vst v63  }
0xa4: {  	s7 =	simm.s32 $0xD200;
	v3 =	vadd.s32 v1, v3  }
0xa5: {  	[tilespmem:s7], [sflag:$0x6] =	stream.indirect_vreg.gather [hbm4b:s13+s30], $0x80, v4, vm0, $0xb8;
	[tilespmem:$0x18200] =	vst v63  }
0xa6: {  	s8 =	simm.s32 $0xDA00;
	s9 =	simm.s32 $0xE200;
	s17 =	simm.s32 $0x0  }
0xa7: {  	[tilespmem:s8], [sflag:$0x6] =	stream.indirect_vreg.gather [hbm4b:s14+s30], $0x80, v4, vm0, $0xb8;
	[tilespmem:$0x18200] =	vst v63  }
0xa8: {  	s10 =	simm.s32 $0xEA00;
	s11 =	simm.s32 $0xF200;
	s7 =	sand.u32 $0xFFFFE000, s17  }
0xa9: {  	[tilespmem:s9], [sflag:$0x6] =	stream.indirect_vreg.gather [hbm4b:s1+s30], $0x80, v3, vm0, $0xb8;
	[tilespmem:$0x18200] =	vst v63  }
0xaa: {  	s16 =	simm.s32 $0xFA00;
	s7 =	ssub.s32 $0x0, s7;
	s8 =	simm.s32 $0x0  }
0xab: {  	[tilespmem:s10], [sflag:$0x6] =	stream.indirect_vreg.gather [hbm4b:s12+s30], $0x80, v3, vm0, $0xb8;
	[tilespmem:$0x18200] =	vst v63  }
0xac: {  	s7 =	sand.u32 $0xFFFFFC00, s7;
	s8 =	sand.u32 $0x2000, s8;
	s9 =	simm.s32 $0x0  }
0xad: {  	[tilespmem:s11], [sflag:$0x6] =	stream.indirect_vreg.gather [hbm4b:s13+s30], $0x80, v3, vm0, $0xb8;
	[tilespmem:$0x18200] =	vst v63  }
0xae: {  	s19 =	simm.s32 $0x4;
	s7 =	sadd.s32 s7, s8;
	s9 =	sand.u32 $0x380, s9  }
0xaf: {  	[tilespmem:s16], [sflag:$0x6] =	stream.indirect_vreg.gather [hbm4b:s14+s30], $0x80, v3, vm0, $0xb8;
	[tilespmem:$0x18200] =	vst v63  }
0xb0: {  	s28 =	simm.s32 $0x200;
	s7 =	sor.u32 s9, s7;
	_ =	swait.ge [sflag:s19], $0x4000  }
0xb1: {  	s11 =	sadd.s32 $0x4200, s7;
	s16 =	sand.u32 $0x40, s30;
	[sflag:s19] =	ssyncset.done $0x0  }
0xb2: {  	s8 =	sor.u32 s16, s11;
	[sflag:s19] =	ssyncadd.s32 $0xFFFFC000;
	s19 =	sor.u32 $0x10, s16  }
0xb3: {  	s21 =	sor.u32 $0x30, s16;
	s24 =	sor.u32 $0x20, s16;
	v6 =	vld [tilespmem:s8+$0x0];
	s10 =	sor.u32 s19, s11  }
0xb4: {  	s7 =	sadd.s32 $0x10200, s7;
	s9 =	sor.u32 s21, s11;
	s11 =	sor.u32 s24, s11;
	v3 =	vld [tilespmem:s10+$0x0]  }
0xb5: {  	s25 =	simm.s32 $0x40;
	s28 =	sand.u32 $0xFFFFE000, s28;
	s19 =	sor.u32 s19, s7;
	v7 =	vld [tilespmem:s11+$0x0]  }
0xb6: {  	s25 =	sand.u32 $0x2000, s25;
	s22 =	ssub.s32 $0x200, s28;
	s29 =	simm.s32 $0x8;
	v9 =	vld [tilespmem:s19+$0x0]  }
0xb7: {  	s29 =	sand.u32 $0x380, s29;
	s16 =	sor.u32 s16, s7;
	s19 =	sand.u32 $0xFFFFFC00, s22  }
0xb8: {  	s3 =	simm.s32 $0x4;
	s20 =	sor.u32 s24, s7;
	v4 =	vld [tilespmem:s16+$0x0];
	s16 =	sadd.s32 s19, s25  }
0xb9: {  	s21 =	sor.u32 s21, s7;
	v5 =	vld [tilespmem:s9+$0x0];
	s7 =	simm.s32 $0x40;
	s16 =	sor.u32 s29, s16;
	v10 =	vmul.f32 $3.200000000e+01, v3  }
0xba: {  	s24 =	simm.s32 $0x200;
	s19 =	sand.u32 $0x40, s7;
	s28 =	sadd.s32 $0x4200, s16;
	v3 =	vld [tilespmem:s21+$0x0]  }
0xbb: {  	s25 =	sadd.s32 $0x10200, s16;
	s16 =	sor.u32 $0x30, s19;
	v8 =	vmul.f32 $3.200000000e+01, v6;
	s21 =	simm.s32 $0x8;
	v6 =	vmul.f32 $3.200000000e+01, v7;
	v7 =	vld [tilespmem:s20+$0x0];
	v9 =	vadd.f32 v9, v10  }
.LBB2_5:
0xbc: {  	s29 =	sor.u32 $0x10, s19  }
0xbd: {  	s30 =	sor.u32 $0x20, s19;
	s5 =	smov.u32 s8;
	s8 =	sor.u32 s19, s28  }
0xbe: {  	v4 =	vadd.f32 v4, v8;
	s4 =	smov.u32 s9;
	s17 =	smov.u32 s11;
	s3 =	sadd.s32 $0x4, s3  }
0xbf: {  	s9 =	sor.u32 s16, s28;
	s19 =	sor.u32 s19, s25;
	v8 =	vld [tilespmem:s8+$0x0];
	[tilespmem:s10+$0x0] =	vst v9;
	s10 =	sor.u32 s29, s28;
	v5 =	vmul.f32 $3.200000000e+01, v5  }
0xc0: {  	s24 =	sadd.s32 $0x200, s24;
	s20 =	sshll.u32 s3, $0x4;
	s11 =	sor.u32 s30, s28;
	v9 =	vld [tilespmem:s10+$0x0];
	[tilespmem:s5+$0x0] =	vst v4  }
0xc1: {  	s28 =	sshll.u32 s3, $0x1;
	s29 =	sor.u32 s29, s25;
	s5 =	sshll.u32 s21, $0x7;
	v10 =	vld [tilespmem:s11+$0x0];
	v6 =	vadd.f32 v7, v6;
	v3 =	vadd.f32 v3, v5  }
0xc2: {  	p2 =	slt.u32 s3, $0x3FC;
	s5 =	sand.u32 $0xFFFFE000, s5;
	v11 =	vld [tilespmem:s29+$0x0];
	s29 =	sor.u32 s30, s25  }
.Ltmp1:
0xc3: {  	s5 =	ssub.s32 s24, s5;
	v4 =	vld [tilespmem:s19+$0x0];
	[tilespmem:s4+$0x0] =	vst v3;
	(pc) =	sbr.rel @p2 .LBB2_5-.Ltmp1, $4  }
0xc4: {  	s16 =	sor.u32 s16, s25;
	s4 =	sand.u32 $0x2000, s20;
	s5 =	sand.u32 $0xFFFFFC00, s5;
	v8 =	vmul.f32 $3.200000000e+01, v8;
	v5 =	vld [tilespmem:s9+$0x0];
	[tilespmem:s17+$0x0] =	vst v6  }
0xc5: {  	s7 =	sadd.s32 $0x40, s7;
	s17 =	sand.u32 $0x380, s28;
	s4 =	sadd.s32 s5, s4;
	v9 =	vmul.f32 $3.200000000e+01, v9;
	v3 =	vld [tilespmem:s16+$0x0]  }
0xc6: {  	s21 =	sadd.s32 $0x4, s21;
	s19 =	sand.u32 $0x40, s7;
	s4 =	sor.u32 s17, s4;
	v6 =	vmul.f32 $3.200000000e+01, v10;
	v7 =	vld [tilespmem:s29+$0x0]  }
0xc7: {  	s16 =	sor.u32 $0x30, s19;
	s28 =	sadd.s32 $0x4200, s4;
	s25 =	sadd.s32 $0x10200, s4;
	v9 =	vadd.f32 v11, v9  }
0xc8: {  	s3 =	sor.u32 s19, s28  }
0xc9: {  	s20 =	sor.u32 s16, s28;
	v10 =	vld [tilespmem:s3+$0x0]  }
0xca: {  	s4 =	sor.u32 $0x10, s19;
	s24 =	sor.u32 s19, s25;
	v14 =	vld [tilespmem:s20+$0x0]  }
0xcb: {  	s5 =	sor.u32 $0x20, s19;
	s7 =	sor.u32 s4, s28;
	v15 =	vld [tilespmem:s24+$0x0]  }
0xcc: {  	s17 =	sor.u32 s5, s28;
	v11 =	vld [tilespmem:s7+$0x0]  }
0xcd: {  	s4 =	sor.u32 s4, s25;
	v12 =	vld [tilespmem:s17+$0x0]  }
0xce: {  	v4 =	vadd.f32 v4, v8;
	s5 =	sor.u32 s5, s25;
	v13 =	vld [tilespmem:s4+$0x0]  }
0xcf: {  	s0 =	sor.u32 s16, s25;
	v5 =	vmul.f32 $3.200000000e+01, v5;
	[tilespmem:s10+$0x0] =	vst v9;
	v9 =	vld [tilespmem:s5+$0x0]  }
0xd0: {  	v8 =	vld [tilespmem:s0+$0x0];
	[tilespmem:s8+$0x0] =	vst v4;
	v4 =	vadd.f32 v7, v6;
	v6 =	vmul.f32 $3.200000000e+01, v10  }
0xd1: {  	v3 =	vadd.f32 v3, v5;
	v5 =	vmul.f32 $3.200000000e+01, v11  }
0xd2: {  	[tilespmem:s11+$0x0] =	vst v4;
	v4 =	vmul.f32 $3.200000000e+01, v12;
	v6 =	vadd.f32 v15, v6  }
0xd3: {  	[tilespmem:s9+$0x0] =	vst v3;
	v3 =	vadd.f32 v13, v5;
	v5 =	vmul.f32 $3.200000000e+01, v14  }
0xd4: {  	v4 =	vadd.f32 v9, v4;
	[tilespmem:s3+$0x0] =	vst v6  }
0xd5: {  	[tilespmem:s7+$0x0] =	vst v3;
	v3 =	vadd.f32 v8, v5  }
0xd6: {  	[tilespmem:s17+$0x0] =	vst v4  }
0xd7: {  	[tilespmem:s20+$0x0] =	vst v3  }
0xd8: {  	s19 =	simm.s32 $0x7;
	s0 =	rddreg [dreg:$0xa]  }
0xd9: {  	s4 =	simm.s32 $0x0;
	s17 =	simm.s32 $0x4200;
	s16 =	sadd.s32 s23, s0  }
0xda: {  	[hbm4b:s16+s4] =	stream.linear.scatter [tilespmem:s17], [sflag:$0x8], $0x4000, $0x38;
	[tilespmem:$0x18200] =	vst v63  }
0xdb: {  	s24 =	sor.u32 $0x1, s31;
	_ =	swait.ge [sflag:s19], $0x4000  }
0xdc: {  	s20 =	sshll.u32 s24, $0x6;
	[sflag:s19] =	ssyncset.done $0x0  }
0xdd: {  	s8 =	sshrl.u32 s20, $0x2;
	[sflag:s19] =	ssyncadd.s32 $0xFFFFC000  }
0xde: {  	v3 =	vld [tilespmem:s8+$0x0];
	_ =	sdelay $0x4  }
0xdf: {  	v4 =	vshll.u32 v3, $0x3  }
0xe0: {  	v3 =	vand.u32 $0x7, v3;
	v4 =	vand.u32 $0xFFFFFFC0, v4  }
0xe1: {  	v3 =	vor.u32 v3, v4  }
0xe2: {  	v4 =	vperm.xlane v3, v0;
	_ =	sdelay $0x1  }
0xe3: {  	v4 =	vadd.s32 v1, v4;
	_ =	sdelay $0x3  }
0xe4: {  	s21 =	simm.s32 $0x200  }
0xe5: {  	[tilespmem:s21], [sflag:$0x3] =	stream.indirect_vreg.gather [hbm4b:s1+s4], $0x80, v4, vm0, $0xb8;
	[tilespmem:$0x18200] =	vst v63  }
0xe6: {  	s22 =	simm.s32 $0xA00;
	v3 =	vperm.xlane v3, v2  }
0xe7: {  	[tilespmem:s22], [sflag:$0x3] =	stream.indirect_vreg.gather [hbm4b:s12+s4], $0x80, v4, vm0, $0xb8;
	[tilespmem:$0x18200] =	vst v63  }
0xe8: {  	s25 =	simm.s32 $0x1200;
	v3 =	vadd.s32 v1, v3  }
0xe9: {  	[tilespmem:s25], [sflag:$0x3] =	stream.indirect_vreg.gather [hbm4b:s13+s4], $0x80, v4, vm0, $0xb8;
	[tilespmem:$0x18200] =	vst v63  }
0xea: {  	s10 =	simm.s32 $0x3A00;
	s11 =	simm.s32 $0x0;
	s3 =	simm.s32 $0x1A00  }
0xeb: {  	[tilespmem:s3], [sflag:$0x3] =	stream.indirect_vreg.gather [hbm4b:s14+s4], $0x80, v4, vm0, $0xb8;
	[tilespmem:$0x18200] =	vst v63  }
0xec: {  	s5 =	simm.s32 $0x2200;
	s9 =	simm.s32 $0x3200;
	s3 =	sand.u32 $0xFFFFE000, s11  }
0xed: {  	[tilespmem:s5], [sflag:$0x3] =	stream.indirect_vreg.gather [hbm4b:s1+s4], $0x80, v3, vm0, $0xb8;
	[tilespmem:$0x18200] =	vst v63  }
0xee: {  	s7 =	simm.s32 $0x2A00;
	s16 =	simm.s32 $0x0;
	s3 =	ssub.s32 $0x0, s3  }
0xef: {  	[tilespmem:s7], [sflag:$0x3] =	stream.indirect_vreg.gather [hbm4b:s12+s4], $0x80, v3, vm0, $0xb8;
	[tilespmem:$0x18200] =	vst v63  }
0xf0: {  	s17 =	simm.s32 $0x0;
	s5 =	sand.u32 $0x2000, s16;
	s3 =	sand.u32 $0xFFFFFC00, s3  }
0xf1: {  	[tilespmem:s9], [sflag:$0x3] =	stream.indirect_vreg.gather [hbm4b:s13+s4], $0x80, v3, vm0, $0xb8;
	[tilespmem:$0x18200] =	vst v63  }
0xf2: {  	s19 =	simm.s32 $0x5;
	s3 =	sadd.s32 s3, s5;
	s7 =	sand.u32 $0x380, s17  }
0xf3: {  	[tilespmem:s10], [sflag:$0x3] =	stream.indirect_vreg.gather [hbm4b:s14+s4], $0x80, v3, vm0, $0xb8;
	[tilespmem:$0x18200] =	vst v63  }
0xf4: {  	s28 =	simm.s32 $0x8;
	s3 =	sor.u32 s7, s3;
	_ =	swait.ge [sflag:s19], $0x4000  }
0xf5: {  	s20 =	sadd.s32 $0x8200, s3;
	s4 =	sand.u32 $0x40, s4;
	[sflag:s19] =	ssyncset.done $0x0  }
0xf6: {  	s9 =	sor.u32 s4, s20;
	s21 =	sor.u32 $0x10, s4;
	[sflag:s19] =	ssyncadd.s32 $0xFFFFC000  }
0xf7: {  	s0 =	simm.s32 $0x200;
	s16 =	sadd.s32 $0x10200, s3;
	s11 =	sor.u32 s21, s20;
	v6 =	vld [tilespmem:s9+$0x0]  }
0xf8: {  	s22 =	simm.s32 $0x40;
	s7 =	sor.u32 s21, s16;
	s19 =	sor.u32 $0x20, s4;
	v3 =	vld [tilespmem:s11+$0x0]  }
0xf9: {  	s25 =	simm.s32 $0x4;
	s17 =	sor.u32 $0x30, s4;
	s3 =	sor.u32 s19, s20;
	v9 =	vld [tilespmem:s7+$0x0]  }
0xfa: {  	s5 =	sand.u32 $0x2000, s22;
	s10 =	sor.u32 s17, s20;
	s20 =	sand.u32 $0xFFFFE000, s0;
	v7 =	vld [tilespmem:s3+$0x0]  }
0xfb: {  	s21 =	simm.s32 $0x8;
	s4 =	sor.u32 s4, s16;
	s20 =	ssub.s32 $0x200, s20  }
0xfc: {  	s22 =	sand.u32 $0x380, s21;
	s21 =	simm.s32 $0x40;
	v4 =	vld [tilespmem:s4+$0x0];
	s20 =	sand.u32 $0xFFFFFC00, s20  }
0xfd: {  	s19 =	sor.u32 s19, s16;
	s16 =	sor.u32 s17, s16;
	v5 =	vld [tilespmem:s10+$0x0];
	s4 =	sadd.s32 s20, s5;
	v10 =	vmul.f32 $3.200000000e+01, v3  }
0xfe: {  	s7 =	simm.s32 $0x200;
	s29 =	sand.u32 $0x40, s21;
	s4 =	sor.u32 s22, s4;
	v3 =	vld [tilespmem:s16+$0x0]  }
0xff: {  	v8 =	vmul.f32 $3.200000000e+01, v6;
	s30 =	sadd.s32 $0x8200, s4;
	s16 =	sadd.s32 $0x10200, s4;
	v6 =	vmul.f32 $3.200000000e+01, v7;
	v7 =	vld [tilespmem:s19+$0x0];
	s19 =	sor.u32 $0x30, s29;
	v9 =	vadd.f32 v9, v10  }
.LBB2_7:
0x100: {  	s4 =	sor.u32 $0x10, s29  }
0x101: {  	s5 =	sor.u32 $0x20, s29;
	s17 =	smov.u32 s9;
	s9 =	sor.u32 s29, s30  }
0x102: {  	v4 =	vadd.f32 v4, v8;
	s20 =	smov.u32 s10;
	s22 =	smov.u32 s3;
	s25 =	sadd.s32 $0x4, s25  }
0x103: {  	s10 =	sor.u32 s19, s30;
	s29 =	sor.u32 s29, s16;
	v8 =	vld [tilespmem:s9+$0x0];
	[tilespmem:s11+$0x0] =	vst v9;
	s11 =	sor.u32 s4, s30;
	v5 =	vmul.f32 $3.200000000e+01, v5  }
0x104: {  	s7 =	sadd.s32 $0x200, s7;
	s0 =	sshll.u32 s25, $0x4;
	s3 =	sor.u32 s5, s30;
	v9 =	vld [tilespmem:s11+$0x0];
	[tilespmem:s17+$0x0] =	vst v4  }
0x105: {  	s30 =	sshll.u32 s25, $0x1;
	s4 =	sor.u32 s4, s16;
	s17 =	sshll.u32 s28, $0x7;
	v10 =	vld [tilespmem:s3+$0x0];
	v6 =	vadd.f32 v7, v6;
	v3 =	vadd.f32 v3, v5  }
0x106: {  	p2 =	slt.u32 s25, $0x3FC;
	s17 =	sand.u32 $0xFFFFE000, s17;
	v11 =	vld [tilespmem:s4+$0x0];
	s4 =	sor.u32 s5, s16  }
.Ltmp2:
0x107: {  	s5 =	ssub.s32 s7, s17;
	v4 =	vld [tilespmem:s29+$0x0];
	[tilespmem:s20+$0x0] =	vst v3;
	(pc) =	sbr.rel @p2 .LBB2_7-.Ltmp2, $4  }
0x108: {  	s0 =	sand.u32 $0x2000, s0;
	s16 =	sor.u32 s19, s16;
	s5 =	sand.u32 $0xFFFFFC00, s5;
	v8 =	vmul.f32 $3.200000000e+01, v8;
	v5 =	vld [tilespmem:s10+$0x0];
	[tilespmem:s22+$0x0] =	vst v6  }
0x109: {  	s21 =	sadd.s32 $0x40, s21;
	s17 =	sand.u32 $0x380, s30;
	s0 =	sadd.s32 s5, s0;
	v9 =	vmul.f32 $3.200000000e+01, v9;
	v3 =	vld [tilespmem:s16+$0x0]  }
0x10a: {  	s28 =	sadd.s32 $0x4, s28;
	s29 =	sand.u32 $0x40, s21;
	s0 =	sor.u32 s17, s0;
	v6 =	vmul.f32 $3.200000000e+01, v10;
	v7 =	vld [tilespmem:s4+$0x0]  }
0x10b: {  	s19 =	sor.u32 $0x30, s29;
	s30 =	sadd.s32 $0x8200, s0;
	s16 =	sadd.s32 $0x10200, s0;
	v9 =	vadd.f32 v11, v9  }
0x10c: {  	s0 =	sor.u32 s29, s30  }
0x10d: {  	s20 =	sor.u32 s19, s30;
	v10 =	vld [tilespmem:s0+$0x0]  }
0x10e: {  	s4 =	sor.u32 $0x10, s29;
	s25 =	sor.u32 s29, s16;
	v14 =	vld [tilespmem:s20+$0x0]  }
0x10f: {  	s5 =	sor.u32 $0x20, s29;
	s7 =	sor.u32 s4, s30;
	v15 =	vld [tilespmem:s25+$0x0]  }
0x110: {  	s17 =	sor.u32 s5, s30;
	v11 =	vld [tilespmem:s7+$0x0]  }
0x111: {  	s4 =	sor.u32 s4, s16;
	v12 =	vld [tilespmem:s17+$0x0]  }
0x112: {  	v4 =	vadd.f32 v4, v8;
	s5 =	sor.u32 s5, s16;
	v13 =	vld [tilespmem:s4+$0x0]  }
0x113: {  	s19 =	sor.u32 s19, s16;
	v5 =	vmul.f32 $3.200000000e+01, v5;
	[tilespmem:s11+$0x0] =	vst v9;
	v9 =	vld [tilespmem:s5+$0x0]  }
0x114: {  	v8 =	vld [tilespmem:s19+$0x0];
	[tilespmem:s9+$0x0] =	vst v4;
	v4 =	vadd.f32 v7, v6;
	v6 =	vmul.f32 $3.200000000e+01, v10  }
0x115: {  	v3 =	vadd.f32 v3, v5;
	v5 =	vmul.f32 $3.200000000e+01, v11  }
0x116: {  	[tilespmem:s3+$0x0] =	vst v4;
	v4 =	vmul.f32 $3.200000000e+01, v12;
	v6 =	vadd.f32 v15, v6  }
0x117: {  	[tilespmem:s10+$0x0] =	vst v3;
	v3 =	vadd.f32 v13, v5;
	v5 =	vmul.f32 $3.200000000e+01, v14  }
0x118: {  	v4 =	vadd.f32 v9, v4;
	[tilespmem:s0+$0x0] =	vst v6  }
0x119: {  	[tilespmem:s7+$0x0] =	vst v3;
	v3 =	vadd.f32 v8, v5  }
0x11a: {  	[tilespmem:s17+$0x0] =	vst v4  }
0x11b: {  	[tilespmem:s20+$0x0] =	vst v3  }
0x11c: {  	s21 =	simm.s32 $0x8200;
	s0 =	rddreg [dreg:$0xb]  }
0x11d: {  	s22 =	simm.s32 $0x8;
	s3 =	simm.s32 $0x0;
	s0 =	sadd.s32 s23, s0  }
0x11e: {  	[hbm4b:s0+s3] =	stream.linear.scatter [tilespmem:s21], [sflag:$0x9], $0x4000, $0x38;
	[tilespmem:$0x18200] =	vst v63  }
0x11f: {  	_ =	swait.ge [sflag:s22], $0x4000  }
0x120: {  	[sflag:s22] =	ssyncset.done $0x0  }
0x121: {  	[sflag:s22] =	ssyncadd.s32 $0xFFFFC000  }
0x122: {  	v3 =	vld [tilespmem:s8+$0x80];
	_ =	sdelay $0x4  }
0x123: {  	v4 =	vshll.u32 v3, $0x3  }
0x124: {  	v3 =	vand.u32 $0x7, v3;
	v4 =	vand.u32 $0xFFFFFFC0, v4  }
0x125: {  	v3 =	vor.u32 v3, v4  }
0x126: {  	v4 =	vperm.xlane v3, v0;
	_ =	sdelay $0x1  }
0x127: {  	v4 =	vadd.s32 v1, v4;
	_ =	sdelay $0x3  }
0x128: {  	s25 =	simm.s32 $0x4200  }
0x129: {  	[tilespmem:s25], [sflag:$0x4] =	stream.indirect_vreg.gather [hbm4b:s1+s3], $0x80, v4, vm0, $0xb8;
	[tilespmem:$0x18200] =	vst v63  }
0x12a: {  	s4 =	simm.s32 $0x4A00;
	v3 =	vperm.xlane v3, v2  }
0x12b: {  	[tilespmem:s4], [sflag:$0x4] =	stream.indirect_vreg.gather [hbm4b:s12+s3], $0x80, v4, vm0, $0xb8;
	[tilespmem:$0x18200] =	vst v63  }
0x12c: {  	s5 =	simm.s32 $0x5200;
	v3 =	vadd.s32 v1, v3  }
0x12d: {  	[tilespmem:s5], [sflag:$0x4] =	stream.indirect_vreg.gather [hbm4b:s13+s3], $0x80, v4, vm0, $0xb8;
	[tilespmem:$0x18200] =	vst v63  }
0x12e: {  	s11 =	simm.s32 $0x7200;
	s7 =	simm.s32 $0x5A00;
	s17 =	simm.s32 $0x0  }
0x12f: {  	[tilespmem:s7], [sflag:$0x4] =	stream.indirect_vreg.gather [hbm4b:s14+s3], $0x80, v4, vm0, $0xb8;
	[tilespmem:$0x18200] =	vst v63  }
0x130: {  	s16 =	simm.s32 $0x7A00;
	s9 =	simm.s32 $0x6200;
	s0 =	sand.u32 $0xFFFFE000, s17  }
0x131: {  	[tilespmem:s9], [sflag:$0x4] =	stream.indirect_vreg.gather [hbm4b:s1+s3], $0x80, v3, vm0, $0xb8;
	[tilespmem:$0x18200] =	vst v63  }
0x132: {  	s19 =	simm.s32 $0x0;
	s10 =	simm.s32 $0x6A00;
	s0 =	ssub.s32 $0x0, s0  }
0x133: {  	[tilespmem:s10], [sflag:$0x4] =	stream.indirect_vreg.gather [hbm4b:s12+s3], $0x80, v3, vm0, $0xb8;
	[tilespmem:$0x18200] =	vst v63  }
0x134: {  	s20 =	simm.s32 $0x0;
	s0 =	sand.u32 $0xFFFFFC00, s0;
	s4 =	sand.u32 $0x2000, s19  }
0x135: {  	[tilespmem:s11], [sflag:$0x4] =	stream.indirect_vreg.gather [hbm4b:s13+s3], $0x80, v3, vm0, $0xb8;
	[tilespmem:$0x18200] =	vst v63  }
0x136: {  	s21 =	simm.s32 $0x6;
	s0 =	sadd.s32 s0, s4;
	s5 =	sand.u32 $0x380, s20  }
0x137: {  	[tilespmem:s16], [sflag:$0x4] =	stream.indirect_vreg.gather [hbm4b:s14+s3], $0x80, v3, vm0, $0xb8;
	[tilespmem:$0x18200] =	vst v63  }
0x138: {  	s28 =	simm.s32 $0x8;
	s0 =	sor.u32 s5, s0;
	_ =	swait.ge [sflag:s21], $0x4000  }
0x139: {  	s22 =	sand.u32 $0x40, s3;
	s5 =	sadd.s32 $0xC200, s0;
	[sflag:s21] =	ssyncset.done $0x0  }
0x13a: {  	s7 =	sor.u32 $0x10, s22;
	s9 =	sor.u32 s22, s5;
	[sflag:s21] =	ssyncadd.s32 $0xFFFFC000  }
0x13b: {  	s17 =	sor.u32 $0x20, s22;
	s25 =	simm.s32 $0x4;
	s11 =	sor.u32 s7, s5;
	v6 =	vld [tilespmem:s9+$0x0]  }
0x13c: {  	s0 =	sadd.s32 $0x10200, s0;
	s16 =	sor.u32 $0x30, s22;
	s3 =	sor.u32 s17, s5;
	v3 =	vld [tilespmem:s11+$0x0]  }
0x13d: {  	s10 =	sor.u32 s16, s5;
	s5 =	sor.u32 s7, s0;
	s21 =	simm.s32 $0x200;
	v7 =	vld [tilespmem:s3+$0x0]  }
0x13e: {  	s20 =	simm.s32 $0x40;
	s4 =	sor.u32 s22, s0;
	s19 =	sand.u32 $0xFFFFE000, s21;
	v9 =	vld [tilespmem:s5+$0x0]  }
0x13f: {  	s22 =	simm.s32 $0x8;
	s5 =	sor.u32 s17, s0;
	s19 =	ssub.s32 $0x200, s19  }
0x140: {  	v4 =	vld [tilespmem:s4+$0x0];
	s17 =	sand.u32 $0x2000, s20;
	s0 =	sor.u32 s16, s0;
	s19 =	sand.u32 $0xFFFFFC00, s19  }
0x141: {  	v5 =	vld [tilespmem:s10+$0x0];
	s20 =	sand.u32 $0x380, s22;
	s21 =	simm.s32 $0x40;
	s4 =	sadd.s32 s19, s17;
	v10 =	vmul.f32 $3.200000000e+01, v3  }
0x142: {  	s7 =	simm.s32 $0x200;
	s29 =	sand.u32 $0x40, s21;
	s22 =	sor.u32 s20, s4;
	v3 =	vld [tilespmem:s0+$0x0]  }
0x143: {  	s19 =	sor.u32 $0x30, s29;
	v8 =	vmul.f32 $3.200000000e+01, v6;
	v6 =	vmul.f32 $3.200000000e+01, v7;
	v7 =	vld [tilespmem:s5+$0x0];
	s30 =	sadd.s32 $0xC200, s22;
	s16 =	sadd.s32 $0x10200, s22;
	v9 =	vadd.f32 v9, v10  }
.LBB2_9:
0x144: {  	s0 =	sor.u32 $0x10, s29  }
0x145: {  	s4 =	sor.u32 $0x20, s29;
	s5 =	smov.u32 s9;
	s9 =	sor.u32 s29, s30  }
0x146: {  	v4 =	vadd.f32 v4, v8;
	s17 =	smov.u32 s10;
	s20 =	smov.u32 s3;
	s25 =	sadd.s32 $0x4, s25  }
0x147: {  	s10 =	sor.u32 s19, s30;
	s29 =	sor.u32 s29, s16;
	v8 =	vld [tilespmem:s9+$0x0];
	[tilespmem:s11+$0x0] =	vst v9;
	s11 =	sor.u32 s0, s30;
	v5 =	vmul.f32 $3.200000000e+01, v5  }
0x148: {  	s7 =	sadd.s32 $0x200, s7;
	s22 =	sshll.u32 s25, $0x4;
	s3 =	sor.u32 s4, s30;
	v9 =	vld [tilespmem:s11+$0x0];
	[tilespmem:s5+$0x0] =	vst v4  }
0x149: {  	s30 =	sshll.u32 s25, $0x1;
	s0 =	sor.u32 s0, s16;
	s5 =	sshll.u32 s28, $0x7;
	v10 =	vld [tilespmem:s3+$0x0];
	v6 =	vadd.f32 v7, v6;
	v3 =	vadd.f32 v3, v5  }
0x14a: {  	p2 =	slt.u32 s25, $0x3FC;
	s5 =	sand.u32 $0xFFFFE000, s5;
	v11 =	vld [tilespmem:s0+$0x0];
	s0 =	sor.u32 s4, s16  }
.Ltmp3:
0x14b: {  	s4 =	ssub.s32 s7, s5;
	v4 =	vld [tilespmem:s29+$0x0];
	[tilespmem:s17+$0x0] =	vst v3;
	(pc) =	sbr.rel @p2 .LBB2_9-.Ltmp3, $4  }
0x14c: {  	s5 =	sand.u32 $0x2000, s22;
	s16 =	sor.u32 s19, s16;
	s4 =	sand.u32 $0xFFFFFC00, s4;
	v8 =	vmul.f32 $3.200000000e+01, v8;
	v5 =	vld [tilespmem:s10+$0x0];
	[tilespmem:s20+$0x0] =	vst v6  }
0x14d: {  	s21 =	sadd.s32 $0x40, s21;
	s17 =	sand.u32 $0x380, s30;
	s4 =	sadd.s32 s4, s5;
	v9 =	vmul.f32 $3.200000000e+01, v9;
	v3 =	vld [tilespmem:s16+$0x0]  }
0x14e: {  	s28 =	sadd.s32 $0x4, s28;
	s29 =	sand.u32 $0x40, s21;
	s4 =	sor.u32 s17, s4;
	v6 =	vmul.f32 $3.200000000e+01, v10;
	v7 =	vld [tilespmem:s0+$0x0]  }
0x14f: {  	s19 =	sor.u32 $0x30, s29;
	s30 =	sadd.s32 $0xC200, s4;
	s16 =	sadd.s32 $0x10200, s4;
	v9 =	vadd.f32 v11, v9  }
0x150: {  	s0 =	sor.u32 s29, s30  }
0x151: {  	s22 =	sor.u32 s29, s16;
	v10 =	vld [tilespmem:s0+$0x0]  }
0x152: {  	s4 =	sor.u32 $0x10, s29;
	s25 =	sor.u32 s19, s30;
	v13 =	vld [tilespmem:s22+$0x0]  }
0x153: {  	s7 =	sor.u32 $0x20, s29;
	s5 =	sor.u32 s4, s16;
	s4 =	sor.u32 s4, s30;
	v14 =	vld [tilespmem:s25+$0x0]  }
0x154: {  	s17 =	sor.u32 s7, s30;
	v12 =	vld [tilespmem:s4+$0x0]  }
0x155: {  	v15 =	vld [tilespmem:s17+$0x0]  }
0x156: {  	v4 =	vadd.f32 v4, v8;
	s7 =	sor.u32 s7, s16;
	v11 =	vld [tilespmem:s5+$0x0]  }
0x157: {  	v5 =	vmul.f32 $3.200000000e+01, v5;
	s30 =	sor.u32 s19, s16;
	[tilespmem:s11+$0x0] =	vst v9;
	v9 =	vld [tilespmem:s7+$0x0]  }
0x158: {  	v8 =	vld [tilespmem:s30+$0x0];
	[tilespmem:s9+$0x0] =	vst v4;
	v4 =	vadd.f32 v7, v6;
	v6 =	vmul.f32 $3.200000000e+01, v10  }
0x159: {  	v3 =	vadd.f32 v3, v5;
	v5 =	vmul.f32 $3.200000000e+01, v12  }
0x15a: {  	[tilespmem:s3+$0x0] =	vst v4;
	v4 =	vmul.f32 $3.200000000e+01, v15;
	v6 =	vadd.f32 v13, v6  }
0x15b: {  	[tilespmem:s10+$0x0] =	vst v3;
	v3 =	vadd.f32 v11, v5;
	v5 =	vmul.f32 $3.200000000e+01, v14  }
0x15c: {  	v4 =	vadd.f32 v9, v4;
	[tilespmem:s0+$0x0] =	vst v6  }
0x15d: {  	[tilespmem:s4+$0x0] =	vst v3;
	v3 =	vadd.f32 v8, v5  }
0x15e: {  	[tilespmem:s17+$0x0] =	vst v4  }
0x15f: {  	[tilespmem:s25+$0x0] =	vst v3  }
0x160: {  	s0 =	rddreg [dreg:$0xc]  }
0x161: {  	s28 =	simm.s32 $0xC200;
	s0 =	sadd.s32 s23, s0  }
0x162: {  	[hbm4b:s0+s6] =	stream.linear.scatter [tilespmem:s28], [sflag:$0xA], $0x4000, $0x38;
	[tilespmem:$0x18200] =	vst v63  }
0x163: {  	s0 =	rddreg [dreg:$0xd]  }
0x164: {  	s0 =	sadd.s32 @p0 s2, s0  }
0x165: {  	s5 =	simm.s32 $0x2;
	s0 =	sshll.u32 @p0 s0, $0x7  }
0x166: {  	s3 =	simm.s32 @p0 $0x10200;
	s2 =	simm.s32 @p0 $0x0;
	s0 =	sadd.s32 @p0 s15, s0  }
0x167: {  	[tilespmem:s3], [sflag:$0x1] =	stream.linear.gather @p0 [hbm4b:s0+s2], $0x4000, $0x38;
	[tilespmem:$0x18200] =	vst v63  }
0x168: {  	_ =	swait.ge [sflag:s5], $0x4000  }
0x169: {  	[sflag:s5] =	ssyncset.done $0x0  }
0x16a: {  	s7 =	simm.s32 $0x9;
	[sflag:s5] =	ssyncadd.s32 $0xFFFFC000  }
0x16b: {  	_ =	swait.ge [sflag:s7], $0x4000  }
0x16c: {  	[sflag:s7] =	ssyncset.done $0x0  }
0x16d: {  	[sflag:s7] =	ssyncadd.s32 $0xFFFFC000  }
0x16e: {  	v3 =	vld [tilespmem:s8+$0x100];
	_ =	sdelay $0x4  }
0x16f: {  	v4 =	vshll.u32 v3, $0x3  }
0x170: {  	v3 =	vand.u32 $0x7, v3;
	v4 =	vand.u32 $0xFFFFFFC0, v4  }
0x171: {  	v3 =	vor.u32 v3, v4  }
0x172: {  	v4 =	vperm.xlane v3, v0;
	_ =	sdelay $0x1  }
0x173: {  	v4 =	vadd.s32 v1, v4;
	_ =	sdelay $0x3  }
0x174: {  	s9 =	simm.s32 $0x0;
	s10 =	simm.s32 $0x8200  }
0x175: {  	[tilespmem:s10], [sflag:$0x5] =	stream.indirect_vreg.gather [hbm4b:s1+s9], $0x80, v4, vm0, $0xb8;
	[tilespmem:$0x18200] =	vst v63  }
0x176: {  	s11 =	simm.s32 $0x8A00;
	v3 =	vperm.xlane v3, v2  }
0x177: {  	[tilespmem:s11], [sflag:$0x5] =	stream.indirect_vreg.gather [hbm4b:s12+s9], $0x80, v4, vm0, $0xb8;
	[tilespmem:$0x18200] =	vst v63  }
0x178: {  	s29 =	smov.u32 s15;
	s15 =	simm.s32 $0x9200;
	v3 =	vadd.s32 v1, v3  }
0x179: {  	[tilespmem:s15], [sflag:$0x5] =	stream.indirect_vreg.gather [hbm4b:s13+s9], $0x80, v4, vm0, $0xb8;
	[tilespmem:$0x18200] =	vst v63  }
0x17a: {  	s20 =	simm.s32 $0xB200;
	s16 =	simm.s32 $0x9A00;
	s22 =	simm.s32 $0x0  }
0x17b: {  	[tilespmem:s16], [sflag:$0x5] =	stream.indirect_vreg.gather [hbm4b:s14+s9], $0x80, v4, vm0, $0xb8;
	[tilespmem:$0x18200] =	vst v63  }
0x17c: {  	s21 =	simm.s32 $0xBA00;
	s17 =	simm.s32 $0xA200;
	s2 =	sand.u32 $0xFFFFE000, s22  }
0x17d: {  	[tilespmem:s17], [sflag:$0x5] =	stream.indirect_vreg.gather [hbm4b:s1+s9], $0x80, v3, vm0, $0xb8;
	[tilespmem:$0x18200] =	vst v63  }
0x17e: {  	s19 =	simm.s32 $0xAA00;
	s23 =	simm.s32 $0x0;
	s2 =	ssub.s32 $0x0, s2  }
0x17f: {  	[tilespmem:s19], [sflag:$0x5] =	stream.indirect_vreg.gather [hbm4b:s12+s9], $0x80, v3, vm0, $0xb8;
	[tilespmem:$0x18200] =	vst v63  }
0x180: {  	s25 =	simm.s32 $0x0;
	s3 =	sand.u32 $0x2000, s23;
	s2 =	sand.u32 $0xFFFFFC00, s2  }
0x181: {  	[tilespmem:s20], [sflag:$0x5] =	stream.indirect_vreg.gather [hbm4b:s13+s9], $0x80, v3, vm0, $0xb8;
	[tilespmem:$0x18200] =	vst v63  }
0x182: {  	s30 =	simm.s32 $0x3;
	s4 =	sand.u32 $0x380, s25;
	s2 =	sadd.s32 s2, s3  }
0x183: {  	[tilespmem:s21], [sflag:$0x5] =	stream.indirect_vreg.gather [hbm4b:s14+s9], $0x80, v3, vm0, $0xb8;
	[tilespmem:$0x18200] =	vst v63  }
0x184: {  	s0 =	sand.u32 $0x40, s9;
	s2 =	sor.u32 s4, s2;
	_ =	swait.ge [sflag:s30], $0x4000  }
0x185: {  	s4 =	sadd.s32 $0x14200, s2;
	s7 =	sadd.s32 $0x200, s2;
	[sflag:s30] =	ssyncset.done $0x0  }
0x186: {  	s2 =	sor.u32 s0, s7;
	s11 =	sor.u32 $0x10, s0;
	[sflag:s30] =	ssyncadd.s32 $0xFFFFC000  }
0x187: {  	s10 =	simm.s32 $0x4;
	s16 =	sor.u32 $0x20, s0;
	s9 =	sor.u32 s11, s7;
	v6 =	vld [tilespmem:s2+$0x0]  }
0x188: {  	s5 =	sor.u32 s11, s4;
	s15 =	sor.u32 $0x30, s0;
	s3 =	sor.u32 s16, s7;
	v3 =	vld [tilespmem:s9+$0x0]  }
0x189: {  	s8 =	sor.u32 s15, s7;
	s0 =	sor.u32 s0, s4;
	s20 =	simm.s32 $0x200;
	v7 =	vld [tilespmem:s3+$0x0]  }
0x18a: {  	s22 =	sor.u32 s16, s4;
	s19 =	simm.s32 $0x40;
	s17 =	sand.u32 $0xFFFFE000, s20;
	v9 =	vld [tilespmem:s5+$0x0]  }
0x18b: {  	s4 =	sor.u32 s15, s4;
	s23 =	sand.u32 $0x2000, s19;
	s17 =	ssub.s32 $0x200, s17  }
0x18c: {  	s21 =	simm.s32 $0x8;
	s7 =	simm.s32 $0x200;
	s25 =	sand.u32 $0xFFFFFC00, s17;
	v4 =	vld [tilespmem:s0+$0x0]  }
0x18d: {  	s11 =	simm.s32 $0x40;
	s30 =	sand.u32 $0x380, s21;
	v5 =	vld [tilespmem:s8+$0x0];
	s0 =	sadd.s32 s25, s23;
	v10 =	vmul.f32 $3.200000000e+01, v3  }
0x18e: {  	s21 =	simm.s32 $0x8;
	s23 =	sand.u32 $0x40, s11;
	s0 =	sor.u32 s30, s0;
	v3 =	vld [tilespmem:s4+$0x0]  }
0x18f: {  	s19 =	sor.u32 $0x30, s23;
	s25 =	sadd.s32 $0x200, s0;
	s16 =	sadd.s32 $0x14200, s0;
	v8 =	vmul.f32 $3.200000000e+01, v6;
	v6 =	vmul.f32 $3.200000000e+01, v7;
	v7 =	vld [tilespmem:s22+$0x0];
	v9 =	vadd.f32 v9, v10  }
.LBB2_11:
0x190: {  	s0 =	sor.u32 $0x10, s23  }
0x191: {  	s4 =	sor.u32 $0x20, s23;
	s5 =	smov.u32 s2;
	s2 =	sor.u32 s23, s25  }
0x192: {  	v4 =	vadd.f32 v4, v8;
	s17 =	smov.u32 s8;
	s20 =	smov.u32 s3;
	s10 =	sadd.s32 $0x4, s10  }
0x193: {  	s8 =	sor.u32 s19, s25;
	s23 =	sor.u32 s23, s16;
	v8 =	vld [tilespmem:s2+$0x0];
	[tilespmem:s9+$0x0] =	vst v9;
	s9 =	sor.u32 s0, s25;
	v5 =	vmul.f32 $3.200000000e+01, v5  }
0x194: {  	s7 =	sadd.s32 $0x200, s7;
	s22 =	sshll.u32 s10, $0x4;
	s3 =	sor.u32 s4, s25;
	v9 =	vld [tilespmem:s9+$0x0];
	[tilespmem:s5+$0x0] =	vst v4  }
0x195: {  	s25 =	sshll.u32 s10, $0x1;
	s0 =	sor.u32 s0, s16;
	s5 =	sshll.u32 s21, $0x7;
	v10 =	vld [tilespmem:s3+$0x0];
	v6 =	vadd.f32 v7, v6;
	v3 =	vadd.f32 v3, v5  }
0x196: {  	p2 =	slt.u32 s10, $0x3FC;
	s5 =	sand.u32 $0xFFFFE000, s5;
	v11 =	vld [tilespmem:s0+$0x0];
	s0 =	sor.u32 s4, s16  }
.Ltmp4:
0x197: {  	s4 =	ssub.s32 s7, s5;
	v4 =	vld [tilespmem:s23+$0x0];
	[tilespmem:s17+$0x0] =	vst v3;
	(pc) =	sbr.rel @p2 .LBB2_11-.Ltmp4, $4  }
0x198: {  	s5 =	sand.u32 $0x2000, s22;
	s16 =	sor.u32 s19, s16;
	s4 =	sand.u32 $0xFFFFFC00, s4;
	v8 =	vmul.f32 $3.200000000e+01, v8;
	v5 =	vld [tilespmem:s8+$0x0];
	[tilespmem:s20+$0x0] =	vst v6  }
0x199: {  	s11 =	sadd.s32 $0x40, s11;
	s17 =	sand.u32 $0x380, s25;
	s4 =	sadd.s32 s4, s5;
	v9 =	vmul.f32 $3.200000000e+01, v9;
	v3 =	vld [tilespmem:s16+$0x0]  }
0x19a: {  	s21 =	sadd.s32 $0x4, s21;
	s23 =	sand.u32 $0x40, s11;
	s4 =	sor.u32 s17, s4;
	v6 =	vmul.f32 $3.200000000e+01, v10;
	v7 =	vld [tilespmem:s0+$0x0]  }
0x19b: {  	s19 =	sor.u32 $0x30, s23;
	s25 =	sadd.s32 $0x200, s4;
	s16 =	sadd.s32 $0x14200, s4;
	v9 =	vadd.f32 v11, v9  }
0x19c: {  	s0 =	sor.u32 s23, s25  }
0x19d: {  	s21 =	sor.u32 s23, s16;
	v10 =	vld [tilespmem:s0+$0x0]  }
0x19e: {  	s4 =	sor.u32 $0x10, s23;
	s22 =	sor.u32 s19, s25;
	v13 =	vld [tilespmem:s21+$0x0]  }
0x19f: {  	s7 =	sor.u32 $0x20, s23;
	s5 =	sor.u32 s4, s16;
	s4 =	sor.u32 s4, s25;
	v14 =	vld [tilespmem:s22+$0x0]  }
0x1a0: {  	s10 =	sor.u32 s7, s25;
	v12 =	vld [tilespmem:s4+$0x0]  }
0x1a1: {  	v15 =	vld [tilespmem:s10+$0x0]  }
0x1a2: {  	v4 =	vadd.f32 v4, v8;
	s7 =	sor.u32 s7, s16;
	v11 =	vld [tilespmem:s5+$0x0]  }
0x1a3: {  	s11 =	sor.u32 s19, s16;
	v5 =	vmul.f32 $3.200000000e+01, v5;
	v8 =	vld [tilespmem:s7+$0x0]  }
0x1a4: {  	v16 =	vld [tilespmem:s11+$0x0];
	[tilespmem:s2+$0x0] =	vst v4;
	v4 =	vadd.f32 v7, v6;
	v6 =	vmul.f32 $3.200000000e+01, v10  }
0x1a5: {  	[tilespmem:s9+$0x0] =	vst v9;
	v3 =	vadd.f32 v3, v5;
	v5 =	vmul.f32 $3.200000000e+01, v12  }
0x1a6: {  	[tilespmem:s3+$0x0] =	vst v4;
	v4 =	vmul.f32 $3.200000000e+01, v15;
	v6 =	vadd.f32 v13, v6  }
0x1a7: {  	[tilespmem:s8+$0x0] =	vst v3;
	v3 =	vadd.f32 v11, v5;
	v5 =	vmul.f32 $3.200000000e+01, v14  }
0x1a8: {  	s23 =	sshll.u32 s24, $0x4;
	v4 =	vadd.f32 v8, v4;
	[tilespmem:s0+$0x0] =	vst v6  }
0x1a9: {  	s24 =	sor.u32 s18, s23;
	[tilespmem:s4+$0x0] =	vst v3;
	v3 =	vadd.f32 v16, v5  }
0x1aa: {  	s30 =	smov.u32 s26;
	s25 =	simm.s32 $0x0;
	s2 =	sshll.u32 s24, $0x7;
	[tilespmem:s10+$0x0] =	vst v4  }
0x1ab: {  	s7 =	simm.s32 $0xA;
	s0 =	sadd.s32 s26, s2;
	s26 =	simm.s32 $0x200;
	[tilespmem:s22+$0x0] =	vst v3  }
0x1ac: {  	[hbm4b:s0+s25] =	stream.linear.scatter [tilespmem:s26], [sflag:$0x7], $0x4000, $0x38;
	[tilespmem:$0x18200] =	vst v63  }
0x1ad: {  	_ =	swait.ge [sflag:s7], $0x4000  }
0x1ae: {  	[sflag:s7] =	ssyncset.done $0x0  }
0x1af: {  	[sflag:s7] =	ssyncadd.s32 $0xFFFFC000  }
0x1b0: {  	v3 =	vld [tilespmem:s23+$0x180];
	_ =	sdelay $0x4  }
0x1b1: {  	v4 =	vshll.u32 v3, $0x3  }
0x1b2: {  	v3 =	vand.u32 $0x7, v3;
	v4 =	vand.u32 $0xFFFFFFC0, v4  }
0x1b3: {  	v3 =	vor.u32 v3, v4  }
0x1b4: {  	v4 =	vperm.xlane v3, v0;
	_ =	sdelay $0x1  }
0x1b5: {  	v4 =	vadd.s32 v1, v4;
	_ =	sdelay $0x4  }
0x1b6: {  	[tilespmem:s28], [sflag:$0x6] =	stream.indirect_vreg.gather [hbm4b:s1+s25], $0x80, v4, vm0, $0xb8;
	[tilespmem:$0x18200] =	vst v63  }
0x1b7: {  	s8 =	simm.s32 $0xCA00;
	v3 =	vperm.xlane v3, v2  }
0x1b8: {  	[tilespmem:s8], [sflag:$0x6] =	stream.indirect_vreg.gather [hbm4b:s12+s25], $0x80, v4, vm0, $0xb8;
	[tilespmem:$0x18200] =	vst v63  }
0x1b9: {  	s9 =	simm.s32 $0xD200;
	v3 =	vadd.s32 v1, v3  }
0x1ba: {  	[tilespmem:s9], [sflag:$0x6] =	stream.indirect_vreg.gather [hbm4b:s13+s25], $0x80, v4, vm0, $0xb8;
	[tilespmem:$0x18200] =	vst v63  }
0x1bb: {  	s15 =	smov.u32 s18;
	s10 =	simm.s32 $0xDA00  }
0x1bc: {  	[tilespmem:s10], [sflag:$0x6] =	stream.indirect_vreg.gather [hbm4b:s14+s25], $0x80, v4, vm0, $0xb8;
	[tilespmem:$0x18200] =	vst v63  }
0x1bd: {  	s17 =	simm.s32 $0xF200;
	s19 =	simm.s32 $0x0;
	s11 =	simm.s32 $0xE200  }
0x1be: {  	[tilespmem:s11], [sflag:$0x6] =	stream.indirect_vreg.gather [hbm4b:s1+s25], $0x80, v3, vm0, $0xb8;
	[tilespmem:$0x18200] =	vst v63  }
0x1bf: {  	s20 =	simm.s32 $0x0;
	s16 =	simm.s32 $0xEA00;
	s21 =	simm.s32 $0x0  }
0x1c0: {  	[tilespmem:s16], [sflag:$0x6] =	stream.indirect_vreg.gather [hbm4b:s12+s25], $0x80, v3, vm0, $0xb8;
	[tilespmem:$0x18200] =	vst v63  }
0x1c1: {  	s18 =	simm.s32 $0xFA00;
	s5 =	sand.u32 $0x380, s21;
	s0 =	sand.u32 $0xFFFFE000, s19  }
0x1c2: {  	[tilespmem:s17], [sflag:$0x6] =	stream.indirect_vreg.gather [hbm4b:s13+s25], $0x80, v3, vm0, $0xb8;
	[tilespmem:$0x18200] =	vst v63  }
0x1c3: {  	s3 =	sand.u32 $0x2000, s20;
	s22 =	simm.s32 $0x4;
	s0 =	ssub.s32 $0x0, s0  }
0x1c4: {  	[tilespmem:s18], [sflag:$0x6] =	stream.indirect_vreg.gather [hbm4b:s14+s25], $0x80, v3, vm0, $0xb8;
	[tilespmem:$0x18200] =	vst v63  }
0x1c5: {  	s3 =	sor.u32 s5, s3;
	s0 =	sand.u32 $0xFFFFFC00, s0;
	_ =	swait.ge [sflag:s22], $0x4000  }
0x1c6: {  	s4 =	sand.u32 $0x40, s25;
	s0 =	sadd.s32 s3, s0;
	[sflag:s22] =	ssyncset.done $0x0  }
0x1c7: {  	s3 =	sor.u32 s4, s0;
	[sflag:s22] =	ssyncadd.s32 $0xFFFFC000  }
0x1c8: {  	v10 =	vld [tilespmem:s3+$0x14230]  }
0x1c9: {  	v6 =	vld [tilespmem:s3+$0x14210]  }
0x1ca: {  	s23 =	simm.s32 $0x200;
	v3 =	vld [tilespmem:s3+$0x4230]  }
0x1cb: {  	s24 =	simm.s32 $0x40;
	s0 =	sand.u32 $0xFFFFE000, s23;
	s25 =	simm.s32 $0x8;
	v9 =	vld [tilespmem:s3+$0x4210]  }
0x1cc: {  	s4 =	sand.u32 $0x2000, s24;
	s0 =	ssub.s32 $0x200, s0;
	s5 =	sand.u32 $0x380, s25;
	v62 =	vld [tilespmem:s3+$0x4200]  }
0x1cd: {  	s26 =	simm.s32 $0x40;
	s0 =	sand.u32 $0xFFFFFC00, s0;
	s4 =	sor.u32 s5, s4;
	v7 =	vld [tilespmem:s3+$0x4220]  }
0x1ce: {  	s28 =	sand.u32 $0x40, s26;
	s0 =	sadd.s32 s4, s0;
	v8 =	vld [tilespmem:s3+$0x14200]  }
0x1cf: {  	s8 =	sor.u32 s28, s0;
	v5 =	vld [tilespmem:s3+$0x14220];
	v63 =	vmul.f32 $3.200000000e+01, v3  }
0x1d0: {  	s7 =	simm.s32 $0x4;
	v4 =	vld [tilespmem:s8+$0x14230]  }
0x1d1: {  	s9 =	simm.s32 $0x200;
	s10 =	simm.s32 $0x8;
	s11 =	simm.s32 $0x80;
	v11 =	vmul.f32 $3.200000000e+01, v9;
	v3 =	vld [tilespmem:s8+$0x14210];
	v9 =	vmul.f32 $3.200000000e+01, v62;
	v10 =	vadd.f32 v10, v63  }
.LBB2_13:
0x1d2: {  	s0 =	sshll.u32 s10, $0x7  }
0x1d3: {  	s7 =	sadd.s32 $0x4, s7;
	v12 =	vld [tilespmem:s8+$0x4230];
	s9 =	sadd.s32 $0x200, s9;
	v6 =	vadd.f32 v6, v11;
	v7 =	vmul.f32 $3.200000000e+01, v7;
	s0 =	sand.u32 $0xFFFFE000, s0  }
0x1d4: {  	s4 =	sshll.u32 s7, $0x4;
	s5 =	sshll.u32 s7, $0x1;
	v11 =	vld [tilespmem:s8+$0x4210];
	v8 =	vadd.f32 v8, v9;
	[tilespmem:s3+$0x4230] =	vst v10;
	p2 =	slt.u32 s7, $0x3FC  }
0x1d5: {  	s0 =	ssub.s32 s9, s0;
	s4 =	sand.u32 $0x2000, s4;
	s5 =	sand.u32 $0x380, s5;
	v9 =	vld [tilespmem:s8+$0x4200];
	[tilespmem:s3+$0x4210] =	vst v6;
	v5 =	vadd.f32 v5, v7  }
.Ltmp5:
0x1d6: {  	s0 =	sand.u32 $0xFFFFFC00, s0;
	s4 =	sor.u32 s5, s4;
	v7 =	vld [tilespmem:s8+$0x4220];
	[tilespmem:s3+$0x4200] =	vst v8;
	v10 =	vmov v4;
	(pc) =	sbr.rel @p2 .LBB2_13-.Ltmp5, $4  }
0x1d7: {  	s5 =	sand.u32 $0x40, s11;
	s0 =	sadd.s32 s4, s0;
	v8 =	vld [tilespmem:s8+$0x14200];
	[tilespmem:s3+$0x4220] =	vst v5;
	v6 =	vmov v3  }
0x1d8: {  	s3 =	smov.u32 s8;
	v5 =	vld [tilespmem:s8+$0x14220];
	v12 =	vmul.f32 $3.200000000e+01, v12;
	s8 =	sor.u32 s5, s0  }
0x1d9: {  	v4 =	vld [tilespmem:s8+$0x14230];
	v11 =	vmul.f32 $3.200000000e+01, v11  }
0x1da: {  	s10 =	sadd.s32 $0x4, s10;
	s11 =	sadd.s32 $0x40, s11;
	v3 =	vld [tilespmem:s8+$0x14210];
	v9 =	vmul.f32 $3.200000000e+01, v9;
	v10 =	vadd.f32 v10, v12  }
0x1db: {  	v12 =	vld [tilespmem:s8+$0x4230]  }
0x1dc: {  	v13 =	vld [tilespmem:s8+$0x4210]  }
0x1dd: {  	v14 =	vld [tilespmem:s8+$0x4200]  }
0x1de: {  	v15 =	vld [tilespmem:s8+$0x4220]  }
0x1df: {  	v6 =	vadd.f32 v6, v11;
	v7 =	vmul.f32 $3.200000000e+01, v7;
	v11 =	vld [tilespmem:s8+$0x14200]  }
0x1e0: {  	v8 =	vadd.f32 v8, v9;
	[tilespmem:s3+$0x4230] =	vst v10;
	v9 =	vld [tilespmem:s8+$0x14220];
	v10 =	vmul.f32 $3.200000000e+01, v12  }
0x1e1: {  	[tilespmem:s3+$0x4210] =	vst v6;
	v5 =	vadd.f32 v5, v7;
	v6 =	vmul.f32 $3.200000000e+01, v13  }
0x1e2: {  	[tilespmem:s3+$0x4200] =	vst v8;
	v7 =	vmul.f32 $3.200000000e+01, v14;
	v4 =	vadd.f32 v4, v10  }
0x1e3: {  	[tilespmem:s3+$0x4220] =	vst v5;
	v5 =	vmul.f32 $3.200000000e+01, v15;
	v3 =	vadd.f32 v3, v6  }
0x1e4: {  	v6 =	vadd.f32 v11, v7;
	[tilespmem:s8+$0x4230] =	vst v4  }
0x1e5: {  	[tilespmem:s8+$0x4210] =	vst v3;
	v3 =	vadd.f32 v9, v5  }
0x1e6: {  	s0 =	sor.u32 $0x40000, s2;
	[tilespmem:s8+$0x4200] =	vst v6  }
0x1e7: {  	s10 =	simm.s32 $0x4200;
	s0 =	sadd.s32 s30, s0;
	[tilespmem:s8+$0x4220] =	vst v3  }
0x1e8: {  	[hbm4b:s0+s6] =	stream.linear.scatter [tilespmem:s10], [sflag:$0x8], $0x4000, $0x38;
	[tilespmem:$0x18200] =	vst v63  }
0x1e9: {  	s0 =	simm.s32 @!p1 $0x7  }
0x1ea: {  	s8 =	sadd.s32 $0x2, s31;
	_ =	swait.ge @!p1 [sflag:s0], $0x4000  }
0x1eb: {  	s3 =	sshll.u32 @!p1 s8, $0x4;
	[sflag:s0] =	ssyncset.done @!p1 $0x0  }
0x1ec: {  	[sflag:s0] =	ssyncadd.s32 @!p1 $0xFFFFC000;
	s0 =	sand.u32 @!p1 $0x3FFFFFF0, s3  }
0x1ed: {  	v3 =	vld @!p1 [tilespmem:s0+$0x0];
	_ =	sdelay $0x4  }
0x1ee: {  	v4 =	vshll.u32 @!p1 v3, $0x3  }
0x1ef: {  	v5 =	vlaneseq.u32 @!p1;
	v3 =	vand.u32 @!p1 $0x7, v3;
	v4 =	vand.u32 @!p1 $0xFFFFFFC0, v4  }
0x1f0: {  	v6 =	vshrl.u32 @!p1 v5, $0x3;
	v3 =	vor.u32 @!p1 v3, v4;
	v4 =	vand.u32 @!p1 $0x7, v5  }
0x1f1: {  	v6 =	vmul.u32 @!p1 $0x8, v6;
	v4 =	vperm.xlane @!p1 v3, v4;
	_ =	sdelay $0x1  }
0x1f2: {  	v4 =	vadd.s32 @!p1 v6, v4;
	_ =	sdelay $0x3  }
0x1f3: {  	vm1 =	vmmov @!p1 $0xffff;
	s3 =	simm.s32 @!p1 $0x200;
	s0 =	simm.s32 @!p1 $0x0  }
0x1f4: {  	v5 =	vor.u32 @!p1 $0x8, v5;
	[tilespmem:s3], [sflag:$0x3] =	stream.indirect_vreg.gather @!p1 [hbm4b:s1+s0], $0x80, v4, vm1, $0xb8;
	[tilespmem:$0x18200] =	vst v63  }
0x1f5: {  	v3 =	vperm.xlane @!p1 v3, v5;
	s3 =	simm.s32 @!p1 $0xA00  }
0x1f6: {  	[tilespmem:s3], [sflag:$0x3] =	stream.indirect_vreg.gather @!p1 [hbm4b:s12+s0], $0x80, v4, vm1, $0xb8;
	[tilespmem:$0x18200] =	vst v63  }
0x1f7: {  	v3 =	vadd.s32 @!p1 v6, v3;
	s3 =	simm.s32 @!p1 $0x1200  }
0x1f8: {  	[tilespmem:s3], [sflag:$0x3] =	stream.indirect_vreg.gather @!p1 [hbm4b:s13+s0], $0x80, v4, vm1, $0xb8;
	[tilespmem:$0x18200] =	vst v63  }
0x1f9: {  	s3 =	simm.s32 @!p1 $0x1A00  }
0x1fa: {  	[tilespmem:s3], [sflag:$0x3] =	stream.indirect_vreg.gather @!p1 [hbm4b:s14+s0], $0x80, v4, vm1, $0xb8;
	[tilespmem:$0x18200] =	vst v63  }
0x1fb: {  	s3 =	simm.s32 @!p1 $0x2200  }
0x1fc: {  	[tilespmem:s3], [sflag:$0x3] =	stream.indirect_vreg.gather @!p1 [hbm4b:s1+s0], $0x80, v3, vm1, $0xb8;
	[tilespmem:$0x18200] =	vst v63  }
0x1fd: {  	s3 =	simm.s32 @!p1 $0x2A00  }
0x1fe: {  	[tilespmem:s3], [sflag:$0x3] =	stream.indirect_vreg.gather @!p1 [hbm4b:s12+s0], $0x80, v3, vm1, $0xb8;
	[tilespmem:$0x18200] =	vst v63  }
0x1ff: {  	s3 =	simm.s32 @!p1 $0x3200  }
0x200: {  	[tilespmem:s3], [sflag:$0x3] =	stream.indirect_vreg.gather @!p1 [hbm4b:s13+s0], $0x80, v3, vm1, $0xb8;
	[tilespmem:$0x18200] =	vst v63  }
0x201: {  	s11 =	simm.s32 $0x0;
	s3 =	simm.s32 @!p1 $0x3A00  }
0x202: {  	[tilespmem:s3], [sflag:$0x3] =	stream.indirect_vreg.gather @!p1 [hbm4b:s14+s0], $0x80, v3, vm1, $0xb8;
	[tilespmem:$0x18200] =	vst v63  }
0x203: {  	s0 =	sand.u32 $0xFFFFE000, s11  }
0x204: {  	s16 =	simm.s32 $0x0;
	s4 =	simm.s32 $0x0;
	s0 =	ssub.s32 $0x0, s0  }
0x205: {  	s5 =	simm.s32 $0x5;
	s3 =	sand.u32 $0x2000, s16;
	s0 =	sand.u32 $0xFFFFFC00, s0  }
0x206: {  	s17 =	simm.s32 $0x0;
	s4 =	sand.u32 $0x380, s4;
	s0 =	sadd.s32 s0, s3  }
0x207: {  	s23 =	simm.s32 $0x4;
	_ =	swait.ge [sflag:s5], $0x4000;
	s0 =	sor.u32 s4, s0  }
0x208: {  	s18 =	sand.u32 $0x40, s17;
	[sflag:s5] =	ssyncset.done $0x0;
	s20 =	sadd.s32 $0x8200, s0  }
0x209: {  	s21 =	sor.u32 $0x10, s18;
	[sflag:s5] =	ssyncadd.s32 $0xFFFFC000;
	s9 =	sor.u32 s18, s20  }
0x20a: {  	s19 =	simm.s32 $0x200;
	s7 =	sor.u32 $0x20, s18;
	s11 =	sor.u32 s21, s20;
	v6 =	vld [tilespmem:s9+$0x0]  }
0x20b: {  	s19 =	sand.u32 $0xFFFFE000, s19;
	s0 =	sadd.s32 $0x14200, s0;
	s3 =	sor.u32 s7, s20;
	v3 =	vld [tilespmem:s11+$0x0]  }
0x20c: {  	s17 =	simm.s32 $0x40;
	s19 =	ssub.s32 $0x200, s19;
	s5 =	sor.u32 s21, s0;
	v7 =	vld [tilespmem:s3+$0x0]  }
0x20d: {  	s24 =	sand.u32 $0x2000, s17;
	s25 =	sand.u32 $0xFFFFFC00, s19;
	s16 =	sor.u32 $0x30, s18;
	v9 =	vld [tilespmem:s5+$0x0]  }
0x20e: {  	s10 =	sor.u32 s16, s20;
	s4 =	sor.u32 s18, s0;
	s20 =	simm.s32 $0x8  }
0x20f: {  	s22 =	sor.u32 s7, s0;
	s7 =	simm.s32 $0x200;
	s0 =	sor.u32 s16, s0;
	v4 =	vld [tilespmem:s4+$0x0]  }
0x210: {  	s21 =	simm.s32 $0x40;
	v5 =	vld [tilespmem:s10+$0x0];
	s26 =	sand.u32 $0x380, s20;
	s4 =	sadd.s32 s25, s24;
	v10 =	vmul.f32 $3.200000000e+01, v3  }
0x211: {  	s25 =	sand.u32 $0x40, s21;
	s24 =	simm.s32 $0x8;
	s31 =	sor.u32 s26, s4;
	v3 =	vld [tilespmem:s0+$0x0]  }
0x212: {  	s19 =	sor.u32 $0x30, s25;
	s28 =	sadd.s32 $0x8200, s31;
	s16 =	sadd.s32 $0x14200, s31;
	v8 =	vmul.f32 $3.200000000e+01, v6;
	v6 =	vmul.f32 $3.200000000e+01, v7;
	v7 =	vld [tilespmem:s22+$0x0];
	v9 =	vadd.f32 v9, v10  }
.LBB2_15:
0x213: {  	s0 =	sor.u32 $0x10, s25  }
0x214: {  	s4 =	sor.u32 $0x20, s25;
	s5 =	smov.u32 s9;
	s9 =	sor.u32 s25, s28  }
0x215: {  	v4 =	vadd.f32 v4, v8;
	s17 =	smov.u32 s10;
	s20 =	smov.u32 s3;
	s23 =	sadd.s32 $0x4, s23  }
0x216: {  	s10 =	sor.u32 s19, s28;
	s25 =	sor.u32 s25, s16;
	v8 =	vld [tilespmem:s9+$0x0];
	[tilespmem:s11+$0x0] =	vst v9;
	s11 =	sor.u32 s0, s28;
	v5 =	vmul.f32 $3.200000000e+01, v5  }
0x217: {  	s7 =	sadd.s32 $0x200, s7;
	s22 =	sshll.u32 s23, $0x4;
	s3 =	sor.u32 s4, s28;
	v9 =	vld [tilespmem:s11+$0x0];
	[tilespmem:s5+$0x0] =	vst v4  }
0x218: {  	s28 =	sshll.u32 s23, $0x1;
	s0 =	sor.u32 s0, s16;
	s5 =	sshll.u32 s24, $0x7;
	v10 =	vld [tilespmem:s3+$0x0];
	v6 =	vadd.f32 v7, v6;
	v3 =	vadd.f32 v3, v5  }
0x219: {  	p1 =	slt.u32 s23, $0x3FC;
	s5 =	sand.u32 $0xFFFFE000, s5;
	v11 =	vld [tilespmem:s0+$0x0];
	s0 =	sor.u32 s4, s16  }
.Ltmp6:
0x21a: {  	s4 =	ssub.s32 s7, s5;
	v4 =	vld [tilespmem:s25+$0x0];
	[tilespmem:s17+$0x0] =	vst v3;
	(pc) =	sbr.rel @p1 .LBB2_15-.Ltmp6, $4  }
0x21b: {  	s5 =	sand.u32 $0x2000, s22;
	s16 =	sor.u32 s19, s16;
	s4 =	sand.u32 $0xFFFFFC00, s4;
	v8 =	vmul.f32 $3.200000000e+01, v8;
	v5 =	vld [tilespmem:s10+$0x0];
	[tilespmem:s20+$0x0] =	vst v6  }
0x21c: {  	s21 =	sadd.s32 $0x40, s21;
	s17 =	sand.u32 $0x380, s28;
	s4 =	sadd.s32 s4, s5;
	v9 =	vmul.f32 $3.200000000e+01, v9;
	v3 =	vld [tilespmem:s16+$0x0]  }
0x21d: {  	s24 =	sadd.s32 $0x4, s24;
	s25 =	sand.u32 $0x40, s21;
	s4 =	sor.u32 s17, s4;
	v6 =	vmul.f32 $3.200000000e+01, v10;
	v7 =	vld [tilespmem:s0+$0x0]  }
0x21e: {  	s19 =	sor.u32 $0x30, s25;
	s28 =	sadd.s32 $0x8200, s4;
	s16 =	sadd.s32 $0x14200, s4;
	v9 =	vadd.f32 v11, v9  }
0x21f: {  	s0 =	sor.u32 s25, s28  }
0x220: {  	s4 =	sor.u32 $0x10, s25;
	s20 =	sor.u32 s19, s28;
	v10 =	vld [tilespmem:s0+$0x0]  }
0x221: {  	s5 =	sor.u32 $0x20, s25;
	s7 =	sor.u32 s4, s28;
	v14 =	vld [tilespmem:s20+$0x0]  }
0x222: {  	s17 =	sor.u32 s5, s28;
	v11 =	vld [tilespmem:s7+$0x0]  }
0x223: {  	s28 =	sor.u32 s25, s16;
	v12 =	vld [tilespmem:s17+$0x0]  }
0x224: {  	s4 =	sor.u32 s4, s16;
	v15 =	vld [tilespmem:s28+$0x0]  }
0x225: {  	v4 =	vadd.f32 v4, v8;
	s5 =	sor.u32 s5, s16;
	v13 =	vld [tilespmem:s4+$0x0]  }
0x226: {  	s31 =	sor.u32 s19, s16;
	v5 =	vmul.f32 $3.200000000e+01, v5;
	[tilespmem:s11+$0x0] =	vst v9;
	v9 =	vld [tilespmem:s5+$0x0]  }
0x227: {  	v8 =	vld [tilespmem:s31+$0x0];
	[tilespmem:s9+$0x0] =	vst v4;
	v4 =	vadd.f32 v7, v6;
	v6 =	vmul.f32 $3.200000000e+01, v10  }
0x228: {  	v3 =	vadd.f32 v3, v5;
	v5 =	vmul.f32 $3.200000000e+01, v11  }
0x229: {  	[tilespmem:s3+$0x0] =	vst v4;
	v4 =	vmul.f32 $3.200000000e+01, v12;
	v6 =	vadd.f32 v15, v6  }
0x22a: {  	[tilespmem:s10+$0x0] =	vst v3;
	v3 =	vadd.f32 v13, v5;
	v5 =	vmul.f32 $3.200000000e+01, v14  }
0x22b: {  	v4 =	vadd.f32 v9, v4;
	[tilespmem:s0+$0x0] =	vst v6  }
0x22c: {  	[tilespmem:s7+$0x0] =	vst v3;
	v3 =	vadd.f32 v8, v5  }
0x22d: {  	s18 =	sor.u32 $0x80000, s2;
	[tilespmem:s17+$0x0] =	vst v4  }
0x22e: {  	s19 =	simm.s32 $0x8200;
	s0 =	sadd.s32 s30, s18;
	[tilespmem:s20+$0x0] =	vst v3  }
0x22f: {  	[hbm4b:s0+s6] =	stream.linear.scatter [tilespmem:s19], [sflag:$0x9], $0x4000, $0x38;
	[tilespmem:$0x18200] =	vst v63  }
0x230: {  	s0 =	simm.s32 @p0 $0x8  }
0x231: {  	_ =	swait.ge @p0 [sflag:s0], $0x4000  }
0x232: {  	s3 =	sshll.u32 @p0 s8, $0x4;
	[sflag:s0] =	ssyncset.done @p0 $0x0  }
0x233: {  	[sflag:s0] =	ssyncadd.s32 @p0 $0xFFFFC000;
	s0 =	sand.u32 @p0 $0x3FFFFFF0, s3  }
0x234: {  	v3 =	vld @p0 [tilespmem:s0+$0x80];
	_ =	sdelay $0x4  }
0x235: {  	v4 =	vshll.u32 @p0 v3, $0x3  }
0x236: {  	v5 =	vlaneseq.u32 @p0;
	v3 =	vand.u32 @p0 $0x7, v3;
	v4 =	vand.u32 @p0 $0xFFFFFFC0, v4  }
0x237: {  	v6 =	vshrl.u32 @p0 v5, $0x3;
	v3 =	vor.u32 @p0 v3, v4;
	v4 =	vand.u32 @p0 $0x7, v5  }
0x238: {  	v6 =	vmul.u32 @p0 $0x8, v6;
	v4 =	vperm.xlane @p0 v3, v4;
	_ =	sdelay $0x1  }
0x239: {  	v4 =	vadd.s32 @p0 v6, v4;
	_ =	sdelay $0x3  }
0x23a: {  	vm1 =	vmmov @p0 $0xffff;
	s3 =	simm.s32 @p0 $0x4200;
	s0 =	simm.s32 @p0 $0x0  }
0x23b: {  	v5 =	vor.u32 @p0 $0x8, v5;
	[tilespmem:s3], [sflag:$0x4] =	stream.indirect_vreg.gather @p0 [hbm4b:s1+s0], $0x80, v4, vm1, $0xb8;
	[tilespmem:$0x18200] =	vst v63  }
0x23c: {  	v3 =	vperm.xlane @p0 v3, v5;
	s3 =	simm.s32 @p0 $0x4A00  }
0x23d: {  	[tilespmem:s3], [sflag:$0x4] =	stream.indirect_vreg.gather @p0 [hbm4b:s12+s0], $0x80, v4, vm1, $0xb8;
	[tilespmem:$0x18200] =	vst v63  }
0x23e: {  	v3 =	vadd.s32 @p0 v6, v3;
	s3 =	simm.s32 @p0 $0x5200  }
0x23f: {  	[tilespmem:s3], [sflag:$0x4] =	stream.indirect_vreg.gather @p0 [hbm4b:s13+s0], $0x80, v4, vm1, $0xb8;
	[tilespmem:$0x18200] =	vst v63  }
0x240: {  	s3 =	simm.s32 @p0 $0x5A00  }
0x241: {  	[tilespmem:s3], [sflag:$0x4] =	stream.indirect_vreg.gather @p0 [hbm4b:s14+s0], $0x80, v4, vm1, $0xb8;
	[tilespmem:$0x18200] =	vst v63  }
0x242: {  	s3 =	simm.s32 @p0 $0x6200  }
0x243: {  	[tilespmem:s3], [sflag:$0x4] =	stream.indirect_vreg.gather @p0 [hbm4b:s1+s0], $0x80, v3, vm1, $0xb8;
	[tilespmem:$0x18200] =	vst v63  }
0x244: {  	s3 =	simm.s32 @p0 $0x6A00  }
0x245: {  	[tilespmem:s3], [sflag:$0x4] =	stream.indirect_vreg.gather @p0 [hbm4b:s12+s0], $0x80, v3, vm1, $0xb8;
	[tilespmem:$0x18200] =	vst v63  }
0x246: {  	s3 =	simm.s32 @p0 $0x7200  }
0x247: {  	[tilespmem:s3], [sflag:$0x4] =	stream.indirect_vreg.gather @p0 [hbm4b:s13+s0], $0x80, v3, vm1, $0xb8;
	[tilespmem:$0x18200] =	vst v63  }
0x248: {  	s20 =	simm.s32 $0x0;
	s3 =	simm.s32 @p0 $0x7A00  }
0x249: {  	[tilespmem:s3], [sflag:$0x4] =	stream.indirect_vreg.gather @p0 [hbm4b:s14+s0], $0x80, v3, vm1, $0xb8;
	[tilespmem:$0x18200] =	vst v63  }
0x24a: {  	s0 =	sand.u32 $0xFFFFE000, s20  }
0x24b: {  	s21 =	simm.s32 $0x0;
	s22 =	simm.s32 $0x0;
	s0 =	ssub.s32 $0x0, s0  }
0x24c: {  	s23 =	simm.s32 $0x6;
	s3 =	sand.u32 $0x2000, s21;
	s0 =	sand.u32 $0xFFFFFC00, s0  }
0x24d: {  	s24 =	simm.s32 $0x0;
	s4 =	sand.u32 $0x380, s22;
	s0 =	sadd.s32 s0, s3  }
0x24e: {  	s25 =	sand.u32 $0x40, s24;
	_ =	swait.ge [sflag:s23], $0x4000;
	s0 =	sor.u32 s4, s0  }
0x24f: {  	s11 =	simm.s32 $0x4;
	[sflag:s23] =	ssyncset.done $0x0;
	s26 =	sadd.s32 $0xC200, s0  }
0x250: {  	s28 =	sor.u32 $0x10, s25;
	[sflag:s23] =	ssyncadd.s32 $0xFFFFC000;
	s8 =	sor.u32 s25, s26  }
0x251: {  	s31 =	sor.u32 $0x30, s25;
	s17 =	sor.u32 $0x20, s25;
	s10 =	sor.u32 s28, s26;
	v6 =	vld [tilespmem:s8+$0x0]  }
0x252: {  	s20 =	simm.s32 $0x200;
	s0 =	sadd.s32 $0x14200, s0;
	s3 =	sor.u32 s17, s26;
	v3 =	vld [tilespmem:s10+$0x0]  }
0x253: {  	s18 =	simm.s32 $0x40;
	s19 =	sand.u32 $0xFFFFE000, s20;
	s5 =	sor.u32 s28, s0;
	v7 =	vld [tilespmem:s3+$0x0]  }
0x254: {  	s7 =	simm.s32 $0x200;
	s21 =	simm.s32 $0x8;
	s19 =	ssub.s32 $0x200, s19;
	v9 =	vld [tilespmem:s5+$0x0]  }
0x255: {  	s9 =	sor.u32 s31, s26;
	s4 =	sor.u32 s25, s0;
	s22 =	sor.u32 s17, s0  }
0x256: {  	s25 =	sand.u32 $0x2000, s18;
	s26 =	sand.u32 $0xFFFFFC00, s19;
	s0 =	sor.u32 s31, s0;
	v4 =	vld [tilespmem:s4+$0x0]  }
0x257: {  	s28 =	sand.u32 $0x380, s21;
	s21 =	simm.s32 $0x40;
	v5 =	vld [tilespmem:s9+$0x0];
	s4 =	sadd.s32 s26, s25;
	v10 =	vmul.f32 $3.200000000e+01, v3  }
0x258: {  	s23 =	simm.s32 $0x8;
	s24 =	sand.u32 $0x40, s21;
	s31 =	sor.u32 s28, s4;
	v3 =	vld [tilespmem:s0+$0x0]  }
0x259: {  	s19 =	sor.u32 $0x30, s24;
	s25 =	sadd.s32 $0xC200, s31;
	s16 =	sadd.s32 $0x14200, s31;
	v8 =	vmul.f32 $3.200000000e+01, v6;
	v6 =	vmul.f32 $3.200000000e+01, v7;
	v7 =	vld [tilespmem:s22+$0x0];
	v9 =	vadd.f32 v9, v10  }
.LBB2_17:
0x25a: {  	s0 =	sor.u32 $0x10, s24  }
0x25b: {  	s4 =	sor.u32 $0x20, s24;
	s5 =	smov.u32 s8;
	s8 =	sor.u32 s24, s25  }
0x25c: {  	v4 =	vadd.f32 v4, v8;
	s17 =	smov.u32 s9;
	s20 =	smov.u32 s3;
	s11 =	sadd.s32 $0x4, s11  }
0x25d: {  	s9 =	sor.u32 s19, s25;
	s24 =	sor.u32 s24, s16;
	v8 =	vld [tilespmem:s8+$0x0];
	[tilespmem:s10+$0x0] =	vst v9;
	s10 =	sor.u32 s0, s25;
	v5 =	vmul.f32 $3.200000000e+01, v5  }
0x25e: {  	s7 =	sadd.s32 $0x200, s7;
	s22 =	sshll.u32 s11, $0x4;
	s3 =	sor.u32 s4, s25;
	v9 =	vld [tilespmem:s10+$0x0];
	[tilespmem:s5+$0x0] =	vst v4  }
0x25f: {  	s25 =	sshll.u32 s11, $0x1;
	s0 =	sor.u32 s0, s16;
	s5 =	sshll.u32 s23, $0x7;
	v10 =	vld [tilespmem:s3+$0x0];
	v6 =	vadd.f32 v7, v6;
	v3 =	vadd.f32 v3, v5  }
0x260: {  	p1 =	slt.u32 s11, $0x3FC;
	s5 =	sand.u32 $0xFFFFE000, s5;
	v11 =	vld [tilespmem:s0+$0x0];
	s0 =	sor.u32 s4, s16  }
.Ltmp7:
0x261: {  	s4 =	ssub.s32 s7, s5;
	v4 =	vld [tilespmem:s24+$0x0];
	[tilespmem:s17+$0x0] =	vst v3;
	(pc) =	sbr.rel @p1 .LBB2_17-.Ltmp7, $4  }
0x262: {  	s5 =	sand.u32 $0x2000, s22;
	s16 =	sor.u32 s19, s16;
	s4 =	sand.u32 $0xFFFFFC00, s4;
	v8 =	vmul.f32 $3.200000000e+01, v8;
	v5 =	vld [tilespmem:s9+$0x0];
	[tilespmem:s20+$0x0] =	vst v6  }
0x263: {  	s21 =	sadd.s32 $0x40, s21;
	s17 =	sand.u32 $0x380, s25;
	s4 =	sadd.s32 s4, s5;
	v9 =	vmul.f32 $3.200000000e+01, v9;
	v3 =	vld [tilespmem:s16+$0x0]  }
0x264: {  	s23 =	sadd.s32 $0x4, s23;
	s24 =	sand.u32 $0x40, s21;
	s4 =	sor.u32 s17, s4;
	v6 =	vmul.f32 $3.200000000e+01, v10;
	v7 =	vld [tilespmem:s0+$0x0]  }
0x265: {  	s19 =	sor.u32 $0x30, s24;
	s25 =	sadd.s32 $0xC200, s4;
	s16 =	sadd.s32 $0x14200, s4;
	v9 =	vadd.f32 v11, v9  }
0x266: {  	s0 =	sor.u32 s24, s25  }
0x267: {  	s17 =	sor.u32 s19, s25;
	v10 =	vld [tilespmem:s0+$0x0]  }
0x268: {  	s4 =	sor.u32 $0x10, s24;
	s28 =	sor.u32 s24, s16;
	v14 =	vld [tilespmem:s17+$0x0]  }
0x269: {  	s5 =	sor.u32 $0x20, s24;
	s7 =	sor.u32 s4, s25;
	v15 =	vld [tilespmem:s28+$0x0]  }
0x26a: {  	s11 =	sor.u32 s5, s25;
	v11 =	vld [tilespmem:s7+$0x0]  }
0x26b: {  	s4 =	sor.u32 s4, s16;
	v12 =	vld [tilespmem:s11+$0x0]  }
0x26c: {  	v5 =	vmul.f32 $3.200000000e+01, v5;
	s5 =	sor.u32 s5, s16;
	v13 =	vld [tilespmem:s4+$0x0]  }
0x26d: {  	s31 =	sor.u32 s19, s16;
	v4 =	vadd.f32 v4, v8;
	v59 =	vld [tilespmem:s5+$0x0]  }
0x26e: {  	v57 =	vld [tilespmem:s31+$0x0];
	[tilespmem:s10+$0x0] =	vst v9;
	v3 =	vadd.f32 v3, v5;
	v61 =	vmul.f32 $3.200000000e+01, v10  }
0x26f: {  	[tilespmem:s8+$0x0] =	vst v4;
	v60 =	vadd.f32 v7, v6;
	v58 =	vmul.f32 $3.200000000e+01, v11  }
0x270: {  	[tilespmem:s9+$0x0] =	vst v3;
	v63 =	vmul.f32 $3.200000000e+01, v12;
	v6 =	vadd.f32 v15, v61  }
0x271: {  	[tilespmem:s3+$0x0] =	vst v60;
	v62 =	vmul.f32 $3.200000000e+01, v14;
	v3 =	vadd.f32 v13, v58  }
0x272: {  	v4 =	vadd.f32 v59, v63;
	[tilespmem:s0+$0x0] =	vst v6  }
0x273: {  	[tilespmem:s7+$0x0] =	vst v3;
	v3 =	vadd.f32 v57, v62  }
.Ltmp8:
0x274: {  	[tilespmem:s11+$0x0] =	vst v4;
	(pc) =	sbr.rel @p0 .LBB2_2-.Ltmp8, $4  }
0x275: {  	[tilespmem:s17+$0x0] =	vst v3  }
0x276: {  	p1 =	por $0x1, $0x1;
	p2 =	por $0x0, $0x0;
	s0 =	rddreg [dreg:$0xc]  }
0x277: {  	s4 =	simm.s32 $0xC200;
	s7 =	simm.s32 $0x1;
	s0 =	sadd.s32 s2, s0  }
0x278: {  	[hbm4b:s0+s6] =	stream.linear.scatter [tilespmem:s4], [sflag:$0xA], $0x4000, $0x38;
	[tilespmem:$0x18200] =	vst v63  }
0x279: {  	s0 =	simm.s32 $0x7  }
0x27a: {  	_ =	swait.ge [sflag:s0], $0x4000  }
0x27b: {  	[sflag:s0] =	ssyncset.done $0x0  }
0x27c: {  	s26 =	simm.s32 $0x8;
	[sflag:s0] =	ssyncadd.s32 $0xFFFFC000  }
0x27d: {  	_ =	swait.ge [sflag:s26], $0x4000  }
0x27e: {  	[sflag:s26] =	ssyncset.done $0x0  }
0x27f: {  	s28 =	simm.s32 $0x9;
	[sflag:s26] =	ssyncadd.s32 $0xFFFFC000  }
0x280: {  	_ =	swait.ge [sflag:s28], $0x4000  }
0x281: {  	[sflag:s28] =	ssyncset.done $0x0  }
0x282: {  	s2 =	simm.s32 $0xA;
	[sflag:s28] =	ssyncadd.s32 $0xFFFFC000  }
0x283: {  	_ =	swait.ge [sflag:s2], $0x4000  }
0x284: {  	s3 =	rddreg [dreg:$0xf]  }
0x285: {  	s31 =	rddreg [dreg:$0xe];
	s3 =	sadd.s32 $0x1, s3  }
0x286: {  	p0 =	sne.s32 s3, s31  }
.Ltmp9:
0x287: {  	_ = 	snop;
	(pc) =	sbr.rel @p0 .LBB2_1-.Ltmp9, $3  }
0x288: {  	_ =	sdelay $0x1  }
0x289: {  	[sflag:s2] =	ssyncset.done $0x0  }
0x28a: {  	[sflag:s2] =	ssyncadd.s32 $0xFFFFC000  }
0x28b: {  	_ =	sfence.sel $0x180000  }
0x28c: {  	[bflag:$0x0] =	sbarrier.arrive $0xFFFF  }
0x28d: {  	_ =	strace $0x90000047  }
0x28e: {  	s0 =	stileid.u32;
	[bflag:$0x2] =	sbarrier.arrive $0xFFFF  }
0x28f: {  	p0 =	sne.s32 s0, $0x0;
	s0 =	rddreg [dreg:$0x4]  }
0x290: {  	s0 =	sadd.s32 @!p0 $0x100000, s0  }
0x291: {  	[sflag:s0] =	ssyncadd.tile.s32 @!p0 $0x1;
	_ =	shalt  }
.Lfunc_end2:
_tile_overlayer_lowered:
.L_overlay_start_2:
0x292: {  	(tag) =	ssettag $0x2  }
0x293: {  	s0 =	rddreg [dreg:$0x0];
	s2 =	stileid.u32  }
0x294: {  	s1 =	rddreg [dreg:$0x1];
	p0 =	sne.s32 s2, $0x0  }
0x295: {  	s3 =	rddreg [dreg:$0x2];
	[bflag:$0x3] =	sbarrier.arrive $0xFFFF;
	s2 =	simm.s32 @!p0 $0x1C0B  }
0x296: {  	[timem:s3], [sflag:s2] =	dma.local @!p0 [hbm:s0], s1  }
0x297: {  	s0 =	simm.s32 @!p0 $0xB  }
0x298: {  	_ =	swait.ge @!p0 [sflag:s0], s1  }
0x299: {  	s1 =	ssub.s32 @!p0 $0x0, s1;
	[sflag:s0] =	ssyncset.done @!p0 $0x0  }
0x29a: {  	[sflag:s0] =	ssyncadd.s32 @!p0 s1  }
0x29b: {  	[bflag:$0x3] =	sbarrier.arrive $0xFFFF  }
0x29c: {  	_ =	shalt  }

</sc_bundles>
